<compile_context>
chip_gen: v7x
topology: tpu7x:2x2x1
jax: 0.10.2.dev20260603
libtpu: 0.0.44.dev20260713+nightly
codegen_flags: <defaults>
</compile_context>

<pallas_src>
import functools

import jax
import jax.numpy as jnp
from jax import lax
from jax.experimental import pallas as pl
from jax.experimental.pallas import tpu as pltpu
from jax.experimental.pallas import tpu_sc as plsc

N = 10000
D = 128
E = 320000
NC = 2
NS = 16
NW = NC * NS
CH = 96
NCH = 106
EPW = NCH * CH
PADE = NW * EPW
ACC_ROWS = 10112
ROWS_PT = ACC_ROWS // NS
OUT_PT = 624
OUT_REM = N - NS * OUT_PT


def _sc_agg_body(do_gather, x_hbm, srcp_hbm, dstp_hbm, out_hbm,
                 sv0, sv1, dv0, dv1, r0, r1, acc, si0, si1, sg0, sg1):
    sv = (sv0, sv1)
    dv = (dv0, dv1)
    rows = (r0, r1)
    si = (si0, si1)
    sg = (sg0, sg1)
    cid = lax.axis_index("c")
    sid = lax.axis_index("s")
    base = (cid * NS + sid) * EPW
    zero16 = jnp.zeros((16,), jnp.float32)

    def idx_load(j, b):
        off = base + j * CH
        pltpu.async_copy(srcp_hbm.at[pl.ds(off, CH)], sv[b], si[b])
        pltpu.async_copy(dstp_hbm.at[pl.ds(off, CH)], dv[b], si[b])

    def idx_wait(j, b):
        off = base + j * CH
        pltpu.make_async_copy(srcp_hbm.at[pl.ds(off, CH)], sv[b], si[b]).wait()
        pltpu.make_async_copy(dstp_hbm.at[pl.ds(off, CH)], dv[b], si[b]).wait()

    def gather_start(b):
        if do_gather:
            pltpu.async_copy(x_hbm.at[sv[b]], rows[b], sg[b])

    def gather_wait(b):
        if do_gather:
            pltpu.make_async_copy(x_hbm.at[sv[b]], rows[b], sg[b]).wait()

    def scatter(b):
        pltpu.sync_copy(rows[b], acc.at[dv[b]], add=True)

    def zfill(i, _):
        r0[i // (D // 16), pl.ds((i % (D // 16)) * 16, 16)] = zero16
        return 0
    lax.fori_loop(0, CH * (D // 16), zfill, 0)
    base_r = sid * ROWS_PT
    for t in range(ROWS_PT // CH):
        pltpu.sync_copy(r0, acc.at[pl.ds(base_r + t * CH, CH)])
    zrem = ROWS_PT - (ROWS_PT // CH) * CH
    if zrem:
        pltpu.sync_copy(r0.at[pl.ds(0, zrem)],
                        acc.at[pl.ds(base_r + (ROWS_PT // CH) * CH, zrem)])

    if not do_gather:
        one16 = jnp.ones((16,), jnp.float32)

        def ofill(i, _):
            r0[i // (D // 16), pl.ds((i % (D // 16)) * 16, 16)] = one16
            r1[i // (D // 16), pl.ds((i % (D // 16)) * 16, 16)] = one16
            return 0
        lax.fori_loop(0, CH * (D // 16), ofill, 0)

    plsc.subcore_barrier()
    pl.delay(2000)
    plsc.subcore_barrier()

    idx_load(0, 0)
    idx_load(1, 1)
    idx_wait(0, 0)
    gather_start(0)

    def pair(t, _):
        for b in (0, 1):
            j = 2 * t + b
            nb = 1 - b
            idx_wait(j + 1, nb)
            gather_start(nb)
            gather_wait(b)
            scatter(b)
            idx_load(j + 2, b)
        return 0
    lax.fori_loop(0, (NCH - 2) // 2, pair, 0)

    idx_wait(NCH - 1, 1)
    gather_start(1)
    gather_wait(0)
    scatter(0)
    gather_wait(1)
    scatter(1)

    plsc.subcore_barrier()
    pl.delay(2000)
    plsc.subcore_barrier()

    pltpu.sync_copy(acc.at[pl.ds(sid * OUT_PT, OUT_PT)],
                    out_hbm.at[cid].at[pl.ds(sid * OUT_PT, OUT_PT)])

    @pl.when(sid == 0)
    def _tail():
        pltpu.sync_copy(acc.at[pl.ds(NS * OUT_PT, OUT_REM)],
                        out_hbm.at[cid].at[pl.ds(NS * OUT_PT, OUT_REM)])


def _make_sc(do_gather):
    return pl.kernel(
        functools.partial(_sc_agg_body, do_gather),
        out_type=jax.ShapeDtypeStruct((NC, N, D), jnp.float32),
        mesh=plsc.VectorSubcoreMesh(core_axis_name="c", subcore_axis_name="s",
                                    num_cores=NC, num_subcores=NS),
        scratch_types=[
            pltpu.VMEM((CH,), jnp.int32),
            pltpu.VMEM((CH,), jnp.int32),
            pltpu.VMEM((CH,), jnp.int32),
            pltpu.VMEM((CH,), jnp.int32),
            pltpu.VMEM((CH, D), jnp.float32),
            pltpu.VMEM((CH, D), jnp.float32),
            pltpu.VMEM_SHARED((ACC_ROWS, D), jnp.float32),
            pltpu.SemaphoreType.DMA,
            pltpu.SemaphoreType.DMA,
            pltpu.SemaphoreType.DMA,
            pltpu.SemaphoreType.DMA,
        ],
        name="sc_agg" if do_gather else "sc_deg",
    )


_sc_agg = _make_sc(True)
_sc_deg = _make_sc(False)


def _tc_combine_body(relu, p0, p1, d0, d1, xr, wl, wr, bb, o):
    deg = d0[:, 0:1] + d1[:, 0:1]
    inv = 1.0 / jnp.maximum(deg, 1.0)
    mean = (p0[...] + p1[...]) * inv
    acc = jnp.dot(mean, wl[...], preferred_element_type=jnp.float32)
    acc = acc + jnp.dot(xr[...], wr[...], preferred_element_type=jnp.float32)
    acc = acc + bb[...]
    o[...] = jnp.maximum(acc, 0.0) if relu else acc


_TC_R = 1000


def _make_tc_combine(relu):
    row = lambda i: (i, 0)
    fixed = lambda i: (0, 0)
    return pl.pallas_call(
        functools.partial(_tc_combine_body, relu),
        grid=(N // _TC_R,),
        in_specs=[
            pl.BlockSpec((_TC_R, D), row),
            pl.BlockSpec((_TC_R, D), row),
            pl.BlockSpec((_TC_R, 16), row),
            pl.BlockSpec((_TC_R, 16), row),
            pl.BlockSpec((_TC_R, D), row),
            pl.BlockSpec((D, D), fixed),
            pl.BlockSpec((D, D), fixed),
            pl.BlockSpec((1, D), fixed),
        ],
        out_specs=pl.BlockSpec((_TC_R, D), row),
        out_shape=jax.ShapeDtypeStruct((N, D), jnp.float32),
    )


_tc_relu = _make_tc_combine(True)
_tc_plain = _make_tc_combine(False)


def kernel(x, edge_index, W_l1, W_r1, b1, W_l2, W_r2, b2, W_l3, W_r3, b3):
    src = edge_index[0]
    dst = edge_index[1]
    srcp = jnp.concatenate([src, jnp.zeros((PADE - E,), jnp.int32)])
    dstp = jnp.concatenate([dst, jnp.full((PADE - E,), N, jnp.int32)])
    deg = _sc_deg(x, srcp, dstp)
    d0, d1 = deg[0][:, :16], deg[1][:, :16]
    part1 = _sc_agg(x, srcp, dstp)
    h1 = _tc_relu(part1[0], part1[1], d0, d1, x,
                  W_l1.T, W_r1.T, b1.reshape(1, D))
    part2 = _sc_agg(h1, srcp, dstp)
    h2 = _tc_relu(part2[0], part2[1], d0, d1, h1,
                  W_l2.T, W_r2.T, b2.reshape(1, D))
    part3 = _sc_agg(h2, srcp, dstp)
    h3 = _tc_plain(part3[0], part3[1], d0, d1, h2,
                   W_l3.T, W_r3.T, b3.reshape(1, D))
    return h3

# --- scband reference (transcript-rebuilt; emitter-appended) ---
"""Pipeline reference for scband-gnnencoder-14156212208481 (READ-ONLY COPY).

The authoritative reference and input builder live on the scoring server;
editing this copy changes nothing except your own understanding.
"""

import jax, jax.numpy as jnp
import numpy as np

N = 10000
E = 320000
D = 128


def _sage_conv(x, src, dst, W_l, W_r, b):
    # PyG-style SAGEConv with mean aggregation:
    # out = lin_l(mean_{j in N(i)} x_j) + lin_r(x_i)
    msg = jnp.take(x, src, axis=0)                      # gather source node feats [E, D]
    agg = jax.ops.segment_sum(msg, dst, num_segments=N)  # scatter-add by dst     [N, D]
    deg = jax.ops.segment_sum(jnp.ones((msg.shape[0],), dtype=x.dtype), dst, num_segments=N)
    mean = agg / jnp.clip(deg, 1.0, None)[:, None]
    return mean @ W_l.T + x @ W_r.T + b


def setup_inputs(seed: int = 0) -> dict:
    key = jax.random.key(seed)
    ks = jax.random.split(key, 16)
    x = jax.random.normal(ks[0], (N, D), dtype=jnp.float32)
    edge_index = jax.random.randint(ks[1], (2, E), 0, N, dtype=jnp.int32)
    scale = 1.0 / np.sqrt(D)
    inp = {"x": x, "edge_index": edge_index}
    for i in range(3):
        inp[f"W_l{i+1}"] = jax.random.normal(ks[2 + 3 * i], (D, D), dtype=jnp.float32) * scale
        inp[f"W_r{i+1}"] = jax.random.normal(ks[3 + 3 * i], (D, D), dtype=jnp.float32) * scale
        inp[f"b{i+1}"] = jnp.zeros((D,), dtype=jnp.float32)
    return inp


def reference(x, edge_index, W_l1, W_r1, b1, W_l2, W_r2, b2, W_l3, W_r3, b3):
    src = edge_index[0]
    dst = edge_index[1]
    h = _sage_conv(x, src, dst, W_l1, W_r1, b1)
    h = jax.nn.relu(h)  # dropout p=0.0 -> identity
    h = _sage_conv(h, src, dst, W_l2, W_r2, b2)
    h = jax.nn.relu(h)
    h = _sage_conv(h, src, dst, W_l3, W_r3, b3)
    return h

if __name__ == "__main__":
    import jax
    _d = setup_inputs()
    print(jax.jit(kernel)(*tuple(_d.values())))

</pallas_src>

<mosaic_0001>
#map = affine_map<(d0, d1) -> (0, 0)>
#map1 = affine_map<(d0, d1) -> (0)>
#map2 = affine_map<(d0, d1) -> (0, 0, 0)>
module attributes {stable_mosaic.version = 14 : i64} {
  func.func @sc_agg(%arg0: i32, %arg1: i32, %arg2: memref<10000x128xf32, #tpu.memory_space<hbm>>, %arg3: memref<325632xi32, #tpu.memory_space<hbm>>, %arg4: memref<325632xi32, #tpu.memory_space<hbm>>, %arg5: memref<2x10000x128xf32, #tpu.memory_space<hbm>>, %arg6: memref<96xi32, #tpu.memory_space<vmem>>, %arg7: memref<96xi32, #tpu.memory_space<vmem>>, %arg8: memref<96xi32, #tpu.memory_space<vmem>>, %arg9: memref<96xi32, #tpu.memory_space<vmem>>, %arg10: memref<96x128xf32, #tpu.memory_space<vmem>>, %arg11: memref<96x128xf32, #tpu.memory_space<vmem>>, %arg12: memref<10112x128xf32, #tpu.memory_space<vmem_shared>>, %arg13: memref<!tpu.dma_semaphore, #tpu.memory_space<semaphore_mem>>, %arg14: memref<!tpu.dma_semaphore, #tpu.memory_space<semaphore_mem>>, %arg15: memref<!tpu.dma_semaphore, #tpu.memory_space<semaphore_mem>>, %arg16: memref<!tpu.dma_semaphore, #tpu.memory_space<semaphore_mem>>) attributes {dimension_semantics = [#tpu.dimension_semantics<core_parallel>, #tpu.dimension_semantics<subcore_parallel>], iteration_bounds = array<i64: 2, 16>, scalar_prefetch = 0 : i64, scratch_operands = 11 : i64, tpu.core_type = #tpu.core_type<sc_vector_subcore>, window_params = [{transform_indices = #map}, {transform_indices = #map1}, {transform_indices = #map1}, {transform_indices = #map2}]} {
    %mul3A = arith.constant 16 : i32
    %mul3A_0 = arith.muli %arg0, %mul3A : i32
    %add3A = arith.addi %mul3A_0, %arg1 : i32
    %mul3A_1 = arith.constant 10176 : i32
    %mul3A_2 = arith.muli %add3A, %mul3A_1 : i32
    %broadcast_in_dim3A = arith.constant 0.000000e+00 : f32
    %broadcast_in_dim3A_3 = vector.broadcast %broadcast_in_dim3A : f32 to vector<16xf32>
    %scan3A = arith.constant 0 : i32
    %scan3A_4 = arith.constant 0 : i32
    %scan3A_5 = arith.constant 768 : i32
    %scan3A_6 = arith.addi %scan3A_4, %scan3A_5 : i32
    %scan3A_7 = arith.constant 1 : i32
    %scan3A_8 = scf.for %scan3A_77 = %scan3A_4 to %scan3A_6 step %scan3A_7 iter_args(%scan3A_78 = %scan3A) -> (i32)  : i32 {
      %jit3A = arith.constant 8 : i32
      %div3A = arith.divsi %scan3A_77, %jit3A : i32
      %sign3A = arith.constant 0 : i32
      %sign3A_79 = arith.cmpi sgt, %scan3A_77, %sign3A : i32
      %sign3A_80 = arith.extui %sign3A_79 : i1 to i32
      %sign3A_81 = arith.constant 0 : i32
      %sign3A_82 = arith.cmpi slt, %scan3A_77, %sign3A_81 : i32
      %sign3A_83 = arith.extui %sign3A_82 : i1 to i32
      %sign3A_84 = arith.subi %sign3A_80, %sign3A_83 : i32
      %sign3A_85 = arith.constant 0 : i32
      %sign3A_86 = arith.cmpi sgt, %jit3A, %sign3A_85 : i32
      %sign3A_87 = arith.extui %sign3A_86 : i1 to i32
      %sign3A_88 = arith.constant 0 : i32
      %sign3A_89 = arith.cmpi slt, %jit3A, %sign3A_88 : i32
      %sign3A_90 = arith.extui %sign3A_89 : i1 to i32
      %sign3A_91 = arith.subi %sign3A_87, %sign3A_90 : i32
      %ne3A = arith.cmpi ne, %sign3A_84, %sign3A_91 : i32
      %rem3A = arith.remsi %scan3A_77, %jit3A : i32
      %ne3A_92 = arith.constant 0 : i32
      %ne3A_93 = arith.cmpi ne, %rem3A, %ne3A_92 : i32
      %and3A = arith.andi %ne3A, %ne3A_93 : i1
      %sub3A = arith.constant 1 : i32
      %sub3A_94 = arith.subi %div3A, %sub3A : i32
      %select_n3A = arith.select %and3A, %sub3A_94, %div3A : i32
      %jit3A_95 = arith.constant 8 : i32
      %eq3A_96 = arith.constant 0 : i32
      %eq3A_97 = arith.cmpi eq, %jit3A_95, %eq3A_96 : i32
      %jit3A_98 = arith.constant 1 : i32
      %select_n3A_99 = arith.select %eq3A_97, %jit3A_98, %jit3A_95 : i32
      %rem3A_100 = arith.remsi %scan3A_77, %select_n3A_99 : i32
      %ne3A_101 = arith.constant 0 : i32
      %ne3A_102 = arith.cmpi ne, %rem3A_100, %ne3A_101 : i32
      %lt3A = arith.constant 0 : i32
      %lt3A_103 = arith.cmpi slt, %rem3A_100, %lt3A : i32
      %lt3A_104 = arith.constant 0 : i32
      %lt3A_105 = arith.cmpi slt, %select_n3A_99, %lt3A_104 : i32
      %ne3A_106 = arith.xori %lt3A_103, %lt3A_105 : i1
      %and3A_107 = arith.andi %ne3A_106, %ne3A_102 : i1
      %add3A_108 = arith.addi %rem3A_100, %select_n3A_99 : i32
      %select_n3A_109 = arith.select %and3A_107, %add3A_108, %rem3A_100 : i32
      %mul3A_110 = arith.constant 16 : i32
      %mul3A_111 = arith.muli %select_n3A_109, %mul3A_110 : i32
      %swap3A = arith.index_cast %select_n3A : i32 to index
      %swap3A_112 = arith.index_cast %mul3A_111 : i32 to index
      %swap3A_113 = tpu.vector_load %arg10[%swap3A, %swap3A_112] {strides = array<i32>} : memref<96x128xf32, #tpu.memory_space<vmem>>, vector<1x16xf32>,
      %swap3A_114 = vector.shape_cast %swap3A_113 : vector<1x16xf32> to vector<16xf32>
      %swap3A_115 = vector.shape_cast %broadcast_in_dim3A_3 : vector<16xf32> to vector<1x16xf32>
      tpu.vector_store %arg10[%swap3A, %swap3A_112], %swap3A_115 {strides = array<i32>} : memref<96x128xf32, #tpu.memory_space<vmem>>, vector<1x16xf32>,
      %scan3A_116 = arith.constant 0 : i32
      scf.yield %scan3A_116 : i32
    }
    %scan3A_9 = arith.constant 768 : i32
    %mul3A_10 = arith.constant 632 : i32
    %mul3A_11 = arith.muli %arg1, %mul3A_10 : i32
    %add3A_12 = arith.constant 0 : i32
    %add3A_13 = arith.addi %mul3A_11, %add3A_12 : i32
    "tpu.region"() ({
      %run_scoped3A = tpu.sem_alloc : memref<!tpu.dma_semaphore, #tpu.memory_space<semaphore_mem>>
      %dma_start3A_77 = arith.constant 0 : i32
      %dma_start3A_78 = tpu.memref_slice %arg12[%add3A_13, %dma_start3A_77] : memref<10112x128xf32, #tpu.memory_space<vmem_shared>> -> memref<96x128xf32, #tpu.memory_space<vmem_shared>>
      %dma_start3A_79 = arith.constant 0 : i32
      %dma_start3A_80 = tpu.memref_slice %arg12[%add3A_13, %dma_start3A_79] : memref<10112x128xf32, #tpu.memory_space<vmem_shared>> -> memref<96x128xf32, #tpu.memory_space<vmem_shared>>
      tpu.enqueue_dma source(%arg10 : memref<96x128xf32, #tpu.memory_space<vmem>>) target(%dma_start3A_80 : memref<96x128xf32, #tpu.memory_space<vmem_shared>>) target_semaphore(%run_scoped3A : memref<!tpu.dma_semaphore, #tpu.memory_space<semaphore_mem>>)
      %dma_wait3A_81 = arith.constant 0 : i32
      %dma_wait3A_82 = tpu.memref_slice %arg12[%add3A_13, %dma_wait3A_81] : memref<10112x128xf32, #tpu.memory_space<vmem_shared>> -> memref<96x128xf32, #tpu.memory_space<vmem_shared>>
      %dma_wait3A_83 = arith.constant 0 : i32
      %dma_wait3A_84 = tpu.memref_slice %arg12[%add3A_13, %dma_wait3A_83] : memref<10112x128xf32, #tpu.memory_space<vmem_shared>> -> memref<96x128xf32, #tpu.memory_space<vmem_shared>>
      tpu.wait_dma2 semaphore(%run_scoped3A : memref<!tpu.dma_semaphore, #tpu.memory_space<semaphore_mem>>) src(%arg10 : memref<96x128xf32, #tpu.memory_space<vmem>>) dst(%dma_wait3A_84 : memref<96x128xf32, #tpu.memory_space<vmem_shared>>)
      tpu.yield
    }) : () -> ()
    %add3A_14 = arith.constant 96 : i32
    %add3A_15 = arith.addi %mul3A_11, %add3A_14 : i32
    "tpu.region"() ({
      %run_scoped3A = tpu.sem_alloc : memref<!tpu.dma_semaphore, #tpu.memory_space<semaphore_mem>>
      %dma_start3A_77 = arith.constant 0 : i32
      %dma_start3A_78 = tpu.memref_slice %arg12[%add3A_15, %dma_start3A_77] : memref<10112x128xf32, #tpu.memory_space<vmem_shared>> -> memref<96x128xf32, #tpu.memory_space<vmem_shared>>
      %dma_start3A_79 = arith.constant 0 : i32
      %dma_start3A_80 = tpu.memref_slice %arg12[%add3A_15, %dma_start3A_79] : memref<10112x128xf32, #tpu.memory_space<vmem_shared>> -> memref<96x128xf32, #tpu.memory_space<vmem_shared>>
      tpu.enqueue_dma source(%arg10 : memref<96x128xf32, #tpu.memory_space<vmem>>) target(%dma_start3A_80 : memref<96x128xf32, #tpu.memory_space<vmem_shared>>) target_semaphore(%run_scoped3A : memref<!tpu.dma_semaphore, #tpu.memory_space<semaphore_mem>>)
      %dma_wait3A_81 = arith.constant 0 : i32
      %dma_wait3A_82 = tpu.memref_slice %arg12[%add3A_15, %dma_wait3A_81] : memref<10112x128xf32, #tpu.memory_space<vmem_shared>> -> memref<96x128xf32, #tpu.memory_space<vmem_shared>>
      %dma_wait3A_83 = arith.constant 0 : i32
      %dma_wait3A_84 = tpu.memref_slice %arg12[%add3A_15, %dma_wait3A_83] : memref<10112x128xf32, #tpu.memory_space<vmem_shared>> -> memref<96x128xf32, #tpu.memory_space<vmem_shared>>
      tpu.wait_dma2 semaphore(%run_scoped3A : memref<!tpu.dma_semaphore, #tpu.memory_space<semaphore_mem>>) src(%arg10 : memref<96x128xf32, #tpu.memory_space<vmem>>) dst(%dma_wait3A_84 : memref<96x128xf32, #tpu.memory_space<vmem_shared>>)
      tpu.yield
    }) : () -> ()
    %add3A_16 = arith.constant 192 : i32
    %add3A_17 = arith.addi %mul3A_11, %add3A_16 : i32
    "tpu.region"() ({
      %run_scoped3A = tpu.sem_alloc : memref<!tpu.dma_semaphore, #tpu.memory_space<semaphore_mem>>
      %dma_start3A_77 = arith.constant 0 : i32
      %dma_start3A_78 = tpu.memref_slice %arg12[%add3A_17, %dma_start3A_77] : memref<10112x128xf32, #tpu.memory_space<vmem_shared>> -> memref<96x128xf32, #tpu.memory_space<vmem_shared>>
      %dma_start3A_79 = arith.constant 0 : i32
      %dma_start3A_80 = tpu.memref_slice %arg12[%add3A_17, %dma_start3A_79] : memref<10112x128xf32, #tpu.memory_space<vmem_shared>> -> memref<96x128xf32, #tpu.memory_space<vmem_shared>>
      tpu.enqueue_dma source(%arg10 : memref<96x128xf32, #tpu.memory_space<vmem>>) target(%dma_start3A_80 : memref<96x128xf32, #tpu.memory_space<vmem_shared>>) target_semaphore(%run_scoped3A : memref<!tpu.dma_semaphore, #tpu.memory_space<semaphore_mem>>)
      %dma_wait3A_81 = arith.constant 0 : i32
      %dma_wait3A_82 = tpu.memref_slice %arg12[%add3A_17, %dma_wait3A_81] : memref<10112x128xf32, #tpu.memory_space<vmem_shared>> -> memref<96x128xf32, #tpu.memory_space<vmem_shared>>
      %dma_wait3A_83 = arith.constant 0 : i32
      %dma_wait3A_84 = tpu.memref_slice %arg12[%add3A_17, %dma_wait3A_83] : memref<10112x128xf32, #tpu.memory_space<vmem_shared>> -> memref<96x128xf32, #tpu.memory_space<vmem_shared>>
      tpu.wait_dma2 semaphore(%run_scoped3A : memref<!tpu.dma_semaphore, #tpu.memory_space<semaphore_mem>>) src(%arg10 : memref<96x128xf32, #tpu.memory_space<vmem>>) dst(%dma_wait3A_84 : memref<96x128xf32, #tpu.memory_space<vmem_shared>>)
      tpu.yield
    }) : () -> ()
    %add3A_18 = arith.constant 288 : i32
    %add3A_19 = arith.addi %mul3A_11, %add3A_18 : i32
    "tpu.region"() ({
      %run_scoped3A = tpu.sem_alloc : memref<!tpu.dma_semaphore, #tpu.memory_space<semaphore_mem>>
      %dma_start3A_77 = arith.constant 0 : i32
      %dma_start3A_78 = tpu.memref_slice %arg12[%add3A_19, %dma_start3A_77] : memref<10112x128xf32, #tpu.memory_space<vmem_shared>> -> memref<96x128xf32, #tpu.memory_space<vmem_shared>>
      %dma_start3A_79 = arith.constant 0 : i32
      %dma_start3A_80 = tpu.memref_slice %arg12[%add3A_19, %dma_start3A_79] : memref<10112x128xf32, #tpu.memory_space<vmem_shared>> -> memref<96x128xf32, #tpu.memory_space<vmem_shared>>
      tpu.enqueue_dma source(%arg10 : memref<96x128xf32, #tpu.memory_space<vmem>>) target(%dma_start3A_80 : memref<96x128xf32, #tpu.memory_space<vmem_shared>>) target_semaphore(%run_scoped3A : memref<!tpu.dma_semaphore, #tpu.memory_space<semaphore_mem>>)
      %dma_wait3A_81 = arith.constant 0 : i32
      %dma_wait3A_82 = tpu.memref_slice %arg12[%add3A_19, %dma_wait3A_81] : memref<10112x128xf32, #tpu.memory_space<vmem_shared>> -> memref<96x128xf32, #tpu.memory_space<vmem_shared>>
      %dma_wait3A_83 = arith.constant 0 : i32
      %dma_wait3A_84 = tpu.memref_slice %arg12[%add3A_19, %dma_wait3A_83] : memref<10112x128xf32, #tpu.memory_space<vmem_shared>> -> memref<96x128xf32, #tpu.memory_space<vmem_shared>>
      tpu.wait_dma2 semaphore(%run_scoped3A : memref<!tpu.dma_semaphore, #tpu.memory_space<semaphore_mem>>) src(%arg10 : memref<96x128xf32, #tpu.memory_space<vmem>>) dst(%dma_wait3A_84 : memref<96x128xf32, #tpu.memory_space<vmem_shared>>)
      tpu.yield
    }) : () -> ()
    %add3A_20 = arith.constant 384 : i32
    %add3A_21 = arith.addi %mul3A_11, %add3A_20 : i32
    "tpu.region"() ({
      %run_scoped3A = tpu.sem_alloc : memref<!tpu.dma_semaphore, #tpu.memory_space<semaphore_mem>>
      %dma_start3A_77 = arith.constant 0 : i32
      %dma_start3A_78 = tpu.memref_slice %arg12[%add3A_21, %dma_start3A_77] : memref<10112x128xf32, #tpu.memory_space<vmem_shared>> -> memref<96x128xf32, #tpu.memory_space<vmem_shared>>
      %dma_start3A_79 = arith.constant 0 : i32
      %dma_start3A_80 = tpu.memref_slice %arg12[%add3A_21, %dma_start3A_79] : memref<10112x128xf32, #tpu.memory_space<vmem_shared>> -> memref<96x128xf32, #tpu.memory_space<vmem_shared>>
      tpu.enqueue_dma source(%arg10 : memref<96x128xf32, #tpu.memory_space<vmem>>) target(%dma_start3A_80 : memref<96x128xf32, #tpu.memory_space<vmem_shared>>) target_semaphore(%run_scoped3A : memref<!tpu.dma_semaphore, #tpu.memory_space<semaphore_mem>>)
      %dma_wait3A_81 = arith.constant 0 : i32
      %dma_wait3A_82 = tpu.memref_slice %arg12[%add3A_21, %dma_wait3A_81] : memref<10112x128xf32, #tpu.memory_space<vmem_shared>> -> memref<96x128xf32, #tpu.memory_space<vmem_shared>>
      %dma_wait3A_83 = arith.constant 0 : i32
      %dma_wait3A_84 = tpu.memref_slice %arg12[%add3A_21, %dma_wait3A_83] : memref<10112x128xf32, #tpu.memory_space<vmem_shared>> -> memref<96x128xf32, #tpu.memory_space<vmem_shared>>
      tpu.wait_dma2 semaphore(%run_scoped3A : memref<!tpu.dma_semaphore, #tpu.memory_space<semaphore_mem>>) src(%arg10 : memref<96x128xf32, #tpu.memory_space<vmem>>) dst(%dma_wait3A_84 : memref<96x128xf32, #tpu.memory_space<vmem_shared>>)
      tpu.yield
    }) : () -> ()
    %add3A_22 = arith.constant 480 : i32
    %add3A_23 = arith.addi %mul3A_11, %add3A_22 : i32
    "tpu.region"() ({
      %run_scoped3A = tpu.sem_alloc : memref<!tpu.dma_semaphore, #tpu.memory_space<semaphore_mem>>
      %dma_start3A_77 = arith.constant 0 : i32
      %dma_start3A_78 = tpu.memref_slice %arg12[%add3A_23, %dma_start3A_77] : memref<10112x128xf32, #tpu.memory_space<vmem_shared>> -> memref<96x128xf32, #tpu.memory_space<vmem_shared>>
      %dma_start3A_79 = arith.constant 0 : i32
      %dma_start3A_80 = tpu.memref_slice %arg12[%add3A_23, %dma_start3A_79] : memref<10112x128xf32, #tpu.memory_space<vmem_shared>> -> memref<96x128xf32, #tpu.memory_space<vmem_shared>>
      tpu.enqueue_dma source(%arg10 : memref<96x128xf32, #tpu.memory_space<vmem>>) target(%dma_start3A_80 : memref<96x128xf32, #tpu.memory_space<vmem_shared>>) target_semaphore(%run_scoped3A : memref<!tpu.dma_semaphore, #tpu.memory_space<semaphore_mem>>)
      %dma_wait3A_81 = arith.constant 0 : i32
      %dma_wait3A_82 = tpu.memref_slice %arg12[%add3A_23, %dma_wait3A_81] : memref<10112x128xf32, #tpu.memory_space<vmem_shared>> -> memref<96x128xf32, #tpu.memory_space<vmem_shared>>
      %dma_wait3A_83 = arith.constant 0 : i32
      %dma_wait3A_84 = tpu.memref_slice %arg12[%add3A_23, %dma_wait3A_83] : memref<10112x128xf32, #tpu.memory_space<vmem_shared>> -> memref<96x128xf32, #tpu.memory_space<vmem_shared>>
      tpu.wait_dma2 semaphore(%run_scoped3A : memref<!tpu.dma_semaphore, #tpu.memory_space<semaphore_mem>>) src(%arg10 : memref<96x128xf32, #tpu.memory_space<vmem>>) dst(%dma_wait3A_84 : memref<96x128xf32, #tpu.memory_space<vmem_shared>>)
      tpu.yield
    }) : () -> ()
    %add3A_24 = arith.constant 576 : i32
    %add3A_25 = arith.addi %mul3A_11, %add3A_24 : i32
    "tpu.region"() ({
      %run_scoped3A = tpu.sem_alloc : memref<!tpu.dma_semaphore, #tpu.memory_space<semaphore_mem>>
      %dma_start3A_77 = arith.constant 0 : i32
      %dma_start3A_78 = arith.constant 0 : i32
      %dma_start3A_79 = tpu.memref_slice %arg10[%dma_start3A_77, %dma_start3A_78] : memref<96x128xf32, #tpu.memory_space<vmem>> -> memref<56x128xf32, #tpu.memory_space<vmem>>
      %dma_start3A_80 = arith.constant 0 : i32
      %dma_start3A_81 = tpu.memref_slice %arg12[%add3A_25, %dma_start3A_80] : memref<10112x128xf32, #tpu.memory_space<vmem_shared>> -> memref<56x128xf32, #tpu.memory_space<vmem_shared>>
      %dma_start3A_82 = arith.constant 0 : i32
      %dma_start3A_83 = tpu.memref_slice %arg12[%add3A_25, %dma_start3A_82] : memref<10112x128xf32, #tpu.memory_space<vmem_shared>> -> memref<56x128xf32, #tpu.memory_space<vmem_shared>>
      %dma_start3A_84 = arith.constant 0 : i32
      %dma_start3A_85 = arith.constant 0 : i32
      %dma_start3A_86 = tpu.memref_slice %arg10[%dma_start3A_84, %dma_start3A_85] : memref<96x128xf32, #tpu.memory_space<vmem>> -> memref<56x128xf32, #tpu.memory_space<vmem>>
      tpu.enqueue_dma source(%dma_start3A_86 : memref<56x128xf32, #tpu.memory_space<vmem>>) target(%dma_start3A_83 : memref<56x128xf32, #tpu.memory_space<vmem_shared>>) target_semaphore(%run_scoped3A : memref<!tpu.dma_semaphore, #tpu.memory_space<semaphore_mem>>)
      %dma_wait3A_87 = arith.constant 0 : i32
      %dma_wait3A_88 = arith.constant 0 : i32
      %dma_wait3A_89 = tpu.memref_slice %arg10[%dma_wait3A_87, %dma_wait3A_88] : memref<96x128xf32, #tpu.memory_space<vmem>> -> memref<56x128xf32, #tpu.memory_space<vmem>>
      %dma_wait3A_90 = arith.constant 0 : i32
      %dma_wait3A_91 = tpu.memref_slice %arg12[%add3A_25, %dma_wait3A_90] : memref<10112x128xf32, #tpu.memory_space<vmem_shared>> -> memref<56x128xf32, #tpu.memory_space<vmem_shared>>
      %dma_wait3A_92 = arith.constant 0 : i32
      %dma_wait3A_93 = tpu.memref_slice %arg12[%add3A_25, %dma_wait3A_92] : memref<10112x128xf32, #tpu.memory_space<vmem_shared>> -> memref<56x128xf32, #tpu.memory_space<vmem_shared>>
      %dma_wait3A_94 = arith.constant 0 : i32
      %dma_wait3A_95 = arith.constant 0 : i32
      %dma_wait3A_96 = tpu.memref_slice %arg10[%dma_wait3A_94, %dma_wait3A_95] : memref<96x128xf32, #tpu.memory_space<vmem>> -> memref<56x128xf32, #tpu.memory_space<vmem>>
      tpu.wait_dma2 semaphore(%run_scoped3A : memref<!tpu.dma_semaphore, #tpu.memory_space<semaphore_mem>>) src(%dma_wait3A_96 : memref<56x128xf32, #tpu.memory_space<vmem>>) dst(%dma_wait3A_93 : memref<56x128xf32, #tpu.memory_space<vmem_shared>>)
      tpu.yield
    }) : () -> ()
    %barrier3A = arith.constant 0 : index
    tpu.barrier barrier_id(%barrier3A)
    %delay3A = arith.constant 2000 : i32
    tpu.delay %delay3A
    %barrier3A_26 = arith.constant 0 : index
    tpu.barrier barrier_id(%barrier3A_26)
    %add3A_27 = arith.constant 0 : i32
    %add3A_28 = arith.addi %mul3A_2, %add3A_27 : i32
    %dma_start3A = tpu.memref_slice %arg3[%add3A_28] : memref<325632xi32, #tpu.memory_space<hbm>> -> memref<96xi32, #tpu.memory_space<hbm>>
    %dma_start3A_29 = tpu.memref_slice %arg3[%add3A_28] : memref<325632xi32, #tpu.memory_space<hbm>> -> memref<96xi32, #tpu.memory_space<hbm>>
    tpu.enqueue_dma source(%dma_start3A_29 : memref<96xi32, #tpu.memory_space<hbm>>) target(%arg6 : memref<96xi32, #tpu.memory_space<vmem>>) target_semaphore(%arg13 : memref<!tpu.dma_semaphore, #tpu.memory_space<semaphore_mem>>)
    %dma_start3A_30 = tpu.memref_slice %arg4[%add3A_28] : memref<325632xi32, #tpu.memory_space<hbm>> -> memref<96xi32, #tpu.memory_space<hbm>>
    %dma_start3A_31 = tpu.memref_slice %arg4[%add3A_28] : memref<325632xi32, #tpu.memory_space<hbm>> -> memref<96xi32, #tpu.memory_space<hbm>>
    tpu.enqueue_dma source(%dma_start3A_31 : memref<96xi32, #tpu.memory_space<hbm>>) target(%arg8 : memref<96xi32, #tpu.memory_space<vmem>>) target_semaphore(%arg13 : memref<!tpu.dma_semaphore, #tpu.memory_space<semaphore_mem>>)
    %add3A_32 = arith.constant 96 : i32
    %add3A_33 = arith.addi %mul3A_2, %add3A_32 : i32
    %dma_start3A_34 = tpu.memref_slice %arg3[%add3A_33] : memref<325632xi32, #tpu.memory_space<hbm>> -> memref<96xi32, #tpu.memory_space<hbm>>
    %dma_start3A_35 = tpu.memref_slice %arg3[%add3A_33] : memref<325632xi32, #tpu.memory_space<hbm>> -> memref<96xi32, #tpu.memory_space<hbm>>
    tpu.enqueue_dma source(%dma_start3A_35 : memref<96xi32, #tpu.memory_space<hbm>>) target(%arg7 : memref<96xi32, #tpu.memory_space<vmem>>) target_semaphore(%arg14 : memref<!tpu.dma_semaphore, #tpu.memory_space<semaphore_mem>>)
    %dma_start3A_36 = tpu.memref_slice %arg4[%add3A_33] : memref<325632xi32, #tpu.memory_space<hbm>> -> memref<96xi32, #tpu.memory_space<hbm>>
    %dma_start3A_37 = tpu.memref_slice %arg4[%add3A_33] : memref<325632xi32, #tpu.memory_space<hbm>> -> memref<96xi32, #tpu.memory_space<hbm>>
    tpu.enqueue_dma source(%dma_start3A_37 : memref<96xi32, #tpu.memory_space<hbm>>) target(%arg9 : memref<96xi32, #tpu.memory_space<vmem>>) target_semaphore(%arg14 : memref<!tpu.dma_semaphore, #tpu.memory_space<semaphore_mem>>)
    %add3A_38 = arith.constant 0 : i32
    %add3A_39 = arith.addi %mul3A_2, %add3A_38 : i32
    %dma_wait3A = tpu.memref_slice %arg3[%add3A_39] : memref<325632xi32, #tpu.memory_space<hbm>> -> memref<96xi32, #tpu.memory_space<hbm>>
    %dma_wait3A_40 = tpu.memref_slice %arg3[%add3A_39] : memref<325632xi32, #tpu.memory_space<hbm>> -> memref<96xi32, #tpu.memory_space<hbm>>
    tpu.wait_dma2 semaphore(%arg13 : memref<!tpu.dma_semaphore, #tpu.memory_space<semaphore_mem>>) src(%dma_wait3A_40 : memref<96xi32, #tpu.memory_space<hbm>>) dst(%arg6 : memref<96xi32, #tpu.memory_space<vmem>>)
    %dma_wait3A_41 = tpu.memref_slice %arg4[%add3A_39] : memref<325632xi32, #tpu.memory_space<hbm>> -> memref<96xi32, #tpu.memory_space<hbm>>
    %dma_wait3A_42 = tpu.memref_slice %arg4[%add3A_39] : memref<325632xi32, #tpu.memory_space<hbm>> -> memref<96xi32, #tpu.memory_space<hbm>>
    tpu.wait_dma2 semaphore(%arg13 : memref<!tpu.dma_semaphore, #tpu.memory_space<semaphore_mem>>) src(%dma_wait3A_42 : memref<96xi32, #tpu.memory_space<hbm>>) dst(%arg8 : memref<96xi32, #tpu.memory_space<vmem>>)
    %dma_start3A_43 = arith.constant 0 : i32
    %dma_start3A_44 = arith.constant 0 : i32
    %dma_start3A_45 = tpu.memref_slice %arg2[%dma_start3A_43, %dma_start3A_44] : memref<10000x128xf32, #tpu.memory_space<hbm>> -> memref<10000x128xf32, #tpu.memory_space<hbm>>
    tpu.enqueue_indirect_dma source(%dma_start3A_45 : memref<10000x128xf32, #tpu.memory_space<hbm>>) target(%arg10 : memref<96x128xf32, #tpu.memory_space<vmem>>) offsets(%arg6 : memref<96xi32, #tpu.memory_space<vmem>>) semaphore(%arg15 : memref<!tpu.dma_semaphore, #tpu.memory_space<semaphore_mem>>)
    %scan3A_46 = arith.constant 0 : i32
    %scan3A_47 = arith.constant 0 : i32
    %scan3A_48 = arith.constant 52 : i32
    %scan3A_49 = arith.addi %scan3A_47, %scan3A_48 : i32
    %scan3A_50 = arith.constant 1 : i32
    %scan3A_51 = scf.for %scan3A_77 = %scan3A_47 to %scan3A_49 step %scan3A_50 iter_args(%scan3A_78 = %scan3A_46) -> (i32)  : i32 {
      %mul3A_79 = arith.constant 2 : i32
      %mul3A_80 = arith.muli %mul3A_79, %scan3A_77 : i32
      %add3A_81 = arith.constant 0 : i32
      %add3A_82 = arith.addi %mul3A_80, %add3A_81 : i32
      %add3A_83 = arith.constant 1 : i32
      %add3A_84 = arith.addi %add3A_82, %add3A_83 : i32
      %mul3A_85 = arith.constant 96 : i32
      %mul3A_86 = arith.muli %add3A_84, %mul3A_85 : i32
      %add3A_87 = arith.addi %mul3A_2, %mul3A_86 : i32
      %dma_wait3A_88 = tpu.memref_slice %arg3[%add3A_87] : memref<325632xi32, #tpu.memory_space<hbm>> -> memref<96xi32, #tpu.memory_space<hbm>>
      %dma_wait3A_89 = tpu.memref_slice %arg3[%add3A_87] : memref<325632xi32, #tpu.memory_space<hbm>> -> memref<96xi32, #tpu.memory_space<hbm>>
      tpu.wait_dma2 semaphore(%arg14 : memref<!tpu.dma_semaphore, #tpu.memory_space<semaphore_mem>>) src(%dma_wait3A_89 : memref<96xi32, #tpu.memory_space<hbm>>) dst(%arg7 : memref<96xi32, #tpu.memory_space<vmem>>)
      %dma_wait3A_90 = tpu.memref_slice %arg4[%add3A_87] : memref<325632xi32, #tpu.memory_space<hbm>> -> memref<96xi32, #tpu.memory_space<hbm>>
      %dma_wait3A_91 = tpu.memref_slice %arg4[%add3A_87] : memref<325632xi32, #tpu.memory_space<hbm>> -> memref<96xi32, #tpu.memory_space<hbm>>
      tpu.wait_dma2 semaphore(%arg14 : memref<!tpu.dma_semaphore, #tpu.memory_space<semaphore_mem>>) src(%dma_wait3A_91 : memref<96xi32, #tpu.memory_space<hbm>>) dst(%arg9 : memref<96xi32, #tpu.memory_space<vmem>>)
      %dma_start3A_92 = arith.constant 0 : i32
      %dma_start3A_93 = arith.constant 0 : i32
      %dma_start3A_94 = tpu.memref_slice %arg2[%dma_start3A_92, %dma_start3A_93] : memref<10000x128xf32, #tpu.memory_space<hbm>> -> memref<10000x128xf32, #tpu.memory_space<hbm>>
      tpu.enqueue_indirect_dma source(%dma_start3A_94 : memref<10000x128xf32, #tpu.memory_space<hbm>>) target(%arg11 : memref<96x128xf32, #tpu.memory_space<vmem>>) offsets(%arg7 : memref<96xi32, #tpu.memory_space<vmem>>) semaphore(%arg16 : memref<!tpu.dma_semaphore, #tpu.memory_space<semaphore_mem>>)
      %dma_wait3A_95 = arith.constant 0 : i32
      %dma_wait3A_96 = arith.constant 0 : i32
      %dma_wait3A_97 = tpu.memref_slice %arg2[%dma_wait3A_95, %dma_wait3A_96] : memref<10000x128xf32, #tpu.memory_space<hbm>> -> memref<10000x128xf32, #tpu.memory_space<hbm>>
      tpu.wait_indirect_dma semaphore(%arg15 : memref<!tpu.dma_semaphore, #tpu.memory_space<semaphore_mem>>) src(%dma_wait3A_97 : memref<10000x128xf32, #tpu.memory_space<hbm>>) dst(%arg10 : memref<96x128xf32, #tpu.memory_space<vmem>>)
      "tpu.region"() ({
        %run_scoped3A = tpu.sem_alloc : memref<!tpu.dma_semaphore, #tpu.memory_space<semaphore_mem>>
        %dma_start3A_136 = arith.constant 0 : i32
        %dma_start3A_137 = arith.constant 0 : i32
        %dma_start3A_138 = tpu.memref_slice %arg12[%dma_start3A_136, %dma_start3A_137] : memref<10112x128xf32, #tpu.memory_space<vmem_shared>> -> memref<10112x128xf32, #tpu.memory_space<vmem_shared>>
        tpu.enqueue_indirect_dma source(%arg10 : memref<96x128xf32, #tpu.memory_space<vmem>>) target(%dma_start3A_138 : memref<10112x128xf32, #tpu.memory_space<vmem_shared>>) offsets(%arg8 : memref<96xi32, #tpu.memory_space<vmem>>) semaphore(%run_scoped3A : memref<!tpu.dma_semaphore, #tpu.memory_space<semaphore_mem>>) {add = true}
        %dma_wait3A_139 = arith.constant 0 : i32
        %dma_wait3A_140 = arith.constant 0 : i32
        %dma_wait3A_141 = tpu.memref_slice %arg12[%dma_wait3A_139, %dma_wait3A_140] : memref<10112x128xf32, #tpu.memory_space<vmem_shared>> -> memref<10112x128xf32, #tpu.memory_space<vmem_shared>>
        tpu.wait_indirect_dma semaphore(%run_scoped3A : memref<!tpu.dma_semaphore, #tpu.memory_space<semaphore_mem>>) src(%arg10 : memref<96x128xf32, #tpu.memory_space<vmem>>) dst(%dma_wait3A_141 : memref<10112x128xf32, #tpu.memory_space<vmem_shared>>)
        tpu.yield
      }) : () -> ()
      %add3A_98 = arith.constant 2 : i32
      %add3A_99 = arith.addi %add3A_82, %add3A_98 : i32
      %mul3A_100 = arith.constant 96 : i32
      %mul3A_101 = arith.muli %add3A_99, %mul3A_100 : i32
      %add3A_102 = arith.addi %mul3A_2, %mul3A_101 : i32
      %dma_start3A_103 = tpu.memref_slice %arg3[%add3A_102] : memref<325632xi32, #tpu.memory_space<hbm>> -> memref<96xi32, #tpu.memory_space<hbm>>
      %dma_start3A_104 = tpu.memref_slice %arg3[%add3A_102] : memref<325632xi32, #tpu.memory_space<hbm>> -> memref<96xi32, #tpu.memory_space<hbm>>
      tpu.enqueue_dma source(%dma_start3A_104 : memref<96xi32, #tpu.memory_space<hbm>>) target(%arg6 : memref<96xi32, #tpu.memory_space<vmem>>) target_semaphore(%arg13 : memref<!tpu.dma_semaphore, #tpu.memory_space<semaphore_mem>>)
      %dma_start3A_105 = tpu.memref_slice %arg4[%add3A_102] : memref<325632xi32, #tpu.memory_space<hbm>> -> memref<96xi32, #tpu.memory_space<hbm>>
      %dma_start3A_106 = tpu.memref_slice %arg4[%add3A_102] : memref<325632xi32, #tpu.memory_space<hbm>> -> memref<96xi32, #tpu.memory_space<hbm>>
      tpu.enqueue_dma source(%dma_start3A_106 : memref<96xi32, #tpu.memory_space<hbm>>) target(%arg8 : memref<96xi32, #tpu.memory_space<vmem>>) target_semaphore(%arg13 : memref<!tpu.dma_semaphore, #tpu.memory_space<semaphore_mem>>)
      %mul3A_107 = arith.constant 2 : i32
      %mul3A_108 = arith.muli %mul3A_107, %scan3A_77 : i32
      %add3A_109 = arith.constant 1 : i32
      %add3A_110 = arith.addi %mul3A_108, %add3A_109 : i32
      %add3A_111 = arith.constant 1 : i32
      %add3A_112 = arith.addi %add3A_110, %add3A_111 : i32
      %mul3A_113 = arith.constant 96 : i32
      %mul3A_114 = arith.muli %add3A_112, %mul3A_113 : i32
      %add3A_115 = arith.addi %mul3A_2, %mul3A_114 : i32
      %dma_wait3A_116 = tpu.memref_slice %arg3[%add3A_115] : memref<325632xi32, #tpu.memory_space<hbm>> -> memref<96xi32, #tpu.memory_space<hbm>>
      %dma_wait3A_117 = tpu.memref_slice %arg3[%add3A_115] : memref<325632xi32, #tpu.memory_space<hbm>> -> memref<96xi32, #tpu.memory_space<hbm>>
      tpu.wait_dma2 semaphore(%arg13 : memref<!tpu.dma_semaphore, #tpu.memory_space<semaphore_mem>>) src(%dma_wait3A_117 : memref<96xi32, #tpu.memory_space<hbm>>) dst(%arg6 : memref<96xi32, #tpu.memory_space<vmem>>)
      %dma_wait3A_118 = tpu.memref_slice %arg4[%add3A_115] : memref<325632xi32, #tpu.memory_space<hbm>> -> memref<96xi32, #tpu.memory_space<hbm>>
      %dma_wait3A_119 = tpu.memref_slice %arg4[%add3A_115] : memref<325632xi32, #tpu.memory_space<hbm>> -> memref<96xi32, #tpu.memory_space<hbm>>
      tpu.wait_dma2 semaphore(%arg13 : memref<!tpu.dma_semaphore, #tpu.memory_space<semaphore_mem>>) src(%dma_wait3A_119 : memref<96xi32, #tpu.memory_space<hbm>>) dst(%arg8 : memref<96xi32, #tpu.memory_space<vmem>>)
      %dma_start3A_120 = arith.constant 0 : i32
      %dma_start3A_121 = arith.constant 0 : i32
      %dma_start3A_122 = tpu.memref_slice %arg2[%dma_start3A_120, %dma_start3A_121] : memref<10000x128xf32, #tpu.memory_space<hbm>> -> memref<10000x128xf32, #tpu.memory_space<hbm>>
      tpu.enqueue_indirect_dma source(%dma_start3A_122 : memref<10000x128xf32, #tpu.memory_space<hbm>>) target(%arg10 : memref<96x128xf32, #tpu.memory_space<vmem>>) offsets(%arg6 : memref<96xi32, #tpu.memory_space<vmem>>) semaphore(%arg15 : memref<!tpu.dma_semaphore, #tpu.memory_space<semaphore_mem>>)
      %dma_wait3A_123 = arith.constant 0 : i32
      %dma_wait3A_124 = arith.constant 0 : i32
      %dma_wait3A_125 = tpu.memref_slice %arg2[%dma_wait3A_123, %dma_wait3A_124] : memref<10000x128xf32, #tpu.memory_space<hbm>> -> memref<10000x128xf32, #tpu.memory_space<hbm>>
      tpu.wait_indirect_dma semaphore(%arg16 : memref<!tpu.dma_semaphore, #tpu.memory_space<semaphore_mem>>) src(%dma_wait3A_125 : memref<10000x128xf32, #tpu.memory_space<hbm>>) dst(%arg11 : memref<96x128xf32, #tpu.memory_space<vmem>>)
      "tpu.region"() ({
        %run_scoped3A = tpu.sem_alloc : memref<!tpu.dma_semaphore, #tpu.memory_space<semaphore_mem>>
        %dma_start3A_136 = arith.constant 0 : i32
        %dma_start3A_137 = arith.constant 0 : i32
        %dma_start3A_138 = tpu.memref_slice %arg12[%dma_start3A_136, %dma_start3A_137] : memref<10112x128xf32, #tpu.memory_space<vmem_shared>> -> memref<10112x128xf32, #tpu.memory_space<vmem_shared>>
        tpu.enqueue_indirect_dma source(%arg11 : memref<96x128xf32, #tpu.memory_space<vmem>>) target(%dma_start3A_138 : memref<10112x128xf32, #tpu.memory_space<vmem_shared>>) offsets(%arg9 : memref<96xi32, #tpu.memory_space<vmem>>) semaphore(%run_scoped3A : memref<!tpu.dma_semaphore, #tpu.memory_space<semaphore_mem>>) {add = true}
        %dma_wait3A_139 = arith.constant 0 : i32
        %dma_wait3A_140 = arith.constant 0 : i32
        %dma_wait3A_141 = tpu.memref_slice %arg12[%dma_wait3A_139, %dma_wait3A_140] : memref<10112x128xf32, #tpu.memory_space<vmem_shared>> -> memref<10112x128xf32, #tpu.memory_space<vmem_shared>>
        tpu.wait_indirect_dma semaphore(%run_scoped3A : memref<!tpu.dma_semaphore, #tpu.memory_space<semaphore_mem>>) src(%arg11 : memref<96x128xf32, #tpu.memory_space<vmem>>) dst(%dma_wait3A_141 : memref<10112x128xf32, #tpu.memory_space<vmem_shared>>)
        tpu.yield
      }) : () -> ()
      %add3A_126 = arith.constant 2 : i32
      %add3A_127 = arith.addi %add3A_110, %add3A_126 : i32
      %mul3A_128 = arith.constant 96 : i32
      %mul3A_129 = arith.muli %add3A_127, %mul3A_128 : i32
      %add3A_130 = arith.addi %mul3A_2, %mul3A_129 : i32
      %dma_start3A_131 = tpu.memref_slice %arg3[%add3A_130] : memref<325632xi32, #tpu.memory_space<hbm>> -> memref<96xi32, #tpu.memory_space<hbm>>
      %dma_start3A_132 = tpu.memref_slice %arg3[%add3A_130] : memref<325632xi32, #tpu.memory_space<hbm>> -> memref<96xi32, #tpu.memory_space<hbm>>
      tpu.enqueue_dma source(%dma_start3A_132 : memref<96xi32, #tpu.memory_space<hbm>>) target(%arg7 : memref<96xi32, #tpu.memory_space<vmem>>) target_semaphore(%arg14 : memref<!tpu.dma_semaphore, #tpu.memory_space<semaphore_mem>>)
      %dma_start3A_133 = tpu.memref_slice %arg4[%add3A_130] : memref<325632xi32, #tpu.memory_space<hbm>> -> memref<96xi32, #tpu.memory_space<hbm>>
      %dma_start3A_134 = tpu.memref_slice %arg4[%add3A_130] : memref<325632xi32, #tpu.memory_space<hbm>> -> memref<96xi32, #tpu.memory_space<hbm>>
      tpu.enqueue_dma source(%dma_start3A_134 : memref<96xi32, #tpu.memory_space<hbm>>) target(%arg9 : memref<96xi32, #tpu.memory_space<vmem>>) target_semaphore(%arg14 : memref<!tpu.dma_semaphore, #tpu.memory_space<semaphore_mem>>)
      %scan3A_135 = arith.constant 0 : i32
      scf.yield %scan3A_135 : i32
    }
    %scan3A_52 = arith.constant 52 : i32
    %add3A_53 = arith.constant 10080 : i32
    %add3A_54 = arith.addi %mul3A_2, %add3A_53 : i32
    %dma_wait3A_55 = tpu.memref_slice %arg3[%add3A_54] : memref<325632xi32, #tpu.memory_space<hbm>> -> memref<96xi32, #tpu.memory_space<hbm>>
    %dma_wait3A_56 = tpu.memref_slice %arg3[%add3A_54] : memref<325632xi32, #tpu.memory_space<hbm>> -> memref<96xi32, #tpu.memory_space<hbm>>
    tpu.wait_dma2 semaphore(%arg14 : memref<!tpu.dma_semaphore, #tpu.memory_space<semaphore_mem>>) src(%dma_wait3A_56 : memref<96xi32, #tpu.memory_space<hbm>>) dst(%arg7 : memref<96xi32, #tpu.memory_space<vmem>>)
    %dma_wait3A_57 = tpu.memref_slice %arg4[%add3A_54] : memref<325632xi32, #tpu.memory_space<hbm>> -> memref<96xi32, #tpu.memory_space<hbm>>
    %dma_wait3A_58 = tpu.memref_slice %arg4[%add3A_54] : memref<325632xi32, #tpu.memory_space<hbm>> -> memref<96xi32, #tpu.memory_space<hbm>>
    tpu.wait_dma2 semaphore(%arg14 : memref<!tpu.dma_semaphore, #tpu.memory_space<semaphore_mem>>) src(%dma_wait3A_58 : memref<96xi32, #tpu.memory_space<hbm>>) dst(%arg9 : memref<96xi32, #tpu.memory_space<vmem>>)
    %dma_start3A_59 = arith.constant 0 : i32
    %dma_start3A_60 = arith.constant 0 : i32
    %dma_start3A_61 = tpu.memref_slice %arg2[%dma_start3A_59, %dma_start3A_60] : memref<10000x128xf32, #tpu.memory_space<hbm>> -> memref<10000x128xf32, #tpu.memory_space<hbm>>
    tpu.enqueue_indirect_dma source(%dma_start3A_61 : memref<10000x128xf32, #tpu.memory_space<hbm>>) target(%arg11 : memref<96x128xf32, #tpu.memory_space<vmem>>) offsets(%arg7 : memref<96xi32, #tpu.memory_space<vmem>>) semaphore(%arg16 : memref<!tpu.dma_semaphore, #tpu.memory_space<semaphore_mem>>)
    %dma_wait3A_62 = arith.constant 0 : i32
    %dma_wait3A_63 = arith.constant 0 : i32
    %dma_wait3A_64 = tpu.memref_slice %arg2[%dma_wait3A_62, %dma_wait3A_63] : memref<10000x128xf32, #tpu.memory_space<hbm>> -> memref<10000x128xf32, #tpu.memory_space<hbm>>
    tpu.wait_indirect_dma semaphore(%arg15 : memref<!tpu.dma_semaphore, #tpu.memory_space<semaphore_mem>>) src(%dma_wait3A_64 : memref<10000x128xf32, #tpu.memory_space<hbm>>) dst(%arg10 : memref<96x128xf32, #tpu.memory_space<vmem>>)
    "tpu.region"() ({
      %run_scoped3A = tpu.sem_alloc : memref<!tpu.dma_semaphore, #tpu.memory_space<semaphore_mem>>
      %dma_start3A_77 = arith.constant 0 : i32
      %dma_start3A_78 = arith.constant 0 : i32
      %dma_start3A_79 = tpu.memref_slice %arg12[%dma_start3A_77, %dma_start3A_78] : memref<10112x128xf32, #tpu.memory_space<vmem_shared>> -> memref<10112x128xf32, #tpu.memory_space<vmem_shared>>
      tpu.enqueue_indirect_dma source(%arg10 : memref<96x128xf32, #tpu.memory_space<vmem>>) target(%dma_start3A_79 : memref<10112x128xf32, #tpu.memory_space<vmem_shared>>) offsets(%arg8 : memref<96xi32, #tpu.memory_space<vmem>>) semaphore(%run_scoped3A : memref<!tpu.dma_semaphore, #tpu.memory_space<semaphore_mem>>) {add = true}
      %dma_wait3A_80 = arith.constant 0 : i32
      %dma_wait3A_81 = arith.constant 0 : i32
      %dma_wait3A_82 = tpu.memref_slice %arg12[%dma_wait3A_80, %dma_wait3A_81] : memref<10112x128xf32, #tpu.memory_space<vmem_shared>> -> memref<10112x128xf32, #tpu.memory_space<vmem_shared>>
      tpu.wait_indirect_dma semaphore(%run_scoped3A : memref<!tpu.dma_semaphore, #tpu.memory_space<semaphore_mem>>) src(%arg10 : memref<96x128xf32, #tpu.memory_space<vmem>>) dst(%dma_wait3A_82 : memref<10112x128xf32, #tpu.memory_space<vmem_shared>>)
      tpu.yield
    }) : () -> ()
    %dma_wait3A_65 = arith.constant 0 : i32
    %dma_wait3A_66 = arith.constant 0 : i32
    %dma_wait3A_67 = tpu.memref_slice %arg2[%dma_wait3A_65, %dma_wait3A_66] : memref<10000x128xf32, #tpu.memory_space<hbm>> -> memref<10000x128xf32, #tpu.memory_space<hbm>>
    tpu.wait_indirect_dma semaphore(%arg16 : memref<!tpu.dma_semaphore, #tpu.memory_space<semaphore_mem>>) src(%dma_wait3A_67 : memref<10000x128xf32, #tpu.memory_space<hbm>>) dst(%arg11 : memref<96x128xf32, #tpu.memory_space<vmem>>)
    "tpu.region"() ({
      %run_scoped3A = tpu.sem_alloc : memref<!tpu.dma_semaphore, #tpu.memory_space<semaphore_mem>>
      %dma_start3A_77 = arith.constant 0 : i32
      %dma_start3A_78 = arith.constant 0 : i32
      %dma_start3A_79 = tpu.memref_slice %arg12[%dma_start3A_77, %dma_start3A_78] : memref<10112x128xf32, #tpu.memory_space<vmem_shared>> -> memref<10112x128xf32, #tpu.memory_space<vmem_shared>>
      tpu.enqueue_indirect_dma source(%arg11 : memref<96x128xf32, #tpu.memory_space<vmem>>) target(%dma_start3A_79 : memref<10112x128xf32, #tpu.memory_space<vmem_shared>>) offsets(%arg9 : memref<96xi32, #tpu.memory_space<vmem>>) semaphore(%run_scoped3A : memref<!tpu.dma_semaphore, #tpu.memory_space<semaphore_mem>>) {add = true}
      %dma_wait3A_80 = arith.constant 0 : i32
      %dma_wait3A_81 = arith.constant 0 : i32
      %dma_wait3A_82 = tpu.memref_slice %arg12[%dma_wait3A_80, %dma_wait3A_81] : memref<10112x128xf32, #tpu.memory_space<vmem_shared>> -> memref<10112x128xf32, #tpu.memory_space<vmem_shared>>
      tpu.wait_indirect_dma semaphore(%run_scoped3A : memref<!tpu.dma_semaphore, #tpu.memory_space<semaphore_mem>>) src(%arg11 : memref<96x128xf32, #tpu.memory_space<vmem>>) dst(%dma_wait3A_82 : memref<10112x128xf32, #tpu.memory_space<vmem_shared>>)
      tpu.yield
    }) : () -> ()
    %barrier3A_68 = arith.constant 0 : index
    tpu.barrier barrier_id(%barrier3A_68)
    %delay3A_69 = arith.constant 2000 : i32
    tpu.delay %delay3A_69
    %barrier3A_70 = arith.constant 0 : index
    tpu.barrier barrier_id(%barrier3A_70)
    %mul3A_71 = arith.constant 624 : i32
    %mul3A_72 = arith.muli %arg1, %mul3A_71 : i32
    %mul3A_73 = arith.constant 624 : i32
    %mul3A_74 = arith.muli %arg1, %mul3A_73 : i32
    "tpu.region"() ({
      %run_scoped3A = tpu.sem_alloc : memref<!tpu.dma_semaphore, #tpu.memory_space<semaphore_mem>>
      %dma_start3A_77 = arith.constant 0 : i32
      %dma_start3A_78 = arith.constant 0 : i32
      %dma_start3A_79 = tpu.memref_slice %arg5[%arg0, %dma_start3A_77, %dma_start3A_78] : memref<2x10000x128xf32, #tpu.memory_space<hbm>> -> memref<1x10000x128xf32, #tpu.memory_space<hbm>>
      %dma_start3A_80 = tpu.memref_squeeze %dma_start3A_79 : memref<1x10000x128xf32, #tpu.memory_space<hbm>> -> memref<10000x128xf32, #tpu.memory_space<hbm>>
      %dma_start3A_81 = arith.constant 0 : i32
      %dma_start3A_82 = tpu.memref_slice %dma_start3A_80[%mul3A_74, %dma_start3A_81] : memref<10000x128xf32, #tpu.memory_space<hbm>> -> memref<624x128xf32, #tpu.memory_space<hbm>>
      %dma_start3A_83 = arith.constant 0 : i32
      %dma_start3A_84 = tpu.memref_slice %arg12[%mul3A_72, %dma_start3A_83] : memref<10112x128xf32, #tpu.memory_space<vmem_shared>> -> memref<624x128xf32, #tpu.memory_space<vmem_shared>>
      tpu.enqueue_dma source(%dma_start3A_84 : memref<624x128xf32, #tpu.memory_space<vmem_shared>>) target(%dma_start3A_82 : memref<624x128xf32, #tpu.memory_space<hbm>>) target_semaphore(%run_scoped3A : memref<!tpu.dma_semaphore, #tpu.memory_space<semaphore_mem>>)
      %dma_wait3A_85 = arith.constant 0 : i32
      %dma_wait3A_86 = arith.constant 0 : i32
      %dma_wait3A_87 = tpu.memref_slice %arg5[%arg0, %dma_wait3A_85, %dma_wait3A_86] : memref<2x10000x128xf32, #tpu.memory_space<hbm>> -> memref<1x10000x128xf32, #tpu.memory_space<hbm>>
      %dma_wait3A_88 = tpu.memref_squeeze %dma_wait3A_87 : memref<1x10000x128xf32, #tpu.memory_space<hbm>> -> memref<10000x128xf32, #tpu.memory_space<hbm>>
      %dma_wait3A_89 = arith.constant 0 : i32
      %dma_wait3A_90 = tpu.memref_slice %dma_wait3A_88[%mul3A_74, %dma_wait3A_89] : memref<10000x128xf32, #tpu.memory_space<hbm>> -> memref<624x128xf32, #tpu.memory_space<hbm>>
      %dma_wait3A_91 = arith.constant 0 : i32
      %dma_wait3A_92 = tpu.memref_slice %arg12[%mul3A_72, %dma_wait3A_91] : memref<10112x128xf32, #tpu.memory_space<vmem_shared>> -> memref<624x128xf32, #tpu.memory_space<vmem_shared>>
      tpu.wait_dma2 semaphore(%run_scoped3A : memref<!tpu.dma_semaphore, #tpu.memory_space<semaphore_mem>>) src(%dma_wait3A_92 : memref<624x128xf32, #tpu.memory_space<vmem_shared>>) dst(%dma_wait3A_90 : memref<624x128xf32, #tpu.memory_space<hbm>>)
      tpu.yield
    }) : () -> ()
    %eq3A = arith.constant 0 : i32
    %eq3A_75 = arith.cmpi eq, %arg1, %eq3A : i32
    %convert_element_type3A = arith.extui %eq3A_75 : i1 to i32
    %cond3A = arith.constant 0 : i32
    %cond3A_76 = arith.cmpi ne, %convert_element_type3A, %cond3A : i32
    scf.if %cond3A_76 {
      "tpu.region"() ({
        %run_scoped3A = tpu.sem_alloc : memref<!tpu.dma_semaphore, #tpu.memory_space<semaphore_mem>>
        %dma_start3A_77 = arith.constant 0 : i32
        %dma_start3A_78 = arith.constant 0 : i32
        %dma_start3A_79 = tpu.memref_slice %arg5[%arg0, %dma_start3A_77, %dma_start3A_78] : memref<2x10000x128xf32, #tpu.memory_space<hbm>> -> memref<1x10000x128xf32, #tpu.memory_space<hbm>>
        %dma_start3A_80 = tpu.memref_squeeze %dma_start3A_79 : memref<1x10000x128xf32, #tpu.memory_space<hbm>> -> memref<10000x128xf32, #tpu.memory_space<hbm>>
        %dma_start3A_81 = arith.constant 9984 : i32
        %dma_start3A_82 = arith.constant 0 : i32
        %dma_start3A_83 = tpu.memref_slice %dma_start3A_80[%dma_start3A_81, %dma_start3A_82] : memref<10000x128xf32, #tpu.memory_space<hbm>> -> memref<16x128xf32, #tpu.memory_space<hbm>>
        %dma_start3A_84 = arith.constant 9984 : i32
        %dma_start3A_85 = arith.constant 0 : i32
        %dma_start3A_86 = tpu.memref_slice %arg12[%dma_start3A_84, %dma_start3A_85] : memref<10112x128xf32, #tpu.memory_space<vmem_shared>> -> memref<16x128xf32, #tpu.memory_space<vmem_shared>>
        tpu.enqueue_dma source(%dma_start3A_86 : memref<16x128xf32, #tpu.memory_space<vmem_shared>>) target(%dma_start3A_83 : memref<16x128xf32, #tpu.memory_space<hbm>>) target_semaphore(%run_scoped3A : memref<!tpu.dma_semaphore, #tpu.memory_space<semaphore_mem>>)
        %dma_wait3A_87 = arith.constant 0 : i32
        %dma_wait3A_88 = arith.constant 0 : i32
        %dma_wait3A_89 = tpu.memref_slice %arg5[%arg0, %dma_wait3A_87, %dma_wait3A_88] : memref<2x10000x128xf32, #tpu.memory_space<hbm>> -> memref<1x10000x128xf32, #tpu.memory_space<hbm>>
        %dma_wait3A_90 = tpu.memref_squeeze %dma_wait3A_89 : memref<1x10000x128xf32, #tpu.memory_space<hbm>> -> memref<10000x128xf32, #tpu.memory_space<hbm>>
        %dma_wait3A_91 = arith.constant 9984 : i32
        %dma_wait3A_92 = arith.constant 0 : i32
        %dma_wait3A_93 = tpu.memref_slice %dma_wait3A_90[%dma_wait3A_91, %dma_wait3A_92] : memref<10000x128xf32, #tpu.memory_space<hbm>> -> memref<16x128xf32, #tpu.memory_space<hbm>>
        %dma_wait3A_94 = arith.constant 9984 : i32
        %dma_wait3A_95 = arith.constant 0 : i32
        %dma_wait3A_96 = tpu.memref_slice %arg12[%dma_wait3A_94, %dma_wait3A_95] : memref<10112x128xf32, #tpu.memory_space<vmem_shared>> -> memref<16x128xf32, #tpu.memory_space<vmem_shared>>
        tpu.wait_dma2 semaphore(%run_scoped3A : memref<!tpu.dma_semaphore, #tpu.memory_space<semaphore_mem>>) src(%dma_wait3A_96 : memref<16x128xf32, #tpu.memory_space<vmem_shared>>) dst(%dma_wait3A_93 : memref<16x128xf32, #tpu.memory_space<hbm>>)
        tpu.yield
      }) : () -> ()
    } else {
    }
    return
  }
}

#map = affine_map<(d0, d1) -> (0, 0)>
#map1 = affine_map<(d0, d1) -> (0)>
#map2 = affine_map<(d0, d1) -> (0, 0, 0)>
module attributes {stable_mosaic.version = 14 : i64} {
  func.func @sc_deg(%arg0: i32, %arg1: i32, %arg2: memref<10000x128xf32, #tpu.memory_space<hbm>>, %arg3: memref<325632xi32, #tpu.memory_space<hbm>>, %arg4: memref<325632xi32, #tpu.memory_space<hbm>>, %arg5: memref<2x10000x128xf32, #tpu.memory_space<hbm>>, %arg6: memref<96xi32, #tpu.memory_space<vmem>>, %arg7: memref<96xi32, #tpu.memory_space<vmem>>, %arg8: memref<96xi32, #tpu.memory_space<vmem>>, %arg9: memref<96xi32, #tpu.memory_space<vmem>>, %arg10: memref<96x128xf32, #tpu.memory_space<vmem>>, %arg11: memref<96x128xf32, #tpu.memory_space<vmem>>, %arg12: memref<10112x128xf32, #tpu.memory_space<vmem_shared>>, %arg13: memref<!tpu.dma_semaphore, #tpu.memory_space<semaphore_mem>>, %arg14: memref<!tpu.dma_semaphore, #tpu.memory_space<semaphore_mem>>, %arg15: memref<!tpu.dma_semaphore, #tpu.memory_space<semaphore_mem>>, %arg16: memref<!tpu.dma_semaphore, #tpu.memory_space<semaphore_mem>>) attributes {dimension_semantics = [#tpu.dimension_semantics<core_parallel>, #tpu.dimension_semantics<subcore_parallel>], iteration_bounds = array<i64: 2, 16>, scalar_prefetch = 0 : i64, scratch_operands = 11 : i64, tpu.core_type = #tpu.core_type<sc_vector_subcore>, window_params = [{transform_indices = #map}, {transform_indices = #map1}, {transform_indices = #map1}, {transform_indices = #map2}]} {
    %mul3A = arith.constant 16 : i32
    %mul3A_0 = arith.muli %arg0, %mul3A : i32
    %add3A = arith.addi %mul3A_0, %arg1 : i32
    %mul3A_1 = arith.constant 10176 : i32
    %mul3A_2 = arith.muli %add3A, %mul3A_1 : i32
    %broadcast_in_dim3A = arith.constant 0.000000e+00 : f32
    %broadcast_in_dim3A_3 = vector.broadcast %broadcast_in_dim3A : f32 to vector<16xf32>
    %scan3A = arith.constant 0 : i32
    %scan3A_4 = arith.constant 0 : i32
    %scan3A_5 = arith.constant 768 : i32
    %scan3A_6 = arith.addi %scan3A_4, %scan3A_5 : i32
    %scan3A_7 = arith.constant 1 : i32
    %scan3A_8 = scf.for %scan3A_74 = %scan3A_4 to %scan3A_6 step %scan3A_7 iter_args(%scan3A_75 = %scan3A) -> (i32)  : i32 {
      %jit3A = arith.constant 8 : i32
      %div3A = arith.divsi %scan3A_74, %jit3A : i32
      %sign3A = arith.constant 0 : i32
      %sign3A_76 = arith.cmpi sgt, %scan3A_74, %sign3A : i32
      %sign3A_77 = arith.extui %sign3A_76 : i1 to i32
      %sign3A_78 = arith.constant 0 : i32
      %sign3A_79 = arith.cmpi slt, %scan3A_74, %sign3A_78 : i32
      %sign3A_80 = arith.extui %sign3A_79 : i1 to i32
      %sign3A_81 = arith.subi %sign3A_77, %sign3A_80 : i32
      %sign3A_82 = arith.constant 0 : i32
      %sign3A_83 = arith.cmpi sgt, %jit3A, %sign3A_82 : i32
      %sign3A_84 = arith.extui %sign3A_83 : i1 to i32
      %sign3A_85 = arith.constant 0 : i32
      %sign3A_86 = arith.cmpi slt, %jit3A, %sign3A_85 : i32
      %sign3A_87 = arith.extui %sign3A_86 : i1 to i32
      %sign3A_88 = arith.subi %sign3A_84, %sign3A_87 : i32
      %ne3A = arith.cmpi ne, %sign3A_81, %sign3A_88 : i32
      %rem3A = arith.remsi %scan3A_74, %jit3A : i32
      %ne3A_89 = arith.constant 0 : i32
      %ne3A_90 = arith.cmpi ne, %rem3A, %ne3A_89 : i32
      %and3A = arith.andi %ne3A, %ne3A_90 : i1
      %sub3A = arith.constant 1 : i32
      %sub3A_91 = arith.subi %div3A, %sub3A : i32
      %select_n3A = arith.select %and3A, %sub3A_91, %div3A : i32
      %jit3A_92 = arith.constant 8 : i32
      %eq3A_93 = arith.constant 0 : i32
      %eq3A_94 = arith.cmpi eq, %jit3A_92, %eq3A_93 : i32
      %jit3A_95 = arith.constant 1 : i32
      %select_n3A_96 = arith.select %eq3A_94, %jit3A_95, %jit3A_92 : i32
      %rem3A_97 = arith.remsi %scan3A_74, %select_n3A_96 : i32
      %ne3A_98 = arith.constant 0 : i32
      %ne3A_99 = arith.cmpi ne, %rem3A_97, %ne3A_98 : i32
      %lt3A = arith.constant 0 : i32
      %lt3A_100 = arith.cmpi slt, %rem3A_97, %lt3A : i32
      %lt3A_101 = arith.constant 0 : i32
      %lt3A_102 = arith.cmpi slt, %select_n3A_96, %lt3A_101 : i32
      %ne3A_103 = arith.xori %lt3A_100, %lt3A_102 : i1
      %and3A_104 = arith.andi %ne3A_103, %ne3A_99 : i1
      %add3A_105 = arith.addi %rem3A_97, %select_n3A_96 : i32
      %select_n3A_106 = arith.select %and3A_104, %add3A_105, %rem3A_97 : i32
      %mul3A_107 = arith.constant 16 : i32
      %mul3A_108 = arith.muli %select_n3A_106, %mul3A_107 : i32
      %swap3A = arith.index_cast %select_n3A : i32 to index
      %swap3A_109 = arith.index_cast %mul3A_108 : i32 to index
      %swap3A_110 = tpu.vector_load %arg10[%swap3A, %swap3A_109] {strides = array<i32>} : memref<96x128xf32, #tpu.memory_space<vmem>>, vector<1x16xf32>,
      %swap3A_111 = vector.shape_cast %swap3A_110 : vector<1x16xf32> to vector<16xf32>
      %swap3A_112 = vector.shape_cast %broadcast_in_dim3A_3 : vector<16xf32> to vector<1x16xf32>
      tpu.vector_store %arg10[%swap3A, %swap3A_109], %swap3A_112 {strides = array<i32>} : memref<96x128xf32, #tpu.memory_space<vmem>>, vector<1x16xf32>,
      %scan3A_113 = arith.constant 0 : i32
      scf.yield %scan3A_113 : i32
    }
    %scan3A_9 = arith.constant 768 : i32
    %mul3A_10 = arith.constant 632 : i32
    %mul3A_11 = arith.muli %arg1, %mul3A_10 : i32
    %add3A_12 = arith.constant 0 : i32
    %add3A_13 = arith.addi %mul3A_11, %add3A_12 : i32
    "tpu.region"() ({
      %run_scoped3A = tpu.sem_alloc : memref<!tpu.dma_semaphore, #tpu.memory_space<semaphore_mem>>
      %dma_start3A_74 = arith.constant 0 : i32
      %dma_start3A_75 = tpu.memref_slice %arg12[%add3A_13, %dma_start3A_74] : memref<10112x128xf32, #tpu.memory_space<vmem_shared>> -> memref<96x128xf32, #tpu.memory_space<vmem_shared>>
      %dma_start3A_76 = arith.constant 0 : i32
      %dma_start3A_77 = tpu.memref_slice %arg12[%add3A_13, %dma_start3A_76] : memref<10112x128xf32, #tpu.memory_space<vmem_shared>> -> memref<96x128xf32, #tpu.memory_space<vmem_shared>>
      tpu.enqueue_dma source(%arg10 : memref<96x128xf32, #tpu.memory_space<vmem>>) target(%dma_start3A_77 : memref<96x128xf32, #tpu.memory_space<vmem_shared>>) target_semaphore(%run_scoped3A : memref<!tpu.dma_semaphore, #tpu.memory_space<semaphore_mem>>)
      %dma_wait3A_78 = arith.constant 0 : i32
      %dma_wait3A_79 = tpu.memref_slice %arg12[%add3A_13, %dma_wait3A_78] : memref<10112x128xf32, #tpu.memory_space<vmem_shared>> -> memref<96x128xf32, #tpu.memory_space<vmem_shared>>
      %dma_wait3A_80 = arith.constant 0 : i32
      %dma_wait3A_81 = tpu.memref_slice %arg12[%add3A_13, %dma_wait3A_80] : memref<10112x128xf32, #tpu.memory_space<vmem_shared>> -> memref<96x128xf32, #tpu.memory_space<vmem_shared>>
      tpu.wait_dma2 semaphore(%run_scoped3A : memref<!tpu.dma_semaphore, #tpu.memory_space<semaphore_mem>>) src(%arg10 : memref<96x128xf32, #tpu.memory_space<vmem>>) dst(%dma_wait3A_81 : memref<96x128xf32, #tpu.memory_space<vmem_shared>>)
      tpu.yield
    }) : () -> ()
    %add3A_14 = arith.constant 96 : i32
    %add3A_15 = arith.addi %mul3A_11, %add3A_14 : i32
    "tpu.region"() ({
      %run_scoped3A = tpu.sem_alloc : memref<!tpu.dma_semaphore, #tpu.memory_space<semaphore_mem>>
      %dma_start3A_74 = arith.constant 0 : i32
      %dma_start3A_75 = tpu.memref_slice %arg12[%add3A_15, %dma_start3A_74] : memref<10112x128xf32, #tpu.memory_space<vmem_shared>> -> memref<96x128xf32, #tpu.memory_space<vmem_shared>>
      %dma_start3A_76 = arith.constant 0 : i32
      %dma_start3A_77 = tpu.memref_slice %arg12[%add3A_15, %dma_start3A_76] : memref<10112x128xf32, #tpu.memory_space<vmem_shared>> -> memref<96x128xf32, #tpu.memory_space<vmem_shared>>
      tpu.enqueue_dma source(%arg10 : memref<96x128xf32, #tpu.memory_space<vmem>>) target(%dma_start3A_77 : memref<96x128xf32, #tpu.memory_space<vmem_shared>>) target_semaphore(%run_scoped3A : memref<!tpu.dma_semaphore, #tpu.memory_space<semaphore_mem>>)
      %dma_wait3A_78 = arith.constant 0 : i32
      %dma_wait3A_79 = tpu.memref_slice %arg12[%add3A_15, %dma_wait3A_78] : memref<10112x128xf32, #tpu.memory_space<vmem_shared>> -> memref<96x128xf32, #tpu.memory_space<vmem_shared>>
      %dma_wait3A_80 = arith.constant 0 : i32
      %dma_wait3A_81 = tpu.memref_slice %arg12[%add3A_15, %dma_wait3A_80] : memref<10112x128xf32, #tpu.memory_space<vmem_shared>> -> memref<96x128xf32, #tpu.memory_space<vmem_shared>>
      tpu.wait_dma2 semaphore(%run_scoped3A : memref<!tpu.dma_semaphore, #tpu.memory_space<semaphore_mem>>) src(%arg10 : memref<96x128xf32, #tpu.memory_space<vmem>>) dst(%dma_wait3A_81 : memref<96x128xf32, #tpu.memory_space<vmem_shared>>)
      tpu.yield
    }) : () -> ()
    %add3A_16 = arith.constant 192 : i32
    %add3A_17 = arith.addi %mul3A_11, %add3A_16 : i32
    "tpu.region"() ({
      %run_scoped3A = tpu.sem_alloc : memref<!tpu.dma_semaphore, #tpu.memory_space<semaphore_mem>>
      %dma_start3A_74 = arith.constant 0 : i32
      %dma_start3A_75 = tpu.memref_slice %arg12[%add3A_17, %dma_start3A_74] : memref<10112x128xf32, #tpu.memory_space<vmem_shared>> -> memref<96x128xf32, #tpu.memory_space<vmem_shared>>
      %dma_start3A_76 = arith.constant 0 : i32
      %dma_start3A_77 = tpu.memref_slice %arg12[%add3A_17, %dma_start3A_76] : memref<10112x128xf32, #tpu.memory_space<vmem_shared>> -> memref<96x128xf32, #tpu.memory_space<vmem_shared>>
      tpu.enqueue_dma source(%arg10 : memref<96x128xf32, #tpu.memory_space<vmem>>) target(%dma_start3A_77 : memref<96x128xf32, #tpu.memory_space<vmem_shared>>) target_semaphore(%run_scoped3A : memref<!tpu.dma_semaphore, #tpu.memory_space<semaphore_mem>>)
      %dma_wait3A_78 = arith.constant 0 : i32
      %dma_wait3A_79 = tpu.memref_slice %arg12[%add3A_17, %dma_wait3A_78] : memref<10112x128xf32, #tpu.memory_space<vmem_shared>> -> memref<96x128xf32, #tpu.memory_space<vmem_shared>>
      %dma_wait3A_80 = arith.constant 0 : i32
      %dma_wait3A_81 = tpu.memref_slice %arg12[%add3A_17, %dma_wait3A_80] : memref<10112x128xf32, #tpu.memory_space<vmem_shared>> -> memref<96x128xf32, #tpu.memory_space<vmem_shared>>
      tpu.wait_dma2 semaphore(%run_scoped3A : memref<!tpu.dma_semaphore, #tpu.memory_space<semaphore_mem>>) src(%arg10 : memref<96x128xf32, #tpu.memory_space<vmem>>) dst(%dma_wait3A_81 : memref<96x128xf32, #tpu.memory_space<vmem_shared>>)
      tpu.yield
    }) : () -> ()
    %add3A_18 = arith.constant 288 : i32
    %add3A_19 = arith.addi %mul3A_11, %add3A_18 : i32
    "tpu.region"() ({
      %run_scoped3A = tpu.sem_alloc : memref<!tpu.dma_semaphore, #tpu.memory_space<semaphore_mem>>
      %dma_start3A_74 = arith.constant 0 : i32
      %dma_start3A_75 = tpu.memref_slice %arg12[%add3A_19, %dma_start3A_74] : memref<10112x128xf32, #tpu.memory_space<vmem_shared>> -> memref<96x128xf32, #tpu.memory_space<vmem_shared>>
      %dma_start3A_76 = arith.constant 0 : i32
      %dma_start3A_77 = tpu.memref_slice %arg12[%add3A_19, %dma_start3A_76] : memref<10112x128xf32, #tpu.memory_space<vmem_shared>> -> memref<96x128xf32, #tpu.memory_space<vmem_shared>>
      tpu.enqueue_dma source(%arg10 : memref<96x128xf32, #tpu.memory_space<vmem>>) target(%dma_start3A_77 : memref<96x128xf32, #tpu.memory_space<vmem_shared>>) target_semaphore(%run_scoped3A : memref<!tpu.dma_semaphore, #tpu.memory_space<semaphore_mem>>)
      %dma_wait3A_78 = arith.constant 0 : i32
      %dma_wait3A_79 = tpu.memref_slice %arg12[%add3A_19, %dma_wait3A_78] : memref<10112x128xf32, #tpu.memory_space<vmem_shared>> -> memref<96x128xf32, #tpu.memory_space<vmem_shared>>
      %dma_wait3A_80 = arith.constant 0 : i32
      %dma_wait3A_81 = tpu.memref_slice %arg12[%add3A_19, %dma_wait3A_80] : memref<10112x128xf32, #tpu.memory_space<vmem_shared>> -> memref<96x128xf32, #tpu.memory_space<vmem_shared>>
      tpu.wait_dma2 semaphore(%run_scoped3A : memref<!tpu.dma_semaphore, #tpu.memory_space<semaphore_mem>>) src(%arg10 : memref<96x128xf32, #tpu.memory_space<vmem>>) dst(%dma_wait3A_81 : memref<96x128xf32, #tpu.memory_space<vmem_shared>>)
      tpu.yield
    }) : () -> ()
    %add3A_20 = arith.constant 384 : i32
    %add3A_21 = arith.addi %mul3A_11, %add3A_20 : i32
    "tpu.region"() ({
      %run_scoped3A = tpu.sem_alloc : memref<!tpu.dma_semaphore, #tpu.memory_space<semaphore_mem>>
      %dma_start3A_74 = arith.constant 0 : i32
      %dma_start3A_75 = tpu.memref_slice %arg12[%add3A_21, %dma_start3A_74] : memref<10112x128xf32, #tpu.memory_space<vmem_shared>> -> memref<96x128xf32, #tpu.memory_space<vmem_shared>>
      %dma_start3A_76 = arith.constant 0 : i32
      %dma_start3A_77 = tpu.memref_slice %arg12[%add3A_21, %dma_start3A_76] : memref<10112x128xf32, #tpu.memory_space<vmem_shared>> -> memref<96x128xf32, #tpu.memory_space<vmem_shared>>
      tpu.enqueue_dma source(%arg10 : memref<96x128xf32, #tpu.memory_space<vmem>>) target(%dma_start3A_77 : memref<96x128xf32, #tpu.memory_space<vmem_shared>>) target_semaphore(%run_scoped3A : memref<!tpu.dma_semaphore, #tpu.memory_space<semaphore_mem>>)
      %dma_wait3A_78 = arith.constant 0 : i32
      %dma_wait3A_79 = tpu.memref_slice %arg12[%add3A_21, %dma_wait3A_78] : memref<10112x128xf32, #tpu.memory_space<vmem_shared>> -> memref<96x128xf32, #tpu.memory_space<vmem_shared>>
      %dma_wait3A_80 = arith.constant 0 : i32
      %dma_wait3A_81 = tpu.memref_slice %arg12[%add3A_21, %dma_wait3A_80] : memref<10112x128xf32, #tpu.memory_space<vmem_shared>> -> memref<96x128xf32, #tpu.memory_space<vmem_shared>>
      tpu.wait_dma2 semaphore(%run_scoped3A : memref<!tpu.dma_semaphore, #tpu.memory_space<semaphore_mem>>) src(%arg10 : memref<96x128xf32, #tpu.memory_space<vmem>>) dst(%dma_wait3A_81 : memref<96x128xf32, #tpu.memory_space<vmem_shared>>)
      tpu.yield
    }) : () -> ()
    %add3A_22 = arith.constant 480 : i32
    %add3A_23 = arith.addi %mul3A_11, %add3A_22 : i32
    "tpu.region"() ({
      %run_scoped3A = tpu.sem_alloc : memref<!tpu.dma_semaphore, #tpu.memory_space<semaphore_mem>>
      %dma_start3A_74 = arith.constant 0 : i32
      %dma_start3A_75 = tpu.memref_slice %arg12[%add3A_23, %dma_start3A_74] : memref<10112x128xf32, #tpu.memory_space<vmem_shared>> -> memref<96x128xf32, #tpu.memory_space<vmem_shared>>
      %dma_start3A_76 = arith.constant 0 : i32
      %dma_start3A_77 = tpu.memref_slice %arg12[%add3A_23, %dma_start3A_76] : memref<10112x128xf32, #tpu.memory_space<vmem_shared>> -> memref<96x128xf32, #tpu.memory_space<vmem_shared>>
      tpu.enqueue_dma source(%arg10 : memref<96x128xf32, #tpu.memory_space<vmem>>) target(%dma_start3A_77 : memref<96x128xf32, #tpu.memory_space<vmem_shared>>) target_semaphore(%run_scoped3A : memref<!tpu.dma_semaphore, #tpu.memory_space<semaphore_mem>>)
      %dma_wait3A_78 = arith.constant 0 : i32
      %dma_wait3A_79 = tpu.memref_slice %arg12[%add3A_23, %dma_wait3A_78] : memref<10112x128xf32, #tpu.memory_space<vmem_shared>> -> memref<96x128xf32, #tpu.memory_space<vmem_shared>>
      %dma_wait3A_80 = arith.constant 0 : i32
      %dma_wait3A_81 = tpu.memref_slice %arg12[%add3A_23, %dma_wait3A_80] : memref<10112x128xf32, #tpu.memory_space<vmem_shared>> -> memref<96x128xf32, #tpu.memory_space<vmem_shared>>
      tpu.wait_dma2 semaphore(%run_scoped3A : memref<!tpu.dma_semaphore, #tpu.memory_space<semaphore_mem>>) src(%arg10 : memref<96x128xf32, #tpu.memory_space<vmem>>) dst(%dma_wait3A_81 : memref<96x128xf32, #tpu.memory_space<vmem_shared>>)
      tpu.yield
    }) : () -> ()
    %add3A_24 = arith.constant 576 : i32
    %add3A_25 = arith.addi %mul3A_11, %add3A_24 : i32
    "tpu.region"() ({
      %run_scoped3A = tpu.sem_alloc : memref<!tpu.dma_semaphore, #tpu.memory_space<semaphore_mem>>
      %dma_start3A_74 = arith.constant 0 : i32
      %dma_start3A_75 = arith.constant 0 : i32
      %dma_start3A_76 = tpu.memref_slice %arg10[%dma_start3A_74, %dma_start3A_75] : memref<96x128xf32, #tpu.memory_space<vmem>> -> memref<56x128xf32, #tpu.memory_space<vmem>>
      %dma_start3A_77 = arith.constant 0 : i32
      %dma_start3A_78 = tpu.memref_slice %arg12[%add3A_25, %dma_start3A_77] : memref<10112x128xf32, #tpu.memory_space<vmem_shared>> -> memref<56x128xf32, #tpu.memory_space<vmem_shared>>
      %dma_start3A_79 = arith.constant 0 : i32
      %dma_start3A_80 = tpu.memref_slice %arg12[%add3A_25, %dma_start3A_79] : memref<10112x128xf32, #tpu.memory_space<vmem_shared>> -> memref<56x128xf32, #tpu.memory_space<vmem_shared>>
      %dma_start3A_81 = arith.constant 0 : i32
      %dma_start3A_82 = arith.constant 0 : i32
      %dma_start3A_83 = tpu.memref_slice %arg10[%dma_start3A_81, %dma_start3A_82] : memref<96x128xf32, #tpu.memory_space<vmem>> -> memref<56x128xf32, #tpu.memory_space<vmem>>
      tpu.enqueue_dma source(%dma_start3A_83 : memref<56x128xf32, #tpu.memory_space<vmem>>) target(%dma_start3A_80 : memref<56x128xf32, #tpu.memory_space<vmem_shared>>) target_semaphore(%run_scoped3A : memref<!tpu.dma_semaphore, #tpu.memory_space<semaphore_mem>>)
      %dma_wait3A_84 = arith.constant 0 : i32
      %dma_wait3A_85 = arith.constant 0 : i32
      %dma_wait3A_86 = tpu.memref_slice %arg10[%dma_wait3A_84, %dma_wait3A_85] : memref<96x128xf32, #tpu.memory_space<vmem>> -> memref<56x128xf32, #tpu.memory_space<vmem>>
      %dma_wait3A_87 = arith.constant 0 : i32
      %dma_wait3A_88 = tpu.memref_slice %arg12[%add3A_25, %dma_wait3A_87] : memref<10112x128xf32, #tpu.memory_space<vmem_shared>> -> memref<56x128xf32, #tpu.memory_space<vmem_shared>>
      %dma_wait3A_89 = arith.constant 0 : i32
      %dma_wait3A_90 = tpu.memref_slice %arg12[%add3A_25, %dma_wait3A_89] : memref<10112x128xf32, #tpu.memory_space<vmem_shared>> -> memref<56x128xf32, #tpu.memory_space<vmem_shared>>
      %dma_wait3A_91 = arith.constant 0 : i32
      %dma_wait3A_92 = arith.constant 0 : i32
      %dma_wait3A_93 = tpu.memref_slice %arg10[%dma_wait3A_91, %dma_wait3A_92] : memref<96x128xf32, #tpu.memory_space<vmem>> -> memref<56x128xf32, #tpu.memory_space<vmem>>
      tpu.wait_dma2 semaphore(%run_scoped3A : memref<!tpu.dma_semaphore, #tpu.memory_space<semaphore_mem>>) src(%dma_wait3A_93 : memref<56x128xf32, #tpu.memory_space<vmem>>) dst(%dma_wait3A_90 : memref<56x128xf32, #tpu.memory_space<vmem_shared>>)
      tpu.yield
    }) : () -> ()
    %broadcast_in_dim3A_26 = arith.constant 1.000000e+00 : f32
    %broadcast_in_dim3A_27 = vector.broadcast %broadcast_in_dim3A_26 : f32 to vector<16xf32>
    %scan3A_28 = arith.constant 0 : i32
    %scan3A_29 = arith.constant 0 : i32
    %scan3A_30 = arith.constant 768 : i32
    %scan3A_31 = arith.addi %scan3A_29, %scan3A_30 : i32
    %scan3A_32 = arith.constant 1 : i32
    %scan3A_33 = scf.for %scan3A_74 = %scan3A_29 to %scan3A_31 step %scan3A_32 iter_args(%scan3A_75 = %scan3A_28) -> (i32)  : i32 {
      %jit3A = arith.constant 8 : i32
      %div3A = arith.divsi %scan3A_74, %jit3A : i32
      %sign3A = arith.constant 0 : i32
      %sign3A_76 = arith.cmpi sgt, %scan3A_74, %sign3A : i32
      %sign3A_77 = arith.extui %sign3A_76 : i1 to i32
      %sign3A_78 = arith.constant 0 : i32
      %sign3A_79 = arith.cmpi slt, %scan3A_74, %sign3A_78 : i32
      %sign3A_80 = arith.extui %sign3A_79 : i1 to i32
      %sign3A_81 = arith.subi %sign3A_77, %sign3A_80 : i32
      %sign3A_82 = arith.constant 0 : i32
      %sign3A_83 = arith.cmpi sgt, %jit3A, %sign3A_82 : i32
      %sign3A_84 = arith.extui %sign3A_83 : i1 to i32
      %sign3A_85 = arith.constant 0 : i32
      %sign3A_86 = arith.cmpi slt, %jit3A, %sign3A_85 : i32
      %sign3A_87 = arith.extui %sign3A_86 : i1 to i32
      %sign3A_88 = arith.subi %sign3A_84, %sign3A_87 : i32
      %ne3A = arith.cmpi ne, %sign3A_81, %sign3A_88 : i32
      %rem3A = arith.remsi %scan3A_74, %jit3A : i32
      %ne3A_89 = arith.constant 0 : i32
      %ne3A_90 = arith.cmpi ne, %rem3A, %ne3A_89 : i32
      %and3A = arith.andi %ne3A, %ne3A_90 : i1
      %sub3A = arith.constant 1 : i32
      %sub3A_91 = arith.subi %div3A, %sub3A : i32
      %select_n3A = arith.select %and3A, %sub3A_91, %div3A : i32
      %jit3A_92 = arith.constant 8 : i32
      %eq3A_93 = arith.constant 0 : i32
      %eq3A_94 = arith.cmpi eq, %jit3A_92, %eq3A_93 : i32
      %jit3A_95 = arith.constant 1 : i32
      %select_n3A_96 = arith.select %eq3A_94, %jit3A_95, %jit3A_92 : i32
      %rem3A_97 = arith.remsi %scan3A_74, %select_n3A_96 : i32
      %ne3A_98 = arith.constant 0 : i32
      %ne3A_99 = arith.cmpi ne, %rem3A_97, %ne3A_98 : i32
      %lt3A = arith.constant 0 : i32
      %lt3A_100 = arith.cmpi slt, %rem3A_97, %lt3A : i32
      %lt3A_101 = arith.constant 0 : i32
      %lt3A_102 = arith.cmpi slt, %select_n3A_96, %lt3A_101 : i32
      %ne3A_103 = arith.xori %lt3A_100, %lt3A_102 : i1
      %and3A_104 = arith.andi %ne3A_103, %ne3A_99 : i1
      %add3A_105 = arith.addi %rem3A_97, %select_n3A_96 : i32
      %select_n3A_106 = arith.select %and3A_104, %add3A_105, %rem3A_97 : i32
      %mul3A_107 = arith.constant 16 : i32
      %mul3A_108 = arith.muli %select_n3A_106, %mul3A_107 : i32
      %swap3A = arith.index_cast %select_n3A : i32 to index
      %swap3A_109 = arith.index_cast %mul3A_108 : i32 to index
      %swap3A_110 = tpu.vector_load %arg10[%swap3A, %swap3A_109] {strides = array<i32>} : memref<96x128xf32, #tpu.memory_space<vmem>>, vector<1x16xf32>,
      %swap3A_111 = vector.shape_cast %swap3A_110 : vector<1x16xf32> to vector<16xf32>
      %swap3A_112 = vector.shape_cast %broadcast_in_dim3A_27 : vector<16xf32> to vector<1x16xf32>
      tpu.vector_store %arg10[%swap3A, %swap3A_109], %swap3A_112 {strides = array<i32>} : memref<96x128xf32, #tpu.memory_space<vmem>>, vector<1x16xf32>,
      %jit3A_113 = arith.constant 8 : i32
      %div3A_114 = arith.divsi %scan3A_74, %jit3A_113 : i32
      %sign3A_115 = arith.constant 0 : i32
      %sign3A_116 = arith.cmpi sgt, %scan3A_74, %sign3A_115 : i32
      %sign3A_117 = arith.extui %sign3A_116 : i1 to i32
      %sign3A_118 = arith.constant 0 : i32
      %sign3A_119 = arith.cmpi slt, %scan3A_74, %sign3A_118 : i32
      %sign3A_120 = arith.extui %sign3A_119 : i1 to i32
      %sign3A_121 = arith.subi %sign3A_117, %sign3A_120 : i32
      %sign3A_122 = arith.constant 0 : i32
      %sign3A_123 = arith.cmpi sgt, %jit3A_113, %sign3A_122 : i32
      %sign3A_124 = arith.extui %sign3A_123 : i1 to i32
      %sign3A_125 = arith.constant 0 : i32
      %sign3A_126 = arith.cmpi slt, %jit3A_113, %sign3A_125 : i32
      %sign3A_127 = arith.extui %sign3A_126 : i1 to i32
      %sign3A_128 = arith.subi %sign3A_124, %sign3A_127 : i32
      %ne3A_129 = arith.cmpi ne, %sign3A_121, %sign3A_128 : i32
      %rem3A_130 = arith.remsi %scan3A_74, %jit3A_113 : i32
      %ne3A_131 = arith.constant 0 : i32
      %ne3A_132 = arith.cmpi ne, %rem3A_130, %ne3A_131 : i32
      %and3A_133 = arith.andi %ne3A_129, %ne3A_132 : i1
      %sub3A_134 = arith.constant 1 : i32
      %sub3A_135 = arith.subi %div3A_114, %sub3A_134 : i32
      %select_n3A_136 = arith.select %and3A_133, %sub3A_135, %div3A_114 : i32
      %jit3A_137 = arith.constant 8 : i32
      %eq3A_138 = arith.constant 0 : i32
      %eq3A_139 = arith.cmpi eq, %jit3A_137, %eq3A_138 : i32
      %jit3A_140 = arith.constant 1 : i32
      %select_n3A_141 = arith.select %eq3A_139, %jit3A_140, %jit3A_137 : i32
      %rem3A_142 = arith.remsi %scan3A_74, %select_n3A_141 : i32
      %ne3A_143 = arith.constant 0 : i32
      %ne3A_144 = arith.cmpi ne, %rem3A_142, %ne3A_143 : i32
      %lt3A_145 = arith.constant 0 : i32
      %lt3A_146 = arith.cmpi slt, %rem3A_142, %lt3A_145 : i32
      %lt3A_147 = arith.constant 0 : i32
      %lt3A_148 = arith.cmpi slt, %select_n3A_141, %lt3A_147 : i32
      %ne3A_149 = arith.xori %lt3A_146, %lt3A_148 : i1
      %and3A_150 = arith.andi %ne3A_149, %ne3A_144 : i1
      %add3A_151 = arith.addi %rem3A_142, %select_n3A_141 : i32
      %select_n3A_152 = arith.select %and3A_150, %add3A_151, %rem3A_142 : i32
      %mul3A_153 = arith.constant 16 : i32
      %mul3A_154 = arith.muli %select_n3A_152, %mul3A_153 : i32
      %swap3A_155 = arith.index_cast %select_n3A_136 : i32 to index
      %swap3A_156 = arith.index_cast %mul3A_154 : i32 to index
      %swap3A_157 = tpu.vector_load %arg11[%swap3A_155, %swap3A_156] {strides = array<i32>} : memref<96x128xf32, #tpu.memory_space<vmem>>, vector<1x16xf32>,
      %swap3A_158 = vector.shape_cast %swap3A_157 : vector<1x16xf32> to vector<16xf32>
      %swap3A_159 = vector.shape_cast %broadcast_in_dim3A_27 : vector<16xf32> to vector<1x16xf32>
      tpu.vector_store %arg11[%swap3A_155, %swap3A_156], %swap3A_159 {strides = array<i32>} : memref<96x128xf32, #tpu.memory_space<vmem>>, vector<1x16xf32>,
      %scan3A_160 = arith.constant 0 : i32
      scf.yield %scan3A_160 : i32
    }
    %scan3A_34 = arith.constant 768 : i32
    %barrier3A = arith.constant 0 : index
    tpu.barrier barrier_id(%barrier3A)
    %delay3A = arith.constant 2000 : i32
    tpu.delay %delay3A
    %barrier3A_35 = arith.constant 0 : index
    tpu.barrier barrier_id(%barrier3A_35)
    %add3A_36 = arith.constant 0 : i32
    %add3A_37 = arith.addi %mul3A_2, %add3A_36 : i32
    %dma_start3A = tpu.memref_slice %arg3[%add3A_37] : memref<325632xi32, #tpu.memory_space<hbm>> -> memref<96xi32, #tpu.memory_space<hbm>>
    %dma_start3A_38 = tpu.memref_slice %arg3[%add3A_37] : memref<325632xi32, #tpu.memory_space<hbm>> -> memref<96xi32, #tpu.memory_space<hbm>>
    tpu.enqueue_dma source(%dma_start3A_38 : memref<96xi32, #tpu.memory_space<hbm>>) target(%arg6 : memref<96xi32, #tpu.memory_space<vmem>>) target_semaphore(%arg13 : memref<!tpu.dma_semaphore, #tpu.memory_space<semaphore_mem>>)
    %dma_start3A_39 = tpu.memref_slice %arg4[%add3A_37] : memref<325632xi32, #tpu.memory_space<hbm>> -> memref<96xi32, #tpu.memory_space<hbm>>
    %dma_start3A_40 = tpu.memref_slice %arg4[%add3A_37] : memref<325632xi32, #tpu.memory_space<hbm>> -> memref<96xi32, #tpu.memory_space<hbm>>
    tpu.enqueue_dma source(%dma_start3A_40 : memref<96xi32, #tpu.memory_space<hbm>>) target(%arg8 : memref<96xi32, #tpu.memory_space<vmem>>) target_semaphore(%arg13 : memref<!tpu.dma_semaphore, #tpu.memory_space<semaphore_mem>>)
    %add3A_41 = arith.constant 96 : i32
    %add3A_42 = arith.addi %mul3A_2, %add3A_41 : i32
    %dma_start3A_43 = tpu.memref_slice %arg3[%add3A_42] : memref<325632xi32, #tpu.memory_space<hbm>> -> memref<96xi32, #tpu.memory_space<hbm>>
    %dma_start3A_44 = tpu.memref_slice %arg3[%add3A_42] : memref<325632xi32, #tpu.memory_space<hbm>> -> memref<96xi32, #tpu.memory_space<hbm>>
    tpu.enqueue_dma source(%dma_start3A_44 : memref<96xi32, #tpu.memory_space<hbm>>) target(%arg7 : memref<96xi32, #tpu.memory_space<vmem>>) target_semaphore(%arg14 : memref<!tpu.dma_semaphore, #tpu.memory_space<semaphore_mem>>)
    %dma_start3A_45 = tpu.memref_slice %arg4[%add3A_42] : memref<325632xi32, #tpu.memory_space<hbm>> -> memref<96xi32, #tpu.memory_space<hbm>>
    %dma_start3A_46 = tpu.memref_slice %arg4[%add3A_42] : memref<325632xi32, #tpu.memory_space<hbm>> -> memref<96xi32, #tpu.memory_space<hbm>>
    tpu.enqueue_dma source(%dma_start3A_46 : memref<96xi32, #tpu.memory_space<hbm>>) target(%arg9 : memref<96xi32, #tpu.memory_space<vmem>>) target_semaphore(%arg14 : memref<!tpu.dma_semaphore, #tpu.memory_space<semaphore_mem>>)
    %add3A_47 = arith.constant 0 : i32
    %add3A_48 = arith.addi %mul3A_2, %add3A_47 : i32
    %dma_wait3A = tpu.memref_slice %arg3[%add3A_48] : memref<325632xi32, #tpu.memory_space<hbm>> -> memref<96xi32, #tpu.memory_space<hbm>>
    %dma_wait3A_49 = tpu.memref_slice %arg3[%add3A_48] : memref<325632xi32, #tpu.memory_space<hbm>> -> memref<96xi32, #tpu.memory_space<hbm>>
    tpu.wait_dma2 semaphore(%arg13 : memref<!tpu.dma_semaphore, #tpu.memory_space<semaphore_mem>>) src(%dma_wait3A_49 : memref<96xi32, #tpu.memory_space<hbm>>) dst(%arg6 : memref<96xi32, #tpu.memory_space<vmem>>)
    %dma_wait3A_50 = tpu.memref_slice %arg4[%add3A_48] : memref<325632xi32, #tpu.memory_space<hbm>> -> memref<96xi32, #tpu.memory_space<hbm>>
    %dma_wait3A_51 = tpu.memref_slice %arg4[%add3A_48] : memref<325632xi32, #tpu.memory_space<hbm>> -> memref<96xi32, #tpu.memory_space<hbm>>
    tpu.wait_dma2 semaphore(%arg13 : memref<!tpu.dma_semaphore, #tpu.memory_space<semaphore_mem>>) src(%dma_wait3A_51 : memref<96xi32, #tpu.memory_space<hbm>>) dst(%arg8 : memref<96xi32, #tpu.memory_space<vmem>>)
    %scan3A_52 = arith.constant 0 : i32
    %scan3A_53 = arith.constant 0 : i32
    %scan3A_54 = arith.constant 52 : i32
    %scan3A_55 = arith.addi %scan3A_53, %scan3A_54 : i32
    %scan3A_56 = arith.constant 1 : i32
    %scan3A_57 = scf.for %scan3A_74 = %scan3A_53 to %scan3A_55 step %scan3A_56 iter_args(%scan3A_75 = %scan3A_52) -> (i32)  : i32 {
      %mul3A_76 = arith.constant 2 : i32
      %mul3A_77 = arith.muli %mul3A_76, %scan3A_74 : i32
      %add3A_78 = arith.constant 0 : i32
      %add3A_79 = arith.addi %mul3A_77, %add3A_78 : i32
      %add3A_80 = arith.constant 1 : i32
      %add3A_81 = arith.addi %add3A_79, %add3A_80 : i32
      %mul3A_82 = arith.constant 96 : i32
      %mul3A_83 = arith.muli %add3A_81, %mul3A_82 : i32
      %add3A_84 = arith.addi %mul3A_2, %mul3A_83 : i32
      %dma_wait3A_85 = tpu.memref_slice %arg3[%add3A_84] : memref<325632xi32, #tpu.memory_space<hbm>> -> memref<96xi32, #tpu.memory_space<hbm>>
      %dma_wait3A_86 = tpu.memref_slice %arg3[%add3A_84] : memref<325632xi32, #tpu.memory_space<hbm>> -> memref<96xi32, #tpu.memory_space<hbm>>
      tpu.wait_dma2 semaphore(%arg14 : memref<!tpu.dma_semaphore, #tpu.memory_space<semaphore_mem>>) src(%dma_wait3A_86 : memref<96xi32, #tpu.memory_space<hbm>>) dst(%arg7 : memref<96xi32, #tpu.memory_space<vmem>>)
      %dma_wait3A_87 = tpu.memref_slice %arg4[%add3A_84] : memref<325632xi32, #tpu.memory_space<hbm>> -> memref<96xi32, #tpu.memory_space<hbm>>
      %dma_wait3A_88 = tpu.memref_slice %arg4[%add3A_84] : memref<325632xi32, #tpu.memory_space<hbm>> -> memref<96xi32, #tpu.memory_space<hbm>>
      tpu.wait_dma2 semaphore(%arg14 : memref<!tpu.dma_semaphore, #tpu.memory_space<semaphore_mem>>) src(%dma_wait3A_88 : memref<96xi32, #tpu.memory_space<hbm>>) dst(%arg9 : memref<96xi32, #tpu.memory_space<vmem>>)
      "tpu.region"() ({
        %run_scoped3A = tpu.sem_alloc : memref<!tpu.dma_semaphore, #tpu.memory_space<semaphore_mem>>
        %dma_start3A_121 = arith.constant 0 : i32
        %dma_start3A_122 = arith.constant 0 : i32
        %dma_start3A_123 = tpu.memref_slice %arg12[%dma_start3A_121, %dma_start3A_122] : memref<10112x128xf32, #tpu.memory_space<vmem_shared>> -> memref<10112x128xf32, #tpu.memory_space<vmem_shared>>
        tpu.enqueue_indirect_dma source(%arg10 : memref<96x128xf32, #tpu.memory_space<vmem>>) target(%dma_start3A_123 : memref<10112x128xf32, #tpu.memory_space<vmem_shared>>) offsets(%arg8 : memref<96xi32, #tpu.memory_space<vmem>>) semaphore(%run_scoped3A : memref<!tpu.dma_semaphore, #tpu.memory_space<semaphore_mem>>) {add = true}
        %dma_wait3A_124 = arith.constant 0 : i32
        %dma_wait3A_125 = arith.constant 0 : i32
        %dma_wait3A_126 = tpu.memref_slice %arg12[%dma_wait3A_124, %dma_wait3A_125] : memref<10112x128xf32, #tpu.memory_space<vmem_shared>> -> memref<10112x128xf32, #tpu.memory_space<vmem_shared>>
        tpu.wait_indirect_dma semaphore(%run_scoped3A : memref<!tpu.dma_semaphore, #tpu.memory_space<semaphore_mem>>) src(%arg10 : memref<96x128xf32, #tpu.memory_space<vmem>>) dst(%dma_wait3A_126 : memref<10112x128xf32, #tpu.memory_space<vmem_shared>>)
        tpu.yield
      }) : () -> ()
      %add3A_89 = arith.constant 2 : i32
      %add3A_90 = arith.addi %add3A_79, %add3A_89 : i32
      %mul3A_91 = arith.constant 96 : i32
      %mul3A_92 = arith.muli %add3A_90, %mul3A_91 : i32
      %add3A_93 = arith.addi %mul3A_2, %mul3A_92 : i32
      %dma_start3A_94 = tpu.memref_slice %arg3[%add3A_93] : memref<325632xi32, #tpu.memory_space<hbm>> -> memref<96xi32, #tpu.memory_space<hbm>>
      %dma_start3A_95 = tpu.memref_slice %arg3[%add3A_93] : memref<325632xi32, #tpu.memory_space<hbm>> -> memref<96xi32, #tpu.memory_space<hbm>>
      tpu.enqueue_dma source(%dma_start3A_95 : memref<96xi32, #tpu.memory_space<hbm>>) target(%arg6 : memref<96xi32, #tpu.memory_space<vmem>>) target_semaphore(%arg13 : memref<!tpu.dma_semaphore, #tpu.memory_space<semaphore_mem>>)
      %dma_start3A_96 = tpu.memref_slice %arg4[%add3A_93] : memref<325632xi32, #tpu.memory_space<hbm>> -> memref<96xi32, #tpu.memory_space<hbm>>
      %dma_start3A_97 = tpu.memref_slice %arg4[%add3A_93] : memref<325632xi32, #tpu.memory_space<hbm>> -> memref<96xi32, #tpu.memory_space<hbm>>
      tpu.enqueue_dma source(%dma_start3A_97 : memref<96xi32, #tpu.memory_space<hbm>>) target(%arg8 : memref<96xi32, #tpu.memory_space<vmem>>) target_semaphore(%arg13 : memref<!tpu.dma_semaphore, #tpu.memory_space<semaphore_mem>>)
      %mul3A_98 = arith.constant 2 : i32
      %mul3A_99 = arith.muli %mul3A_98, %scan3A_74 : i32
      %add3A_100 = arith.constant 1 : i32
      %add3A_101 = arith.addi %mul3A_99, %add3A_100 : i32
      %add3A_102 = arith.constant 1 : i32
      %add3A_103 = arith.addi %add3A_101, %add3A_102 : i32
      %mul3A_104 = arith.constant 96 : i32
      %mul3A_105 = arith.muli %add3A_103, %mul3A_104 : i32
      %add3A_106 = arith.addi %mul3A_2, %mul3A_105 : i32
      %dma_wait3A_107 = tpu.memref_slice %arg3[%add3A_106] : memref<325632xi32, #tpu.memory_space<hbm>> -> memref<96xi32, #tpu.memory_space<hbm>>
      %dma_wait3A_108 = tpu.memref_slice %arg3[%add3A_106] : memref<325632xi32, #tpu.memory_space<hbm>> -> memref<96xi32, #tpu.memory_space<hbm>>
      tpu.wait_dma2 semaphore(%arg13 : memref<!tpu.dma_semaphore, #tpu.memory_space<semaphore_mem>>) src(%dma_wait3A_108 : memref<96xi32, #tpu.memory_space<hbm>>) dst(%arg6 : memref<96xi32, #tpu.memory_space<vmem>>)
      %dma_wait3A_109 = tpu.memref_slice %arg4[%add3A_106] : memref<325632xi32, #tpu.memory_space<hbm>> -> memref<96xi32, #tpu.memory_space<hbm>>
      %dma_wait3A_110 = tpu.memref_slice %arg4[%add3A_106] : memref<325632xi32, #tpu.memory_space<hbm>> -> memref<96xi32, #tpu.memory_space<hbm>>
      tpu.wait_dma2 semaphore(%arg13 : memref<!tpu.dma_semaphore, #tpu.memory_space<semaphore_mem>>) src(%dma_wait3A_110 : memref<96xi32, #tpu.memory_space<hbm>>) dst(%arg8 : memref<96xi32, #tpu.memory_space<vmem>>)
      "tpu.region"() ({
        %run_scoped3A = tpu.sem_alloc : memref<!tpu.dma_semaphore, #tpu.memory_space<semaphore_mem>>
        %dma_start3A_121 = arith.constant 0 : i32
        %dma_start3A_122 = arith.constant 0 : i32
        %dma_start3A_123 = tpu.memref_slice %arg12[%dma_start3A_121, %dma_start3A_122] : memref<10112x128xf32, #tpu.memory_space<vmem_shared>> -> memref<10112x128xf32, #tpu.memory_space<vmem_shared>>
        tpu.enqueue_indirect_dma source(%arg11 : memref<96x128xf32, #tpu.memory_space<vmem>>) target(%dma_start3A_123 : memref<10112x128xf32, #tpu.memory_space<vmem_shared>>) offsets(%arg9 : memref<96xi32, #tpu.memory_space<vmem>>) semaphore(%run_scoped3A : memref<!tpu.dma_semaphore, #tpu.memory_space<semaphore_mem>>) {add = true}
        %dma_wait3A_124 = arith.constant 0 : i32
        %dma_wait3A_125 = arith.constant 0 : i32
        %dma_wait3A_126 = tpu.memref_slice %arg12[%dma_wait3A_124, %dma_wait3A_125] : memref<10112x128xf32, #tpu.memory_space<vmem_shared>> -> memref<10112x128xf32, #tpu.memory_space<vmem_shared>>
        tpu.wait_indirect_dma semaphore(%run_scoped3A : memref<!tpu.dma_semaphore, #tpu.memory_space<semaphore_mem>>) src(%arg11 : memref<96x128xf32, #tpu.memory_space<vmem>>) dst(%dma_wait3A_126 : memref<10112x128xf32, #tpu.memory_space<vmem_shared>>)
        tpu.yield
      }) : () -> ()
      %add3A_111 = arith.constant 2 : i32
      %add3A_112 = arith.addi %add3A_101, %add3A_111 : i32
      %mul3A_113 = arith.constant 96 : i32
      %mul3A_114 = arith.muli %add3A_112, %mul3A_113 : i32
      %add3A_115 = arith.addi %mul3A_2, %mul3A_114 : i32
      %dma_start3A_116 = tpu.memref_slice %arg3[%add3A_115] : memref<325632xi32, #tpu.memory_space<hbm>> -> memref<96xi32, #tpu.memory_space<hbm>>
      %dma_start3A_117 = tpu.memref_slice %arg3[%add3A_115] : memref<325632xi32, #tpu.memory_space<hbm>> -> memref<96xi32, #tpu.memory_space<hbm>>
      tpu.enqueue_dma source(%dma_start3A_117 : memref<96xi32, #tpu.memory_space<hbm>>) target(%arg7 : memref<96xi32, #tpu.memory_space<vmem>>) target_semaphore(%arg14 : memref<!tpu.dma_semaphore, #tpu.memory_space<semaphore_mem>>)
      %dma_start3A_118 = tpu.memref_slice %arg4[%add3A_115] : memref<325632xi32, #tpu.memory_space<hbm>> -> memref<96xi32, #tpu.memory_space<hbm>>
      %dma_start3A_119 = tpu.memref_slice %arg4[%add3A_115] : memref<325632xi32, #tpu.memory_space<hbm>> -> memref<96xi32, #tpu.memory_space<hbm>>
      tpu.enqueue_dma source(%dma_start3A_119 : memref<96xi32, #tpu.memory_space<hbm>>) target(%arg9 : memref<96xi32, #tpu.memory_space<vmem>>) target_semaphore(%arg14 : memref<!tpu.dma_semaphore, #tpu.memory_space<semaphore_mem>>)
      %scan3A_120 = arith.constant 0 : i32
      scf.yield %scan3A_120 : i32
    }
    %scan3A_58 = arith.constant 52 : i32
    %add3A_59 = arith.constant 10080 : i32
    %add3A_60 = arith.addi %mul3A_2, %add3A_59 : i32
    %dma_wait3A_61 = tpu.memref_slice %arg3[%add3A_60] : memref<325632xi32, #tpu.memory_space<hbm>> -> memref<96xi32, #tpu.memory_space<hbm>>
    %dma_wait3A_62 = tpu.memref_slice %arg3[%add3A_60] : memref<325632xi32, #tpu.memory_space<hbm>> -> memref<96xi32, #tpu.memory_space<hbm>>
    tpu.wait_dma2 semaphore(%arg14 : memref<!tpu.dma_semaphore, #tpu.memory_space<semaphore_mem>>) src(%dma_wait3A_62 : memref<96xi32, #tpu.memory_space<hbm>>) dst(%arg7 : memref<96xi32, #tpu.memory_space<vmem>>)
    %dma_wait3A_63 = tpu.memref_slice %arg4[%add3A_60] : memref<325632xi32, #tpu.memory_space<hbm>> -> memref<96xi32, #tpu.memory_space<hbm>>
    %dma_wait3A_64 = tpu.memref_slice %arg4[%add3A_60] : memref<325632xi32, #tpu.memory_space<hbm>> -> memref<96xi32, #tpu.memory_space<hbm>>
    tpu.wait_dma2 semaphore(%arg14 : memref<!tpu.dma_semaphore, #tpu.memory_space<semaphore_mem>>) src(%dma_wait3A_64 : memref<96xi32, #tpu.memory_space<hbm>>) dst(%arg9 : memref<96xi32, #tpu.memory_space<vmem>>)
    "tpu.region"() ({
      %run_scoped3A = tpu.sem_alloc : memref<!tpu.dma_semaphore, #tpu.memory_space<semaphore_mem>>
      %dma_start3A_74 = arith.constant 0 : i32
      %dma_start3A_75 = arith.constant 0 : i32
      %dma_start3A_76 = tpu.memref_slice %arg12[%dma_start3A_74, %dma_start3A_75] : memref<10112x128xf32, #tpu.memory_space<vmem_shared>> -> memref<10112x128xf32, #tpu.memory_space<vmem_shared>>
      tpu.enqueue_indirect_dma source(%arg10 : memref<96x128xf32, #tpu.memory_space<vmem>>) target(%dma_start3A_76 : memref<10112x128xf32, #tpu.memory_space<vmem_shared>>) offsets(%arg8 : memref<96xi32, #tpu.memory_space<vmem>>) semaphore(%run_scoped3A : memref<!tpu.dma_semaphore, #tpu.memory_space<semaphore_mem>>) {add = true}
      %dma_wait3A_77 = arith.constant 0 : i32
      %dma_wait3A_78 = arith.constant 0 : i32
      %dma_wait3A_79 = tpu.memref_slice %arg12[%dma_wait3A_77, %dma_wait3A_78] : memref<10112x128xf32, #tpu.memory_space<vmem_shared>> -> memref<10112x128xf32, #tpu.memory_space<vmem_shared>>
      tpu.wait_indirect_dma semaphore(%run_scoped3A : memref<!tpu.dma_semaphore, #tpu.memory_space<semaphore_mem>>) src(%arg10 : memref<96x128xf32, #tpu.memory_space<vmem>>) dst(%dma_wait3A_79 : memref<10112x128xf32, #tpu.memory_space<vmem_shared>>)
      tpu.yield
    }) : () -> ()
    "tpu.region"() ({
      %run_scoped3A = tpu.sem_alloc : memref<!tpu.dma_semaphore, #tpu.memory_space<semaphore_mem>>
      %dma_start3A_74 = arith.constant 0 : i32
      %dma_start3A_75 = arith.constant 0 : i32
      %dma_start3A_76 = tpu.memref_slice %arg12[%dma_start3A_74, %dma_start3A_75] : memref<10112x128xf32, #tpu.memory_space<vmem_shared>> -> memref<10112x128xf32, #tpu.memory_space<vmem_shared>>
      tpu.enqueue_indirect_dma source(%arg11 : memref<96x128xf32, #tpu.memory_space<vmem>>) target(%dma_start3A_76 : memref<10112x128xf32, #tpu.memory_space<vmem_shared>>) offsets(%arg9 : memref<96xi32, #tpu.memory_space<vmem>>) semaphore(%run_scoped3A : memref<!tpu.dma_semaphore, #tpu.memory_space<semaphore_mem>>) {add = true}
      %dma_wait3A_77 = arith.constant 0 : i32
      %dma_wait3A_78 = arith.constant 0 : i32
      %dma_wait3A_79 = tpu.memref_slice %arg12[%dma_wait3A_77, %dma_wait3A_78] : memref<10112x128xf32, #tpu.memory_space<vmem_shared>> -> memref<10112x128xf32, #tpu.memory_space<vmem_shared>>
      tpu.wait_indirect_dma semaphore(%run_scoped3A : memref<!tpu.dma_semaphore, #tpu.memory_space<semaphore_mem>>) src(%arg11 : memref<96x128xf32, #tpu.memory_space<vmem>>) dst(%dma_wait3A_79 : memref<10112x128xf32, #tpu.memory_space<vmem_shared>>)
      tpu.yield
    }) : () -> ()
    %barrier3A_65 = arith.constant 0 : index
    tpu.barrier barrier_id(%barrier3A_65)
    %delay3A_66 = arith.constant 2000 : i32
    tpu.delay %delay3A_66
    %barrier3A_67 = arith.constant 0 : index
    tpu.barrier barrier_id(%barrier3A_67)
    %mul3A_68 = arith.constant 624 : i32
    %mul3A_69 = arith.muli %arg1, %mul3A_68 : i32
    %mul3A_70 = arith.constant 624 : i32
    %mul3A_71 = arith.muli %arg1, %mul3A_70 : i32
    "tpu.region"() ({
      %run_scoped3A = tpu.sem_alloc : memref<!tpu.dma_semaphore, #tpu.memory_space<semaphore_mem>>
      %dma_start3A_74 = arith.constant 0 : i32
      %dma_start3A_75 = arith.constant 0 : i32
      %dma_start3A_76 = tpu.memref_slice %arg5[%arg0, %dma_start3A_74, %dma_start3A_75] : memref<2x10000x128xf32, #tpu.memory_space<hbm>> -> memref<1x10000x128xf32, #tpu.memory_space<hbm>>
      %dma_start3A_77 = tpu.memref_squeeze %dma_start3A_76 : memref<1x10000x128xf32, #tpu.memory_space<hbm>> -> memref<10000x128xf32, #tpu.memory_space<hbm>>
      %dma_start3A_78 = arith.constant 0 : i32
      %dma_start3A_79 = tpu.memref_slice %dma_start3A_77[%mul3A_71, %dma_start3A_78] : memref<10000x128xf32, #tpu.memory_space<hbm>> -> memref<624x128xf32, #tpu.memory_space<hbm>>
      %dma_start3A_80 = arith.constant 0 : i32
      %dma_start3A_81 = tpu.memref_slice %arg12[%mul3A_69, %dma_start3A_80] : memref<10112x128xf32, #tpu.memory_space<vmem_shared>> -> memref<624x128xf32, #tpu.memory_space<vmem_shared>>
      tpu.enqueue_dma source(%dma_start3A_81 : memref<624x128xf32, #tpu.memory_space<vmem_shared>>) target(%dma_start3A_79 : memref<624x128xf32, #tpu.memory_space<hbm>>) target_semaphore(%run_scoped3A : memref<!tpu.dma_semaphore, #tpu.memory_space<semaphore_mem>>)
      %dma_wait3A_82 = arith.constant 0 : i32
      %dma_wait3A_83 = arith.constant 0 : i32
      %dma_wait3A_84 = tpu.memref_slice %arg5[%arg0, %dma_wait3A_82, %dma_wait3A_83] : memref<2x10000x128xf32, #tpu.memory_space<hbm>> -> memref<1x10000x128xf32, #tpu.memory_space<hbm>>
      %dma_wait3A_85 = tpu.memref_squeeze %dma_wait3A_84 : memref<1x10000x128xf32, #tpu.memory_space<hbm>> -> memref<10000x128xf32, #tpu.memory_space<hbm>>
      %dma_wait3A_86 = arith.constant 0 : i32
      %dma_wait3A_87 = tpu.memref_slice %dma_wait3A_85[%mul3A_71, %dma_wait3A_86] : memref<10000x128xf32, #tpu.memory_space<hbm>> -> memref<624x128xf32, #tpu.memory_space<hbm>>
      %dma_wait3A_88 = arith.constant 0 : i32
      %dma_wait3A_89 = tpu.memref_slice %arg12[%mul3A_69, %dma_wait3A_88] : memref<10112x128xf32, #tpu.memory_space<vmem_shared>> -> memref<624x128xf32, #tpu.memory_space<vmem_shared>>
      tpu.wait_dma2 semaphore(%run_scoped3A : memref<!tpu.dma_semaphore, #tpu.memory_space<semaphore_mem>>) src(%dma_wait3A_89 : memref<624x128xf32, #tpu.memory_space<vmem_shared>>) dst(%dma_wait3A_87 : memref<624x128xf32, #tpu.memory_space<hbm>>)
      tpu.yield
    }) : () -> ()
    %eq3A = arith.constant 0 : i32
    %eq3A_72 = arith.cmpi eq, %arg1, %eq3A : i32
    %convert_element_type3A = arith.extui %eq3A_72 : i1 to i32
    %cond3A = arith.constant 0 : i32
    %cond3A_73 = arith.cmpi ne, %convert_element_type3A, %cond3A : i32
    scf.if %cond3A_73 {
      "tpu.region"() ({
        %run_scoped3A = tpu.sem_alloc : memref<!tpu.dma_semaphore, #tpu.memory_space<semaphore_mem>>
        %dma_start3A_74 = arith.constant 0 : i32
        %dma_start3A_75 = arith.constant 0 : i32
        %dma_start3A_76 = tpu.memref_slice %arg5[%arg0, %dma_start3A_74, %dma_start3A_75] : memref<2x10000x128xf32, #tpu.memory_space<hbm>> -> memref<1x10000x128xf32, #tpu.memory_space<hbm>>
        %dma_start3A_77 = tpu.memref_squeeze %dma_start3A_76 : memref<1x10000x128xf32, #tpu.memory_space<hbm>> -> memref<10000x128xf32, #tpu.memory_space<hbm>>
        %dma_start3A_78 = arith.constant 9984 : i32
        %dma_start3A_79 = arith.constant 0 : i32
        %dma_start3A_80 = tpu.memref_slice %dma_start3A_77[%dma_start3A_78, %dma_start3A_79] : memref<10000x128xf32, #tpu.memory_space<hbm>> -> memref<16x128xf32, #tpu.memory_space<hbm>>
        %dma_start3A_81 = arith.constant 9984 : i32
        %dma_start3A_82 = arith.constant 0 : i32
        %dma_start3A_83 = tpu.memref_slice %arg12[%dma_start3A_81, %dma_start3A_82] : memref<10112x128xf32, #tpu.memory_space<vmem_shared>> -> memref<16x128xf32, #tpu.memory_space<vmem_shared>>
        tpu.enqueue_dma source(%dma_start3A_83 : memref<16x128xf32, #tpu.memory_space<vmem_shared>>) target(%dma_start3A_80 : memref<16x128xf32, #tpu.memory_space<hbm>>) target_semaphore(%run_scoped3A : memref<!tpu.dma_semaphore, #tpu.memory_space<semaphore_mem>>)
        %dma_wait3A_84 = arith.constant 0 : i32
        %dma_wait3A_85 = arith.constant 0 : i32
        %dma_wait3A_86 = tpu.memref_slice %arg5[%arg0, %dma_wait3A_84, %dma_wait3A_85] : memref<2x10000x128xf32, #tpu.memory_space<hbm>> -> memref<1x10000x128xf32, #tpu.memory_space<hbm>>
        %dma_wait3A_87 = tpu.memref_squeeze %dma_wait3A_86 : memref<1x10000x128xf32, #tpu.memory_space<hbm>> -> memref<10000x128xf32, #tpu.memory_space<hbm>>
        %dma_wait3A_88 = arith.constant 9984 : i32
        %dma_wait3A_89 = arith.constant 0 : i32
        %dma_wait3A_90 = tpu.memref_slice %dma_wait3A_87[%dma_wait3A_88, %dma_wait3A_89] : memref<10000x128xf32, #tpu.memory_space<hbm>> -> memref<16x128xf32, #tpu.memory_space<hbm>>
        %dma_wait3A_91 = arith.constant 9984 : i32
        %dma_wait3A_92 = arith.constant 0 : i32
        %dma_wait3A_93 = tpu.memref_slice %arg12[%dma_wait3A_91, %dma_wait3A_92] : memref<10112x128xf32, #tpu.memory_space<vmem_shared>> -> memref<16x128xf32, #tpu.memory_space<vmem_shared>>
        tpu.wait_dma2 semaphore(%run_scoped3A : memref<!tpu.dma_semaphore, #tpu.memory_space<semaphore_mem>>) src(%dma_wait3A_93 : memref<16x128xf32, #tpu.memory_space<vmem_shared>>) dst(%dma_wait3A_90 : memref<16x128xf32, #tpu.memory_space<hbm>>)
        tpu.yield
      }) : () -> ()
    } else {
    }
    return
  }
}

#map = affine_map<(d0, d1) -> (0, 0)>
#map1 = affine_map<(d0, d1) -> (0)>
#map2 = affine_map<(d0, d1) -> (0, 0, 0)>
module attributes {stable_mosaic.version = 14 : i64} {
  func.func @sc_agg(%arg0: i32, %arg1: i32, %arg2: memref<10000x128xf32, #tpu.memory_space<hbm>>, %arg3: memref<325632xi32, #tpu.memory_space<hbm>>, %arg4: memref<325632xi32, #tpu.memory_space<hbm>>, %arg5: memref<2x10000x128xf32, #tpu.memory_space<hbm>>, %arg6: memref<96xi32, #tpu.memory_space<vmem>>, %arg7: memref<96xi32, #tpu.memory_space<vmem>>, %arg8: memref<96xi32, #tpu.memory_space<vmem>>, %arg9: memref<96xi32, #tpu.memory_space<vmem>>, %arg10: memref<96x128xf32, #tpu.memory_space<vmem>>, %arg11: memref<96x128xf32, #tpu.memory_space<vmem>>, %arg12: memref<10112x128xf32, #tpu.memory_space<vmem_shared>>, %arg13: memref<!tpu.dma_semaphore, #tpu.memory_space<semaphore_mem>>, %arg14: memref<!tpu.dma_semaphore, #tpu.memory_space<semaphore_mem>>, %arg15: memref<!tpu.dma_semaphore, #tpu.memory_space<semaphore_mem>>, %arg16: memref<!tpu.dma_semaphore, #tpu.memory_space<semaphore_mem>>) attributes {dimension_semantics = [#tpu.dimension_semantics<core_parallel>, #tpu.dimension_semantics<subcore_parallel>], iteration_bounds = array<i64: 2, 16>, scalar_prefetch = 0 : i64, scratch_operands = 11 : i64, tpu.core_type = #tpu.core_type<sc_vector_subcore>, window_params = [{transform_indices = #map}, {transform_indices = #map1}, {transform_indices = #map1}, {transform_indices = #map2}]} {
    %mul3A = arith.constant 16 : i32
    %mul3A_0 = arith.muli %arg0, %mul3A : i32
    %add3A = arith.addi %mul3A_0, %arg1 : i32
    %mul3A_1 = arith.constant 10176 : i32
    %mul3A_2 = arith.muli %add3A, %mul3A_1 : i32
    %broadcast_in_dim3A = arith.constant 0.000000e+00 : f32
    %broadcast_in_dim3A_3 = vector.broadcast %broadcast_in_dim3A : f32 to vector<16xf32>
    %scan3A = arith.constant 0 : i32
    %scan3A_4 = arith.constant 0 : i32
    %scan3A_5 = arith.constant 768 : i32
    %scan3A_6 = arith.addi %scan3A_4, %scan3A_5 : i32
    %scan3A_7 = arith.constant 1 : i32
    %scan3A_8 = scf.for %scan3A_77 = %scan3A_4 to %scan3A_6 step %scan3A_7 iter_args(%scan3A_78 = %scan3A) -> (i32)  : i32 {
      %jit3A = arith.constant 8 : i32
      %div3A = arith.divsi %scan3A_77, %jit3A : i32
      %sign3A = arith.constant 0 : i32
      %sign3A_79 = arith.cmpi sgt, %scan3A_77, %sign3A : i32
      %sign3A_80 = arith.extui %sign3A_79 : i1 to i32
      %sign3A_81 = arith.constant 0 : i32
      %sign3A_82 = arith.cmpi slt, %scan3A_77, %sign3A_81 : i32
      %sign3A_83 = arith.extui %sign3A_82 : i1 to i32
      %sign3A_84 = arith.subi %sign3A_80, %sign3A_83 : i32
      %sign3A_85 = arith.constant 0 : i32
      %sign3A_86 = arith.cmpi sgt, %jit3A, %sign3A_85 : i32
      %sign3A_87 = arith.extui %sign3A_86 : i1 to i32
      %sign3A_88 = arith.constant 0 : i32
      %sign3A_89 = arith.cmpi slt, %jit3A, %sign3A_88 : i32
      %sign3A_90 = arith.extui %sign3A_89 : i1 to i32
      %sign3A_91 = arith.subi %sign3A_87, %sign3A_90 : i32
      %ne3A = arith.cmpi ne, %sign3A_84, %sign3A_91 : i32
      %rem3A = arith.remsi %scan3A_77, %jit3A : i32
      %ne3A_92 = arith.constant 0 : i32
      %ne3A_93 = arith.cmpi ne, %rem3A, %ne3A_92 : i32
      %and3A = arith.andi %ne3A, %ne3A_93 : i1
      %sub3A = arith.constant 1 : i32
      %sub3A_94 = arith.subi %div3A, %sub3A : i32
      %select_n3A = arith.select %and3A, %sub3A_94, %div3A : i32
      %jit3A_95 = arith.constant 8 : i32
      %eq3A_96 = arith.constant 0 : i32
      %eq3A_97 = arith.cmpi eq, %jit3A_95, %eq3A_96 : i32
      %jit3A_98 = arith.constant 1 : i32
      %select_n3A_99 = arith.select %eq3A_97, %jit3A_98, %jit3A_95 : i32
      %rem3A_100 = arith.remsi %scan3A_77, %select_n3A_99 : i32
      %ne3A_101 = arith.constant 0 : i32
      %ne3A_102 = arith.cmpi ne, %rem3A_100, %ne3A_101 : i32
      %lt3A = arith.constant 0 : i32
      %lt3A_103 = arith.cmpi slt, %rem3A_100, %lt3A : i32
      %lt3A_104 = arith.constant 0 : i32
      %lt3A_105 = arith.cmpi slt, %select_n3A_99, %lt3A_104 : i32
      %ne3A_106 = arith.xori %lt3A_103, %lt3A_105 : i1
      %and3A_107 = arith.andi %ne3A_106, %ne3A_102 : i1
      %add3A_108 = arith.addi %rem3A_100, %select_n3A_99 : i32
      %select_n3A_109 = arith.select %and3A_107, %add3A_108, %rem3A_100 : i32
      %mul3A_110 = arith.constant 16 : i32
      %mul3A_111 = arith.muli %select_n3A_109, %mul3A_110 : i32
      %swap3A = arith.index_cast %select_n3A : i32 to index
      %swap3A_112 = arith.index_cast %mul3A_111 : i32 to index
      %swap3A_113 = tpu.vector_load %arg10[%swap3A, %swap3A_112] {strides = array<i32>} : memref<96x128xf32, #tpu.memory_space<vmem>>, vector<1x16xf32>,
      %swap3A_114 = vector.shape_cast %swap3A_113 : vector<1x16xf32> to vector<16xf32>
      %swap3A_115 = vector.shape_cast %broadcast_in_dim3A_3 : vector<16xf32> to vector<1x16xf32>
      tpu.vector_store %arg10[%swap3A, %swap3A_112], %swap3A_115 {strides = array<i32>} : memref<96x128xf32, #tpu.memory_space<vmem>>, vector<1x16xf32>,
      %scan3A_116 = arith.constant 0 : i32
      scf.yield %scan3A_116 : i32
    }
    %scan3A_9 = arith.constant 768 : i32
    %mul3A_10 = arith.constant 632 : i32
    %mul3A_11 = arith.muli %arg1, %mul3A_10 : i32
    %add3A_12 = arith.constant 0 : i32
    %add3A_13 = arith.addi %mul3A_11, %add3A_12 : i32
    "tpu.region"() ({
      %run_scoped3A = tpu.sem_alloc : memref<!tpu.dma_semaphore, #tpu.memory_space<semaphore_mem>>
      %dma_start3A_77 = arith.constant 0 : i32
      %dma_start3A_78 = tpu.memref_slice %arg12[%add3A_13, %dma_start3A_77] : memref<10112x128xf32, #tpu.memory_space<vmem_shared>> -> memref<96x128xf32, #tpu.memory_space<vmem_shared>>
      %dma_start3A_79 = arith.constant 0 : i32
      %dma_start3A_80 = tpu.memref_slice %arg12[%add3A_13, %dma_start3A_79] : memref<10112x128xf32, #tpu.memory_space<vmem_shared>> -> memref<96x128xf32, #tpu.memory_space<vmem_shared>>
      tpu.enqueue_dma source(%arg10 : memref<96x128xf32, #tpu.memory_space<vmem>>) target(%dma_start3A_80 : memref<96x128xf32, #tpu.memory_space<vmem_shared>>) target_semaphore(%run_scoped3A : memref<!tpu.dma_semaphore, #tpu.memory_space<semaphore_mem>>)
      %dma_wait3A_81 = arith.constant 0 : i32
      %dma_wait3A_82 = tpu.memref_slice %arg12[%add3A_13, %dma_wait3A_81] : memref<10112x128xf32, #tpu.memory_space<vmem_shared>> -> memref<96x128xf32, #tpu.memory_space<vmem_shared>>
      %dma_wait3A_83 = arith.constant 0 : i32
      %dma_wait3A_84 = tpu.memref_slice %arg12[%add3A_13, %dma_wait3A_83] : memref<10112x128xf32, #tpu.memory_space<vmem_shared>> -> memref<96x128xf32, #tpu.memory_space<vmem_shared>>
      tpu.wait_dma2 semaphore(%run_scoped3A : memref<!tpu.dma_semaphore, #tpu.memory_space<semaphore_mem>>) src(%arg10 : memref<96x128xf32, #tpu.memory_space<vmem>>) dst(%dma_wait3A_84 : memref<96x128xf32, #tpu.memory_space<vmem_shared>>)
      tpu.yield
    }) : () -> ()
    %add3A_14 = arith.constant 96 : i32
    %add3A_15 = arith.addi %mul3A_11, %add3A_14 : i32
    "tpu.region"() ({
      %run_scoped3A = tpu.sem_alloc : memref<!tpu.dma_semaphore, #tpu.memory_space<semaphore_mem>>
      %dma_start3A_77 = arith.constant 0 : i32
      %dma_start3A_78 = tpu.memref_slice %arg12[%add3A_15, %dma_start3A_77] : memref<10112x128xf32, #tpu.memory_space<vmem_shared>> -> memref<96x128xf32, #tpu.memory_space<vmem_shared>>
      %dma_start3A_79 = arith.constant 0 : i32
      %dma_start3A_80 = tpu.memref_slice %arg12[%add3A_15, %dma_start3A_79] : memref<10112x128xf32, #tpu.memory_space<vmem_shared>> -> memref<96x128xf32, #tpu.memory_space<vmem_shared>>
      tpu.enqueue_dma source(%arg10 : memref<96x128xf32, #tpu.memory_space<vmem>>) target(%dma_start3A_80 : memref<96x128xf32, #tpu.memory_space<vmem_shared>>) target_semaphore(%run_scoped3A : memref<!tpu.dma_semaphore, #tpu.memory_space<semaphore_mem>>)
      %dma_wait3A_81 = arith.constant 0 : i32
      %dma_wait3A_82 = tpu.memref_slice %arg12[%add3A_15, %dma_wait3A_81] : memref<10112x128xf32, #tpu.memory_space<vmem_shared>> -> memref<96x128xf32, #tpu.memory_space<vmem_shared>>
      %dma_wait3A_83 = arith.constant 0 : i32
      %dma_wait3A_84 = tpu.memref_slice %arg12[%add3A_15, %dma_wait3A_83] : memref<10112x128xf32, #tpu.memory_space<vmem_shared>> -> memref<96x128xf32, #tpu.memory_space<vmem_shared>>
      tpu.wait_dma2 semaphore(%run_scoped3A : memref<!tpu.dma_semaphore, #tpu.memory_space<semaphore_mem>>) src(%arg10 : memref<96x128xf32, #tpu.memory_space<vmem>>) dst(%dma_wait3A_84 : memref<96x128xf32, #tpu.memory_space<vmem_shared>>)
      tpu.yield
    }) : () -> ()
    %add3A_16 = arith.constant 192 : i32
    %add3A_17 = arith.addi %mul3A_11, %add3A_16 : i32
    "tpu.region"() ({
      %run_scoped3A = tpu.sem_alloc : memref<!tpu.dma_semaphore, #tpu.memory_space<semaphore_mem>>
      %dma_start3A_77 = arith.constant 0 : i32
      %dma_start3A_78 = tpu.memref_slice %arg12[%add3A_17, %dma_start3A_77] : memref<10112x128xf32, #tpu.memory_space<vmem_shared>> -> memref<96x128xf32, #tpu.memory_space<vmem_shared>>
      %dma_start3A_79 = arith.constant 0 : i32
      %dma_start3A_80 = tpu.memref_slice %arg12[%add3A_17, %dma_start3A_79] : memref<10112x128xf32, #tpu.memory_space<vmem_shared>> -> memref<96x128xf32, #tpu.memory_space<vmem_shared>>
      tpu.enqueue_dma source(%arg10 : memref<96x128xf32, #tpu.memory_space<vmem>>) target(%dma_start3A_80 : memref<96x128xf32, #tpu.memory_space<vmem_shared>>) target_semaphore(%run_scoped3A : memref<!tpu.dma_semaphore, #tpu.memory_space<semaphore_mem>>)
      %dma_wait3A_81 = arith.constant 0 : i32
      %dma_wait3A_82 = tpu.memref_slice %arg12[%add3A_17, %dma_wait3A_81] : memref<10112x128xf32, #tpu.memory_space<vmem_shared>> -> memref<96x128xf32, #tpu.memory_space<vmem_shared>>
      %dma_wait3A_83 = arith.constant 0 : i32
      %dma_wait3A_84 = tpu.memref_slice %arg12[%add3A_17, %dma_wait3A_83] : memref<10112x128xf32, #tpu.memory_space<vmem_shared>> -> memref<96x128xf32, #tpu.memory_space<vmem_shared>>
      tpu.wait_dma2 semaphore(%run_scoped3A : memref<!tpu.dma_semaphore, #tpu.memory_space<semaphore_mem>>) src(%arg10 : memref<96x128xf32, #tpu.memory_space<vmem>>) dst(%dma_wait3A_84 : memref<96x128xf32, #tpu.memory_space<vmem_shared>>)
      tpu.yield
    }) : () -> ()
    %add3A_18 = arith.constant 288 : i32
    %add3A_19 = arith.addi %mul3A_11, %add3A_18 : i32
    "tpu.region"() ({
      %run_scoped3A = tpu.sem_alloc : memref<!tpu.dma_semaphore, #tpu.memory_space<semaphore_mem>>
      %dma_start3A_77 = arith.constant 0 : i32
      %dma_start3A_78 = tpu.memref_slice %arg12[%add3A_19, %dma_start3A_77] : memref<10112x128xf32, #tpu.memory_space<vmem_shared>> -> memref<96x128xf32, #tpu.memory_space<vmem_shared>>
      %dma_start3A_79 = arith.constant 0 : i32
      %dma_start3A_80 = tpu.memref_slice %arg12[%add3A_19, %dma_start3A_79] : memref<10112x128xf32, #tpu.memory_space<vmem_shared>> -> memref<96x128xf32, #tpu.memory_space<vmem_shared>>
      tpu.enqueue_dma source(%arg10 : memref<96x128xf32, #tpu.memory_space<vmem>>) target(%dma_start3A_80 : memref<96x128xf32, #tpu.memory_space<vmem_shared>>) target_semaphore(%run_scoped3A : memref<!tpu.dma_semaphore, #tpu.memory_space<semaphore_mem>>)
      %dma_wait3A_81 = arith.constant 0 : i32
      %dma_wait3A_82 = tpu.memref_slice %arg12[%add3A_19, %dma_wait3A_81] : memref<10112x128xf32, #tpu.memory_space<vmem_shared>> -> memref<96x128xf32, #tpu.memory_space<vmem_shared>>
      %dma_wait3A_83 = arith.constant 0 : i32
      %dma_wait3A_84 = tpu.memref_slice %arg12[%add3A_19, %dma_wait3A_83] : memref<10112x128xf32, #tpu.memory_space<vmem_shared>> -> memref<96x128xf32, #tpu.memory_space<vmem_shared>>
      tpu.wait_dma2 semaphore(%run_scoped3A : memref<!tpu.dma_semaphore, #tpu.memory_space<semaphore_mem>>) src(%arg10 : memref<96x128xf32, #tpu.memory_space<vmem>>) dst(%dma_wait3A_84 : memref<96x128xf32, #tpu.memory_space<vmem_shared>>)
      tpu.yield
    }) : () -> ()
    %add3A_20 = arith.constant 384 : i32
    %add3A_21 = arith.addi %mul3A_11, %add3A_20 : i32
    "tpu.region"() ({
      %run_scoped3A = tpu.sem_alloc : memref<!tpu.dma_semaphore, #tpu.memory_space<semaphore_mem>>
      %dma_start3A_77 = arith.constant 0 : i32
      %dma_start3A_78 = tpu.memref_slice %arg12[%add3A_21, %dma_start3A_77] : memref<10112x128xf32, #tpu.memory_space<vmem_shared>> -> memref<96x128xf32, #tpu.memory_space<vmem_shared>>
      %dma_start3A_79 = arith.constant 0 : i32
      %dma_start3A_80 = tpu.memref_slice %arg12[%add3A_21, %dma_start3A_79] : memref<10112x128xf32, #tpu.memory_space<vmem_shared>> -> memref<96x128xf32, #tpu.memory_space<vmem_shared>>
      tpu.enqueue_dma source(%arg10 : memref<96x128xf32, #tpu.memory_space<vmem>>) target(%dma_start3A_80 : memref<96x128xf32, #tpu.memory_space<vmem_shared>>) target_semaphore(%run_scoped3A : memref<!tpu.dma_semaphore, #tpu.memory_space<semaphore_mem>>)
      %dma_wait3A_81 = arith.constant 0 : i32
      %dma_wait3A_82 = tpu.memref_slice %arg12[%add3A_21, %dma_wait3A_81] : memref<10112x128xf32, #tpu.memory_space<vmem_shared>> -> memref<96x128xf32, #tpu.memory_space<vmem_shared>>
      %dma_wait3A_83 = arith.constant 0 : i32
      %dma_wait3A_84 = tpu.memref_slice %arg12[%add3A_21, %dma_wait3A_83] : memref<10112x128xf32, #tpu.memory_space<vmem_shared>> -> memref<96x128xf32, #tpu.memory_space<vmem_shared>>
      tpu.wait_dma2 semaphore(%run_scoped3A : memref<!tpu.dma_semaphore, #tpu.memory_space<semaphore_mem>>) src(%arg10 : memref<96x128xf32, #tpu.memory_space<vmem>>) dst(%dma_wait3A_84 : memref<96x128xf32, #tpu.memory_space<vmem_shared>>)
      tpu.yield
    }) : () -> ()
    %add3A_22 = arith.constant 480 : i32
    %add3A_23 = arith.addi %mul3A_11, %add3A_22 : i32
    "tpu.region"() ({
      %run_scoped3A = tpu.sem_alloc : memref<!tpu.dma_semaphore, #tpu.memory_space<semaphore_mem>>
      %dma_start3A_77 = arith.constant 0 : i32
      %dma_start3A_78 = tpu.memref_slice %arg12[%add3A_23, %dma_start3A_77] : memref<10112x128xf32, #tpu.memory_space<vmem_shared>> -> memref<96x128xf32, #tpu.memory_space<vmem_shared>>
      %dma_start3A_79 = arith.constant 0 : i32
      %dma_start3A_80 = tpu.memref_slice %arg12[%add3A_23, %dma_start3A_79] : memref<10112x128xf32, #tpu.memory_space<vmem_shared>> -> memref<96x128xf32, #tpu.memory_space<vmem_shared>>
      tpu.enqueue_dma source(%arg10 : memref<96x128xf32, #tpu.memory_space<vmem>>) target(%dma_start3A_80 : memref<96x128xf32, #tpu.memory_space<vmem_shared>>) target_semaphore(%run_scoped3A : memref<!tpu.dma_semaphore, #tpu.memory_space<semaphore_mem>>)
      %dma_wait3A_81 = arith.constant 0 : i32
      %dma_wait3A_82 = tpu.memref_slice %arg12[%add3A_23, %dma_wait3A_81] : memref<10112x128xf32, #tpu.memory_space<vmem_shared>> -> memref<96x128xf32, #tpu.memory_space<vmem_shared>>
      %dma_wait3A_83 = arith.constant 0 : i32
      %dma_wait3A_84 = tpu.memref_slice %arg12[%add3A_23, %dma_wait3A_83] : memref<10112x128xf32, #tpu.memory_space<vmem_shared>> -> memref<96x128xf32, #tpu.memory_space<vmem_shared>>
      tpu.wait_dma2 semaphore(%run_scoped3A : memref<!tpu.dma_semaphore, #tpu.memory_space<semaphore_mem>>) src(%arg10 : memref<96x128xf32, #tpu.memory_space<vmem>>) dst(%dma_wait3A_84 : memref<96x128xf32, #tpu.memory_space<vmem_shared>>)
      tpu.yield
    }) : () -> ()
    %add3A_24 = arith.constant 576 : i32
    %add3A_25 = arith.addi %mul3A_11, %add3A_24 : i32
    "tpu.region"() ({
      %run_scoped3A = tpu.sem_alloc : memref<!tpu.dma_semaphore, #tpu.memory_space<semaphore_mem>>
      %dma_start3A_77 = arith.constant 0 : i32
      %dma_start3A_78 = arith.constant 0 : i32
      %dma_start3A_79 = tpu.memref_slice %arg10[%dma_start3A_77, %dma_start3A_78] : memref<96x128xf32, #tpu.memory_space<vmem>> -> memref<56x128xf32, #tpu.memory_space<vmem>>
      %dma_start3A_80 = arith.constant 0 : i32
      %dma_start3A_81 = tpu.memref_slice %arg12[%add3A_25, %dma_start3A_80] : memref<10112x128xf32, #tpu.memory_space<vmem_shared>> -> memref<56x128xf32, #tpu.memory_space<vmem_shared>>
      %dma_start3A_82 = arith.constant 0 : i32
      %dma_start3A_83 = tpu.memref_slice %arg12[%add3A_25, %dma_start3A_82] : memref<10112x128xf32, #tpu.memory_space<vmem_shared>> -> memref<56x128xf32, #tpu.memory_space<vmem_shared>>
      %dma_start3A_84 = arith.constant 0 : i32
      %dma_start3A_85 = arith.constant 0 : i32
      %dma_start3A_86 = tpu.memref_slice %arg10[%dma_start3A_84, %dma_start3A_85] : memref<96x128xf32, #tpu.memory_space<vmem>> -> memref<56x128xf32, #tpu.memory_space<vmem>>
      tpu.enqueue_dma source(%dma_start3A_86 : memref<56x128xf32, #tpu.memory_space<vmem>>) target(%dma_start3A_83 : memref<56x128xf32, #tpu.memory_space<vmem_shared>>) target_semaphore(%run_scoped3A : memref<!tpu.dma_semaphore, #tpu.memory_space<semaphore_mem>>)
      %dma_wait3A_87 = arith.constant 0 : i32
      %dma_wait3A_88 = arith.constant 0 : i32
      %dma_wait3A_89 = tpu.memref_slice %arg10[%dma_wait3A_87, %dma_wait3A_88] : memref<96x128xf32, #tpu.memory_space<vmem>> -> memref<56x128xf32, #tpu.memory_space<vmem>>
      %dma_wait3A_90 = arith.constant 0 : i32
      %dma_wait3A_91 = tpu.memref_slice %arg12[%add3A_25, %dma_wait3A_90] : memref<10112x128xf32, #tpu.memory_space<vmem_shared>> -> memref<56x128xf32, #tpu.memory_space<vmem_shared>>
      %dma_wait3A_92 = arith.constant 0 : i32
      %dma_wait3A_93 = tpu.memref_slice %arg12[%add3A_25, %dma_wait3A_92] : memref<10112x128xf32, #tpu.memory_space<vmem_shared>> -> memref<56x128xf32, #tpu.memory_space<vmem_shared>>
      %dma_wait3A_94 = arith.constant 0 : i32
      %dma_wait3A_95 = arith.constant 0 : i32
      %dma_wait3A_96 = tpu.memref_slice %arg10[%dma_wait3A_94, %dma_wait3A_95] : memref<96x128xf32, #tpu.memory_space<vmem>> -> memref<56x128xf32, #tpu.memory_space<vmem>>
      tpu.wait_dma2 semaphore(%run_scoped3A : memref<!tpu.dma_semaphore, #tpu.memory_space<semaphore_mem>>) src(%dma_wait3A_96 : memref<56x128xf32, #tpu.memory_space<vmem>>) dst(%dma_wait3A_93 : memref<56x128xf32, #tpu.memory_space<vmem_shared>>)
      tpu.yield
    }) : () -> ()
    %barrier3A = arith.constant 0 : index
    tpu.barrier barrier_id(%barrier3A)
    %delay3A = arith.constant 2000 : i32
    tpu.delay %delay3A
    %barrier3A_26 = arith.constant 0 : index
    tpu.barrier barrier_id(%barrier3A_26)
    %add3A_27 = arith.constant 0 : i32
    %add3A_28 = arith.addi %mul3A_2, %add3A_27 : i32
    %dma_start3A = tpu.memref_slice %arg3[%add3A_28] : memref<325632xi32, #tpu.memory_space<hbm>> -> memref<96xi32, #tpu.memory_space<hbm>>
    %dma_start3A_29 = tpu.memref_slice %arg3[%add3A_28] : memref<325632xi32, #tpu.memory_space<hbm>> -> memref<96xi32, #tpu.memory_space<hbm>>
    tpu.enqueue_dma source(%dma_start3A_29 : memref<96xi32, #tpu.memory_space<hbm>>) target(%arg6 : memref<96xi32, #tpu.memory_space<vmem>>) target_semaphore(%arg13 : memref<!tpu.dma_semaphore, #tpu.memory_space<semaphore_mem>>)
    %dma_start3A_30 = tpu.memref_slice %arg4[%add3A_28] : memref<325632xi32, #tpu.memory_space<hbm>> -> memref<96xi32, #tpu.memory_space<hbm>>
    %dma_start3A_31 = tpu.memref_slice %arg4[%add3A_28] : memref<325632xi32, #tpu.memory_space<hbm>> -> memref<96xi32, #tpu.memory_space<hbm>>
    tpu.enqueue_dma source(%dma_start3A_31 : memref<96xi32, #tpu.memory_space<hbm>>) target(%arg8 : memref<96xi32, #tpu.memory_space<vmem>>) target_semaphore(%arg13 : memref<!tpu.dma_semaphore, #tpu.memory_space<semaphore_mem>>)
    %add3A_32 = arith.constant 96 : i32
    %add3A_33 = arith.addi %mul3A_2, %add3A_32 : i32
    %dma_start3A_34 = tpu.memref_slice %arg3[%add3A_33] : memref<325632xi32, #tpu.memory_space<hbm>> -> memref<96xi32, #tpu.memory_space<hbm>>
    %dma_start3A_35 = tpu.memref_slice %arg3[%add3A_33] : memref<325632xi32, #tpu.memory_space<hbm>> -> memref<96xi32, #tpu.memory_space<hbm>>
    tpu.enqueue_dma source(%dma_start3A_35 : memref<96xi32, #tpu.memory_space<hbm>>) target(%arg7 : memref<96xi32, #tpu.memory_space<vmem>>) target_semaphore(%arg14 : memref<!tpu.dma_semaphore, #tpu.memory_space<semaphore_mem>>)
    %dma_start3A_36 = tpu.memref_slice %arg4[%add3A_33] : memref<325632xi32, #tpu.memory_space<hbm>> -> memref<96xi32, #tpu.memory_space<hbm>>
    %dma_start3A_37 = tpu.memref_slice %arg4[%add3A_33] : memref<325632xi32, #tpu.memory_space<hbm>> -> memref<96xi32, #tpu.memory_space<hbm>>
    tpu.enqueue_dma source(%dma_start3A_37 : memref<96xi32, #tpu.memory_space<hbm>>) target(%arg9 : memref<96xi32, #tpu.memory_space<vmem>>) target_semaphore(%arg14 : memref<!tpu.dma_semaphore, #tpu.memory_space<semaphore_mem>>)
    %add3A_38 = arith.constant 0 : i32
    %add3A_39 = arith.addi %mul3A_2, %add3A_38 : i32
    %dma_wait3A = tpu.memref_slice %arg3[%add3A_39] : memref<325632xi32, #tpu.memory_space<hbm>> -> memref<96xi32, #tpu.memory_space<hbm>>
    %dma_wait3A_40 = tpu.memref_slice %arg3[%add3A_39] : memref<325632xi32, #tpu.memory_space<hbm>> -> memref<96xi32, #tpu.memory_space<hbm>>
    tpu.wait_dma2 semaphore(%arg13 : memref<!tpu.dma_semaphore, #tpu.memory_space<semaphore_mem>>) src(%dma_wait3A_40 : memref<96xi32, #tpu.memory_space<hbm>>) dst(%arg6 : memref<96xi32, #tpu.memory_space<vmem>>)
    %dma_wait3A_41 = tpu.memref_slice %arg4[%add3A_39] : memref<325632xi32, #tpu.memory_space<hbm>> -> memref<96xi32, #tpu.memory_space<hbm>>
    %dma_wait3A_42 = tpu.memref_slice %arg4[%add3A_39] : memref<325632xi32, #tpu.memory_space<hbm>> -> memref<96xi32, #tpu.memory_space<hbm>>
    tpu.wait_dma2 semaphore(%arg13 : memref<!tpu.dma_semaphore, #tpu.memory_space<semaphore_mem>>) src(%dma_wait3A_42 : memref<96xi32, #tpu.memory_space<hbm>>) dst(%arg8 : memref<96xi32, #tpu.memory_space<vmem>>)
    %dma_start3A_43 = arith.constant 0 : i32
    %dma_start3A_44 = arith.constant 0 : i32
    %dma_start3A_45 = tpu.memref_slice %arg2[%dma_start3A_43, %dma_start3A_44] : memref<10000x128xf32, #tpu.memory_space<hbm>> -> memref<10000x128xf32, #tpu.memory_space<hbm>>
    tpu.enqueue_indirect_dma source(%dma_start3A_45 : memref<10000x128xf32, #tpu.memory_space<hbm>>) target(%arg10 : memref<96x128xf32, #tpu.memory_space<vmem>>) offsets(%arg6 : memref<96xi32, #tpu.memory_space<vmem>>) semaphore(%arg15 : memref<!tpu.dma_semaphore, #tpu.memory_space<semaphore_mem>>)
    %scan3A_46 = arith.constant 0 : i32
    %scan3A_47 = arith.constant 0 : i32
    %scan3A_48 = arith.constant 52 : i32
    %scan3A_49 = arith.addi %scan3A_47, %scan3A_48 : i32
    %scan3A_50 = arith.constant 1 : i32
    %scan3A_51 = scf.for %scan3A_77 = %scan3A_47 to %scan3A_49 step %scan3A_50 iter_args(%scan3A_78 = %scan3A_46) -> (i32)  : i32 {
      %mul3A_79 = arith.constant 2 : i32
      %mul3A_80 = arith.muli %mul3A_79, %scan3A_77 : i32
      %add3A_81 = arith.constant 0 : i32
      %add3A_82 = arith.addi %mul3A_80, %add3A_81 : i32
      %add3A_83 = arith.constant 1 : i32
      %add3A_84 = arith.addi %add3A_82, %add3A_83 : i32
      %mul3A_85 = arith.constant 96 : i32
      %mul3A_86 = arith.muli %add3A_84, %mul3A_85 : i32
      %add3A_87 = arith.addi %mul3A_2, %mul3A_86 : i32
      %dma_wait3A_88 = tpu.memref_slice %arg3[%add3A_87] : memref<325632xi32, #tpu.memory_space<hbm>> -> memref<96xi32, #tpu.memory_space<hbm>>
      %dma_wait3A_89 = tpu.memref_slice %arg3[%add3A_87] : memref<325632xi32, #tpu.memory_space<hbm>> -> memref<96xi32, #tpu.memory_space<hbm>>
      tpu.wait_dma2 semaphore(%arg14 : memref<!tpu.dma_semaphore, #tpu.memory_space<semaphore_mem>>) src(%dma_wait3A_89 : memref<96xi32, #tpu.memory_space<hbm>>) dst(%arg7 : memref<96xi32, #tpu.memory_space<vmem>>)
      %dma_wait3A_90 = tpu.memref_slice %arg4[%add3A_87] : memref<325632xi32, #tpu.memory_space<hbm>> -> memref<96xi32, #tpu.memory_space<hbm>>
      %dma_wait3A_91 = tpu.memref_slice %arg4[%add3A_87] : memref<325632xi32, #tpu.memory_space<hbm>> -> memref<96xi32, #tpu.memory_space<hbm>>
      tpu.wait_dma2 semaphore(%arg14 : memref<!tpu.dma_semaphore, #tpu.memory_space<semaphore_mem>>) src(%dma_wait3A_91 : memref<96xi32, #tpu.memory_space<hbm>>) dst(%arg9 : memref<96xi32, #tpu.memory_space<vmem>>)
      %dma_start3A_92 = arith.constant 0 : i32
      %dma_start3A_93 = arith.constant 0 : i32
      %dma_start3A_94 = tpu.memref_slice %arg2[%dma_start3A_92, %dma_start3A_93] : memref<10000x128xf32, #tpu.memory_space<hbm>> -> memref<10000x128xf32, #tpu.memory_space<hbm>>
      tpu.enqueue_indirect_dma source(%dma_start3A_94 : memref<10000x128xf32, #tpu.memory_space<hbm>>) target(%arg11 : memref<96x128xf32, #tpu.memory_space<vmem>>) offsets(%arg7 : memref<96xi32, #tpu.memory_space<vmem>>) semaphore(%arg16 : memref<!tpu.dma_semaphore, #tpu.memory_space<semaphore_mem>>)
      %dma_wait3A_95 = arith.constant 0 : i32
      %dma_wait3A_96 = arith.constant 0 : i32
      %dma_wait3A_97 = tpu.memref_slice %arg2[%dma_wait3A_95, %dma_wait3A_96] : memref<10000x128xf32, #tpu.memory_space<hbm>> -> memref<10000x128xf32, #tpu.memory_space<hbm>>
      tpu.wait_indirect_dma semaphore(%arg15 : memref<!tpu.dma_semaphore, #tpu.memory_space<semaphore_mem>>) src(%dma_wait3A_97 : memref<10000x128xf32, #tpu.memory_space<hbm>>) dst(%arg10 : memref<96x128xf32, #tpu.memory_space<vmem>>)
      "tpu.region"() ({
        %run_scoped3A = tpu.sem_alloc : memref<!tpu.dma_semaphore, #tpu.memory_space<semaphore_mem>>
        %dma_start3A_136 = arith.constant 0 : i32
        %dma_start3A_137 = arith.constant 0 : i32
        %dma_start3A_138 = tpu.memref_slice %arg12[%dma_start3A_136, %dma_start3A_137] : memref<10112x128xf32, #tpu.memory_space<vmem_shared>> -> memref<10112x128xf32, #tpu.memory_space<vmem_shared>>
        tpu.enqueue_indirect_dma source(%arg10 : memref<96x128xf32, #tpu.memory_space<vmem>>) target(%dma_start3A_138 : memref<10112x128xf32, #tpu.memory_space<vmem_shared>>) offsets(%arg8 : memref<96xi32, #tpu.memory_space<vmem>>) semaphore(%run_scoped3A : memref<!tpu.dma_semaphore, #tpu.memory_space<semaphore_mem>>) {add = true}
        %dma_wait3A_139 = arith.constant 0 : i32
        %dma_wait3A_140 = arith.constant 0 : i32
        %dma_wait3A_141 = tpu.memref_slice %arg12[%dma_wait3A_139, %dma_wait3A_140] : memref<10112x128xf32, #tpu.memory_space<vmem_shared>> -> memref<10112x128xf32, #tpu.memory_space<vmem_shared>>
        tpu.wait_indirect_dma semaphore(%run_scoped3A : memref<!tpu.dma_semaphore, #tpu.memory_space<semaphore_mem>>) src(%arg10 : memref<96x128xf32, #tpu.memory_space<vmem>>) dst(%dma_wait3A_141 : memref<10112x128xf32, #tpu.memory_space<vmem_shared>>)
        tpu.yield
      }) : () -> ()
      %add3A_98 = arith.constant 2 : i32
      %add3A_99 = arith.addi %add3A_82, %add3A_98 : i32
      %mul3A_100 = arith.constant 96 : i32
      %mul3A_101 = arith.muli %add3A_99, %mul3A_100 : i32
      %add3A_102 = arith.addi %mul3A_2, %mul3A_101 : i32
      %dma_start3A_103 = tpu.memref_slice %arg3[%add3A_102] : memref<325632xi32, #tpu.memory_space<hbm>> -> memref<96xi32, #tpu.memory_space<hbm>>
      %dma_start3A_104 = tpu.memref_slice %arg3[%add3A_102] : memref<325632xi32, #tpu.memory_space<hbm>> -> memref<96xi32, #tpu.memory_space<hbm>>
      tpu.enqueue_dma source(%dma_start3A_104 : memref<96xi32, #tpu.memory_space<hbm>>) target(%arg6 : memref<96xi32, #tpu.memory_space<vmem>>) target_semaphore(%arg13 : memref<!tpu.dma_semaphore, #tpu.memory_space<semaphore_mem>>)
      %dma_start3A_105 = tpu.memref_slice %arg4[%add3A_102] : memref<325632xi32, #tpu.memory_space<hbm>> -> memref<96xi32, #tpu.memory_space<hbm>>
      %dma_start3A_106 = tpu.memref_slice %arg4[%add3A_102] : memref<325632xi32, #tpu.memory_space<hbm>> -> memref<96xi32, #tpu.memory_space<hbm>>
      tpu.enqueue_dma source(%dma_start3A_106 : memref<96xi32, #tpu.memory_space<hbm>>) target(%arg8 : memref<96xi32, #tpu.memory_space<vmem>>) target_semaphore(%arg13 : memref<!tpu.dma_semaphore, #tpu.memory_space<semaphore_mem>>)
      %mul3A_107 = arith.constant 2 : i32
      %mul3A_108 = arith.muli %mul3A_107, %scan3A_77 : i32
      %add3A_109 = arith.constant 1 : i32
      %add3A_110 = arith.addi %mul3A_108, %add3A_109 : i32
      %add3A_111 = arith.constant 1 : i32
      %add3A_112 = arith.addi %add3A_110, %add3A_111 : i32
      %mul3A_113 = arith.constant 96 : i32
      %mul3A_114 = arith.muli %add3A_112, %mul3A_113 : i32
      %add3A_115 = arith.addi %mul3A_2, %mul3A_114 : i32
      %dma_wait3A_116 = tpu.memref_slice %arg3[%add3A_115] : memref<325632xi32, #tpu.memory_space<hbm>> -> memref<96xi32, #tpu.memory_space<hbm>>
      %dma_wait3A_117 = tpu.memref_slice %arg3[%add3A_115] : memref<325632xi32, #tpu.memory_space<hbm>> -> memref<96xi32, #tpu.memory_space<hbm>>
      tpu.wait_dma2 semaphore(%arg13 : memref<!tpu.dma_semaphore, #tpu.memory_space<semaphore_mem>>) src(%dma_wait3A_117 : memref<96xi32, #tpu.memory_space<hbm>>) dst(%arg6 : memref<96xi32, #tpu.memory_space<vmem>>)
      %dma_wait3A_118 = tpu.memref_slice %arg4[%add3A_115] : memref<325632xi32, #tpu.memory_space<hbm>> -> memref<96xi32, #tpu.memory_space<hbm>>
      %dma_wait3A_119 = tpu.memref_slice %arg4[%add3A_115] : memref<325632xi32, #tpu.memory_space<hbm>> -> memref<96xi32, #tpu.memory_space<hbm>>
      tpu.wait_dma2 semaphore(%arg13 : memref<!tpu.dma_semaphore, #tpu.memory_space<semaphore_mem>>) src(%dma_wait3A_119 : memref<96xi32, #tpu.memory_space<hbm>>) dst(%arg8 : memref<96xi32, #tpu.memory_space<vmem>>)
      %dma_start3A_120 = arith.constant 0 : i32
      %dma_start3A_121 = arith.constant 0 : i32
      %dma_start3A_122 = tpu.memref_slice %arg2[%dma_start3A_120, %dma_start3A_121] : memref<10000x128xf32, #tpu.memory_space<hbm>> -> memref<10000x128xf32, #tpu.memory_space<hbm>>
      tpu.enqueue_indirect_dma source(%dma_start3A_122 : memref<10000x128xf32, #tpu.memory_space<hbm>>) target(%arg10 : memref<96x128xf32, #tpu.memory_space<vmem>>) offsets(%arg6 : memref<96xi32, #tpu.memory_space<vmem>>) semaphore(%arg15 : memref<!tpu.dma_semaphore, #tpu.memory_space<semaphore_mem>>)
      %dma_wait3A_123 = arith.constant 0 : i32
      %dma_wait3A_124 = arith.constant 0 : i32
      %dma_wait3A_125 = tpu.memref_slice %arg2[%dma_wait3A_123, %dma_wait3A_124] : memref<10000x128xf32, #tpu.memory_space<hbm>> -> memref<10000x128xf32, #tpu.memory_space<hbm>>
      tpu.wait_indirect_dma semaphore(%arg16 : memref<!tpu.dma_semaphore, #tpu.memory_space<semaphore_mem>>) src(%dma_wait3A_125 : memref<10000x128xf32, #tpu.memory_space<hbm>>) dst(%arg11 : memref<96x128xf32, #tpu.memory_space<vmem>>)
      "tpu.region"() ({
        %run_scoped3A = tpu.sem_alloc : memref<!tpu.dma_semaphore, #tpu.memory_space<semaphore_mem>>
        %dma_start3A_136 = arith.constant 0 : i32
        %dma_start3A_137 = arith.constant 0 : i32
        %dma_start3A_138 = tpu.memref_slice %arg12[%dma_start3A_136, %dma_start3A_137] : memref<10112x128xf32, #tpu.memory_space<vmem_shared>> -> memref<10112x128xf32, #tpu.memory_space<vmem_shared>>
        tpu.enqueue_indirect_dma source(%arg11 : memref<96x128xf32, #tpu.memory_space<vmem>>) target(%dma_start3A_138 : memref<10112x128xf32, #tpu.memory_space<vmem_shared>>) offsets(%arg9 : memref<96xi32, #tpu.memory_space<vmem>>) semaphore(%run_scoped3A : memref<!tpu.dma_semaphore, #tpu.memory_space<semaphore_mem>>) {add = true}
        %dma_wait3A_139 = arith.constant 0 : i32
        %dma_wait3A_140 = arith.constant 0 : i32
        %dma_wait3A_141 = tpu.memref_slice %arg12[%dma_wait3A_139, %dma_wait3A_140] : memref<10112x128xf32, #tpu.memory_space<vmem_shared>> -> memref<10112x128xf32, #tpu.memory_space<vmem_shared>>
        tpu.wait_indirect_dma semaphore(%run_scoped3A : memref<!tpu.dma_semaphore, #tpu.memory_space<semaphore_mem>>) src(%arg11 : memref<96x128xf32, #tpu.memory_space<vmem>>) dst(%dma_wait3A_141 : memref<10112x128xf32, #tpu.memory_space<vmem_shared>>)
        tpu.yield
      }) : () -> ()
      %add3A_126 = arith.constant 2 : i32
      %add3A_127 = arith.addi %add3A_110, %add3A_126 : i32
      %mul3A_128 = arith.constant 96 : i32
      %mul3A_129 = arith.muli %add3A_127, %mul3A_128 : i32
      %add3A_130 = arith.addi %mul3A_2, %mul3A_129 : i32
      %dma_start3A_131 = tpu.memref_slice %arg3[%add3A_130] : memref<325632xi32, #tpu.memory_space<hbm>> -> memref<96xi32, #tpu.memory_space<hbm>>
      %dma_start3A_132 = tpu.memref_slice %arg3[%add3A_130] : memref<325632xi32, #tpu.memory_space<hbm>> -> memref<96xi32, #tpu.memory_space<hbm>>
      tpu.enqueue_dma source(%dma_start3A_132 : memref<96xi32, #tpu.memory_space<hbm>>) target(%arg7 : memref<96xi32, #tpu.memory_space<vmem>>) target_semaphore(%arg14 : memref<!tpu.dma_semaphore, #tpu.memory_space<semaphore_mem>>)
      %dma_start3A_133 = tpu.memref_slice %arg4[%add3A_130] : memref<325632xi32, #tpu.memory_space<hbm>> -> memref<96xi32, #tpu.memory_space<hbm>>
      %dma_start3A_134 = tpu.memref_slice %arg4[%add3A_130] : memref<325632xi32, #tpu.memory_space<hbm>> -> memref<96xi32, #tpu.memory_space<hbm>>
      tpu.enqueue_dma source(%dma_start3A_134 : memref<96xi32, #tpu.memory_space<hbm>>) target(%arg9 : memref<96xi32, #tpu.memory_space<vmem>>) target_semaphore(%arg14 : memref<!tpu.dma_semaphore, #tpu.memory_space<semaphore_mem>>)
      %scan3A_135 = arith.constant 0 : i32
      scf.yield %scan3A_135 : i32
    }
    %scan3A_52 = arith.constant 52 : i32
    %add3A_53 = arith.constant 10080 : i32
    %add3A_54 = arith.addi %mul3A_2, %add3A_53 : i32
    %dma_wait3A_55 = tpu.memref_slice %arg3[%add3A_54] : memref<325632xi32, #tpu.memory_space<hbm>> -> memref<96xi32, #tpu.memory_space<hbm>>
    %dma_wait3A_56 = tpu.memref_slice %arg3[%add3A_54] : memref<325632xi32, #tpu.memory_space<hbm>> -> memref<96xi32, #tpu.memory_space<hbm>>
    tpu.wait_dma2 semaphore(%arg14 : memref<!tpu.dma_semaphore, #tpu.memory_space<semaphore_mem>>) src(%dma_wait3A_56 : memref<96xi32, #tpu.memory_space<hbm>>) dst(%arg7 : memref<96xi32, #tpu.memory_space<vmem>>)
    %dma_wait3A_57 = tpu.memref_slice %arg4[%add3A_54] : memref<325632xi32, #tpu.memory_space<hbm>> -> memref<96xi32, #tpu.memory_space<hbm>>
    %dma_wait3A_58 = tpu.memref_slice %arg4[%add3A_54] : memref<325632xi32, #tpu.memory_space<hbm>> -> memref<96xi32, #tpu.memory_space<hbm>>
    tpu.wait_dma2 semaphore(%arg14 : memref<!tpu.dma_semaphore, #tpu.memory_space<semaphore_mem>>) src(%dma_wait3A_58 : memref<96xi32, #tpu.memory_space<hbm>>) dst(%arg9 : memref<96xi32, #tpu.memory_space<vmem>>)
    %dma_start3A_59 = arith.constant 0 : i32
    %dma_start3A_60 = arith.constant 0 : i32
    %dma_start3A_61 = tpu.memref_slice %arg2[%dma_start3A_59, %dma_start3A_60] : memref<10000x128xf32, #tpu.memory_space<hbm>> -> memref<10000x128xf32, #tpu.memory_space<hbm>>
    tpu.enqueue_indirect_dma source(%dma_start3A_61 : memref<10000x128xf32, #tpu.memory_space<hbm>>) target(%arg11 : memref<96x128xf32, #tpu.memory_space<vmem>>) offsets(%arg7 : memref<96xi32, #tpu.memory_space<vmem>>) semaphore(%arg16 : memref<!tpu.dma_semaphore, #tpu.memory_space<semaphore_mem>>)
    %dma_wait3A_62 = arith.constant 0 : i32
    %dma_wait3A_63 = arith.constant 0 : i32
    %dma_wait3A_64 = tpu.memref_slice %arg2[%dma_wait3A_62, %dma_wait3A_63] : memref<10000x128xf32, #tpu.memory_space<hbm>> -> memref<10000x128xf32, #tpu.memory_space<hbm>>
    tpu.wait_indirect_dma semaphore(%arg15 : memref<!tpu.dma_semaphore, #tpu.memory_space<semaphore_mem>>) src(%dma_wait3A_64 : memref<10000x128xf32, #tpu.memory_space<hbm>>) dst(%arg10 : memref<96x128xf32, #tpu.memory_space<vmem>>)
    "tpu.region"() ({
      %run_scoped3A = tpu.sem_alloc : memref<!tpu.dma_semaphore, #tpu.memory_space<semaphore_mem>>
      %dma_start3A_77 = arith.constant 0 : i32
      %dma_start3A_78 = arith.constant 0 : i32
      %dma_start3A_79 = tpu.memref_slice %arg12[%dma_start3A_77, %dma_start3A_78] : memref<10112x128xf32, #tpu.memory_space<vmem_shared>> -> memref<10112x128xf32, #tpu.memory_space<vmem_shared>>
      tpu.enqueue_indirect_dma source(%arg10 : memref<96x128xf32, #tpu.memory_space<vmem>>) target(%dma_start3A_79 : memref<10112x128xf32, #tpu.memory_space<vmem_shared>>) offsets(%arg8 : memref<96xi32, #tpu.memory_space<vmem>>) semaphore(%run_scoped3A : memref<!tpu.dma_semaphore, #tpu.memory_space<semaphore_mem>>) {add = true}
      %dma_wait3A_80 = arith.constant 0 : i32
      %dma_wait3A_81 = arith.constant 0 : i32
      %dma_wait3A_82 = tpu.memref_slice %arg12[%dma_wait3A_80, %dma_wait3A_81] : memref<10112x128xf32, #tpu.memory_space<vmem_shared>> -> memref<10112x128xf32, #tpu.memory_space<vmem_shared>>
      tpu.wait_indirect_dma semaphore(%run_scoped3A : memref<!tpu.dma_semaphore, #tpu.memory_space<semaphore_mem>>) src(%arg10 : memref<96x128xf32, #tpu.memory_space<vmem>>) dst(%dma_wait3A_82 : memref<10112x128xf32, #tpu.memory_space<vmem_shared>>)
      tpu.yield
    }) : () -> ()
    %dma_wait3A_65 = arith.constant 0 : i32
    %dma_wait3A_66 = arith.constant 0 : i32
    %dma_wait3A_67 = tpu.memref_slice %arg2[%dma_wait3A_65, %dma_wait3A_66] : memref<10000x128xf32, #tpu.memory_space<hbm>> -> memref<10000x128xf32, #tpu.memory_space<hbm>>
    tpu.wait_indirect_dma semaphore(%arg16 : memref<!tpu.dma_semaphore, #tpu.memory_space<semaphore_mem>>) src(%dma_wait3A_67 : memref<10000x128xf32, #tpu.memory_space<hbm>>) dst(%arg11 : memref<96x128xf32, #tpu.memory_space<vmem>>)
    "tpu.region"() ({
      %run_scoped3A = tpu.sem_alloc : memref<!tpu.dma_semaphore, #tpu.memory_space<semaphore_mem>>
      %dma_start3A_77 = arith.constant 0 : i32
      %dma_start3A_78 = arith.constant 0 : i32
      %dma_start3A_79 = tpu.memref_slice %arg12[%dma_start3A_77, %dma_start3A_78] : memref<10112x128xf32, #tpu.memory_space<vmem_shared>> -> memref<10112x128xf32, #tpu.memory_space<vmem_shared>>
      tpu.enqueue_indirect_dma source(%arg11 : memref<96x128xf32, #tpu.memory_space<vmem>>) target(%dma_start3A_79 : memref<10112x128xf32, #tpu.memory_space<vmem_shared>>) offsets(%arg9 : memref<96xi32, #tpu.memory_space<vmem>>) semaphore(%run_scoped3A : memref<!tpu.dma_semaphore, #tpu.memory_space<semaphore_mem>>) {add = true}
      %dma_wait3A_80 = arith.constant 0 : i32
      %dma_wait3A_81 = arith.constant 0 : i32
      %dma_wait3A_82 = tpu.memref_slice %arg12[%dma_wait3A_80, %dma_wait3A_81] : memref<10112x128xf32, #tpu.memory_space<vmem_shared>> -> memref<10112x128xf32, #tpu.memory_space<vmem_shared>>
      tpu.wait_indirect_dma semaphore(%run_scoped3A : memref<!tpu.dma_semaphore, #tpu.memory_space<semaphore_mem>>) src(%arg11 : memref<96x128xf32, #tpu.memory_space<vmem>>) dst(%dma_wait3A_82 : memref<10112x128xf32, #tpu.memory_space<vmem_shared>>)
      tpu.yield
    }) : () -> ()
    %barrier3A_68 = arith.constant 0 : index
    tpu.barrier barrier_id(%barrier3A_68)
    %delay3A_69 = arith.constant 2000 : i32
    tpu.delay %delay3A_69
    %barrier3A_70 = arith.constant 0 : index
    tpu.barrier barrier_id(%barrier3A_70)
    %mul3A_71 = arith.constant 624 : i32
    %mul3A_72 = arith.muli %arg1, %mul3A_71 : i32
    %mul3A_73 = arith.constant 624 : i32
    %mul3A_74 = arith.muli %arg1, %mul3A_73 : i32
    "tpu.region"() ({
      %run_scoped3A = tpu.sem_alloc : memref<!tpu.dma_semaphore, #tpu.memory_space<semaphore_mem>>
      %dma_start3A_77 = arith.constant 0 : i32
      %dma_start3A_78 = arith.constant 0 : i32
      %dma_start3A_79 = tpu.memref_slice %arg5[%arg0, %dma_start3A_77, %dma_start3A_78] : memref<2x10000x128xf32, #tpu.memory_space<hbm>> -> memref<1x10000x128xf32, #tpu.memory_space<hbm>>
      %dma_start3A_80 = tpu.memref_squeeze %dma_start3A_79 : memref<1x10000x128xf32, #tpu.memory_space<hbm>> -> memref<10000x128xf32, #tpu.memory_space<hbm>>
      %dma_start3A_81 = arith.constant 0 : i32
      %dma_start3A_82 = tpu.memref_slice %dma_start3A_80[%mul3A_74, %dma_start3A_81] : memref<10000x128xf32, #tpu.memory_space<hbm>> -> memref<624x128xf32, #tpu.memory_space<hbm>>
      %dma_start3A_83 = arith.constant 0 : i32
      %dma_start3A_84 = tpu.memref_slice %arg12[%mul3A_72, %dma_start3A_83] : memref<10112x128xf32, #tpu.memory_space<vmem_shared>> -> memref<624x128xf32, #tpu.memory_space<vmem_shared>>
      tpu.enqueue_dma source(%dma_start3A_84 : memref<624x128xf32, #tpu.memory_space<vmem_shared>>) target(%dma_start3A_82 : memref<624x128xf32, #tpu.memory_space<hbm>>) target_semaphore(%run_scoped3A : memref<!tpu.dma_semaphore, #tpu.memory_space<semaphore_mem>>)
      %dma_wait3A_85 = arith.constant 0 : i32
      %dma_wait3A_86 = arith.constant 0 : i32
      %dma_wait3A_87 = tpu.memref_slice %arg5[%arg0, %dma_wait3A_85, %dma_wait3A_86] : memref<2x10000x128xf32, #tpu.memory_space<hbm>> -> memref<1x10000x128xf32, #tpu.memory_space<hbm>>
      %dma_wait3A_88 = tpu.memref_squeeze %dma_wait3A_87 : memref<1x10000x128xf32, #tpu.memory_space<hbm>> -> memref<10000x128xf32, #tpu.memory_space<hbm>>
      %dma_wait3A_89 = arith.constant 0 : i32
      %dma_wait3A_90 = tpu.memref_slice %dma_wait3A_88[%mul3A_74, %dma_wait3A_89] : memref<10000x128xf32, #tpu.memory_space<hbm>> -> memref<624x128xf32, #tpu.memory_space<hbm>>
      %dma_wait3A_91 = arith.constant 0 : i32
      %dma_wait3A_92 = tpu.memref_slice %arg12[%mul3A_72, %dma_wait3A_91] : memref<10112x128xf32, #tpu.memory_space<vmem_shared>> -> memref<624x128xf32, #tpu.memory_space<vmem_shared>>
      tpu.wait_dma2 semaphore(%run_scoped3A : memref<!tpu.dma_semaphore, #tpu.memory_space<semaphore_mem>>) src(%dma_wait3A_92 : memref<624x128xf32, #tpu.memory_space<vmem_shared>>) dst(%dma_wait3A_90 : memref<624x128xf32, #tpu.memory_space<hbm>>)
      tpu.yield
    }) : () -> ()
    %eq3A = arith.constant 0 : i32
    %eq3A_75 = arith.cmpi eq, %arg1, %eq3A : i32
    %convert_element_type3A = arith.extui %eq3A_75 : i1 to i32
    %cond3A = arith.constant 0 : i32
    %cond3A_76 = arith.cmpi ne, %convert_element_type3A, %cond3A : i32
    scf.if %cond3A_76 {
      "tpu.region"() ({
        %run_scoped3A = tpu.sem_alloc : memref<!tpu.dma_semaphore, #tpu.memory_space<semaphore_mem>>
        %dma_start3A_77 = arith.constant 0 : i32
        %dma_start3A_78 = arith.constant 0 : i32
        %dma_start3A_79 = tpu.memref_slice %arg5[%arg0, %dma_start3A_77, %dma_start3A_78] : memref<2x10000x128xf32, #tpu.memory_space<hbm>> -> memref<1x10000x128xf32, #tpu.memory_space<hbm>>
        %dma_start3A_80 = tpu.memref_squeeze %dma_start3A_79 : memref<1x10000x128xf32, #tpu.memory_space<hbm>> -> memref<10000x128xf32, #tpu.memory_space<hbm>>
        %dma_start3A_81 = arith.constant 9984 : i32
        %dma_start3A_82 = arith.constant 0 : i32
        %dma_start3A_83 = tpu.memref_slice %dma_start3A_80[%dma_start3A_81, %dma_start3A_82] : memref<10000x128xf32, #tpu.memory_space<hbm>> -> memref<16x128xf32, #tpu.memory_space<hbm>>
        %dma_start3A_84 = arith.constant 9984 : i32
        %dma_start3A_85 = arith.constant 0 : i32
        %dma_start3A_86 = tpu.memref_slice %arg12[%dma_start3A_84, %dma_start3A_85] : memref<10112x128xf32, #tpu.memory_space<vmem_shared>> -> memref<16x128xf32, #tpu.memory_space<vmem_shared>>
        tpu.enqueue_dma source(%dma_start3A_86 : memref<16x128xf32, #tpu.memory_space<vmem_shared>>) target(%dma_start3A_83 : memref<16x128xf32, #tpu.memory_space<hbm>>) target_semaphore(%run_scoped3A : memref<!tpu.dma_semaphore, #tpu.memory_space<semaphore_mem>>)
        %dma_wait3A_87 = arith.constant 0 : i32
        %dma_wait3A_88 = arith.constant 0 : i32
        %dma_wait3A_89 = tpu.memref_slice %arg5[%arg0, %dma_wait3A_87, %dma_wait3A_88] : memref<2x10000x128xf32, #tpu.memory_space<hbm>> -> memref<1x10000x128xf32, #tpu.memory_space<hbm>>
        %dma_wait3A_90 = tpu.memref_squeeze %dma_wait3A_89 : memref<1x10000x128xf32, #tpu.memory_space<hbm>> -> memref<10000x128xf32, #tpu.memory_space<hbm>>
        %dma_wait3A_91 = arith.constant 9984 : i32
        %dma_wait3A_92 = arith.constant 0 : i32
        %dma_wait3A_93 = tpu.memref_slice %dma_wait3A_90[%dma_wait3A_91, %dma_wait3A_92] : memref<10000x128xf32, #tpu.memory_space<hbm>> -> memref<16x128xf32, #tpu.memory_space<hbm>>
        %dma_wait3A_94 = arith.constant 9984 : i32
        %dma_wait3A_95 = arith.constant 0 : i32
        %dma_wait3A_96 = tpu.memref_slice %arg12[%dma_wait3A_94, %dma_wait3A_95] : memref<10112x128xf32, #tpu.memory_space<vmem_shared>> -> memref<16x128xf32, #tpu.memory_space<vmem_shared>>
        tpu.wait_dma2 semaphore(%run_scoped3A : memref<!tpu.dma_semaphore, #tpu.memory_space<semaphore_mem>>) src(%dma_wait3A_96 : memref<16x128xf32, #tpu.memory_space<vmem_shared>>) dst(%dma_wait3A_93 : memref<16x128xf32, #tpu.memory_space<hbm>>)
        tpu.yield
      }) : () -> ()
    } else {
    }
    return
  }
}

#map = affine_map<(d0, d1) -> (0, 0)>
#map1 = affine_map<(d0, d1) -> (0)>
#map2 = affine_map<(d0, d1) -> (0, 0, 0)>
module attributes {stable_mosaic.version = 14 : i64} {
  func.func @sc_agg(%arg0: i32, %arg1: i32, %arg2: memref<10000x128xf32, #tpu.memory_space<hbm>>, %arg3: memref<325632xi32, #tpu.memory_space<hbm>>, %arg4: memref<325632xi32, #tpu.memory_space<hbm>>, %arg5: memref<2x10000x128xf32, #tpu.memory_space<hbm>>, %arg6: memref<96xi32, #tpu.memory_space<vmem>>, %arg7: memref<96xi32, #tpu.memory_space<vmem>>, %arg8: memref<96xi32, #tpu.memory_space<vmem>>, %arg9: memref<96xi32, #tpu.memory_space<vmem>>, %arg10: memref<96x128xf32, #tpu.memory_space<vmem>>, %arg11: memref<96x128xf32, #tpu.memory_space<vmem>>, %arg12: memref<10112x128xf32, #tpu.memory_space<vmem_shared>>, %arg13: memref<!tpu.dma_semaphore, #tpu.memory_space<semaphore_mem>>, %arg14: memref<!tpu.dma_semaphore, #tpu.memory_space<semaphore_mem>>, %arg15: memref<!tpu.dma_semaphore, #tpu.memory_space<semaphore_mem>>, %arg16: memref<!tpu.dma_semaphore, #tpu.memory_space<semaphore_mem>>) attributes {dimension_semantics = [#tpu.dimension_semantics<core_parallel>, #tpu.dimension_semantics<subcore_parallel>], iteration_bounds = array<i64: 2, 16>, scalar_prefetch = 0 : i64, scratch_operands = 11 : i64, tpu.core_type = #tpu.core_type<sc_vector_subcore>, window_params = [{transform_indices = #map}, {transform_indices = #map1}, {transform_indices = #map1}, {transform_indices = #map2}]} {
    %mul3A = arith.constant 16 : i32
    %mul3A_0 = arith.muli %arg0, %mul3A : i32
    %add3A = arith.addi %mul3A_0, %arg1 : i32
    %mul3A_1 = arith.constant 10176 : i32
    %mul3A_2 = arith.muli %add3A, %mul3A_1 : i32
    %broadcast_in_dim3A = arith.constant 0.000000e+00 : f32
    %broadcast_in_dim3A_3 = vector.broadcast %broadcast_in_dim3A : f32 to vector<16xf32>
    %scan3A = arith.constant 0 : i32
    %scan3A_4 = arith.constant 0 : i32
    %scan3A_5 = arith.constant 768 : i32
    %scan3A_6 = arith.addi %scan3A_4, %scan3A_5 : i32
    %scan3A_7 = arith.constant 1 : i32
    %scan3A_8 = scf.for %scan3A_77 = %scan3A_4 to %scan3A_6 step %scan3A_7 iter_args(%scan3A_78 = %scan3A) -> (i32)  : i32 {
      %jit3A = arith.constant 8 : i32
      %div3A = arith.divsi %scan3A_77, %jit3A : i32
      %sign3A = arith.constant 0 : i32
      %sign3A_79 = arith.cmpi sgt, %scan3A_77, %sign3A : i32
      %sign3A_80 = arith.extui %sign3A_79 : i1 to i32
      %sign3A_81 = arith.constant 0 : i32
      %sign3A_82 = arith.cmpi slt, %scan3A_77, %sign3A_81 : i32
      %sign3A_83 = arith.extui %sign3A_82 : i1 to i32
      %sign3A_84 = arith.subi %sign3A_80, %sign3A_83 : i32
      %sign3A_85 = arith.constant 0 : i32
      %sign3A_86 = arith.cmpi sgt, %jit3A, %sign3A_85 : i32
      %sign3A_87 = arith.extui %sign3A_86 : i1 to i32
      %sign3A_88 = arith.constant 0 : i32
      %sign3A_89 = arith.cmpi slt, %jit3A, %sign3A_88 : i32
      %sign3A_90 = arith.extui %sign3A_89 : i1 to i32
      %sign3A_91 = arith.subi %sign3A_87, %sign3A_90 : i32
      %ne3A = arith.cmpi ne, %sign3A_84, %sign3A_91 : i32
      %rem3A = arith.remsi %scan3A_77, %jit3A : i32
      %ne3A_92 = arith.constant 0 : i32
      %ne3A_93 = arith.cmpi ne, %rem3A, %ne3A_92 : i32
      %and3A = arith.andi %ne3A, %ne3A_93 : i1
      %sub3A = arith.constant 1 : i32
      %sub3A_94 = arith.subi %div3A, %sub3A : i32
      %select_n3A = arith.select %and3A, %sub3A_94, %div3A : i32
      %jit3A_95 = arith.constant 8 : i32
      %eq3A_96 = arith.constant 0 : i32
      %eq3A_97 = arith.cmpi eq, %jit3A_95, %eq3A_96 : i32
      %jit3A_98 = arith.constant 1 : i32
      %select_n3A_99 = arith.select %eq3A_97, %jit3A_98, %jit3A_95 : i32
      %rem3A_100 = arith.remsi %scan3A_77, %select_n3A_99 : i32
      %ne3A_101 = arith.constant 0 : i32
      %ne3A_102 = arith.cmpi ne, %rem3A_100, %ne3A_101 : i32
      %lt3A = arith.constant 0 : i32
      %lt3A_103 = arith.cmpi slt, %rem3A_100, %lt3A : i32
      %lt3A_104 = arith.constant 0 : i32
      %lt3A_105 = arith.cmpi slt, %select_n3A_99, %lt3A_104 : i32
      %ne3A_106 = arith.xori %lt3A_103, %lt3A_105 : i1
      %and3A_107 = arith.andi %ne3A_106, %ne3A_102 : i1
      %add3A_108 = arith.addi %rem3A_100, %select_n3A_99 : i32
      %select_n3A_109 = arith.select %and3A_107, %add3A_108, %rem3A_100 : i32
      %mul3A_110 = arith.constant 16 : i32
      %mul3A_111 = arith.muli %select_n3A_109, %mul3A_110 : i32
      %swap3A = arith.index_cast %select_n3A : i32 to index
      %swap3A_112 = arith.index_cast %mul3A_111 : i32 to index
      %swap3A_113 = tpu.vector_load %arg10[%swap3A, %swap3A_112] {strides = array<i32>} : memref<96x128xf32, #tpu.memory_space<vmem>>, vector<1x16xf32>,
      %swap3A_114 = vector.shape_cast %swap3A_113 : vector<1x16xf32> to vector<16xf32>
      %swap3A_115 = vector.shape_cast %broadcast_in_dim3A_3 : vector<16xf32> to vector<1x16xf32>
      tpu.vector_store %arg10[%swap3A, %swap3A_112], %swap3A_115 {strides = array<i32>} : memref<96x128xf32, #tpu.memory_space<vmem>>, vector<1x16xf32>,
      %scan3A_116 = arith.constant 0 : i32
      scf.yield %scan3A_116 : i32
    }
    %scan3A_9 = arith.constant 768 : i32
    %mul3A_10 = arith.constant 632 : i32
    %mul3A_11 = arith.muli %arg1, %mul3A_10 : i32
    %add3A_12 = arith.constant 0 : i32
    %add3A_13 = arith.addi %mul3A_11, %add3A_12 : i32
    "tpu.region"() ({
      %run_scoped3A = tpu.sem_alloc : memref<!tpu.dma_semaphore, #tpu.memory_space<semaphore_mem>>
      %dma_start3A_77 = arith.constant 0 : i32
      %dma_start3A_78 = tpu.memref_slice %arg12[%add3A_13, %dma_start3A_77] : memref<10112x128xf32, #tpu.memory_space<vmem_shared>> -> memref<96x128xf32, #tpu.memory_space<vmem_shared>>
      %dma_start3A_79 = arith.constant 0 : i32
      %dma_start3A_80 = tpu.memref_slice %arg12[%add3A_13, %dma_start3A_79] : memref<10112x128xf32, #tpu.memory_space<vmem_shared>> -> memref<96x128xf32, #tpu.memory_space<vmem_shared>>
      tpu.enqueue_dma source(%arg10 : memref<96x128xf32, #tpu.memory_space<vmem>>) target(%dma_start3A_80 : memref<96x128xf32, #tpu.memory_space<vmem_shared>>) target_semaphore(%run_scoped3A : memref<!tpu.dma_semaphore, #tpu.memory_space<semaphore_mem>>)
      %dma_wait3A_81 = arith.constant 0 : i32
      %dma_wait3A_82 = tpu.memref_slice %arg12[%add3A_13, %dma_wait3A_81] : memref<10112x128xf32, #tpu.memory_space<vmem_shared>> -> memref<96x128xf32, #tpu.memory_space<vmem_shared>>
      %dma_wait3A_83 = arith.constant 0 : i32
      %dma_wait3A_84 = tpu.memref_slice %arg12[%add3A_13, %dma_wait3A_83] : memref<10112x128xf32, #tpu.memory_space<vmem_shared>> -> memref<96x128xf32, #tpu.memory_space<vmem_shared>>
      tpu.wait_dma2 semaphore(%run_scoped3A : memref<!tpu.dma_semaphore, #tpu.memory_space<semaphore_mem>>) src(%arg10 : memref<96x128xf32, #tpu.memory_space<vmem>>) dst(%dma_wait3A_84 : memref<96x128xf32, #tpu.memory_space<vmem_shared>>)
      tpu.yield
    }) : () -> ()
    %add3A_14 = arith.constant 96 : i32
    %add3A_15 = arith.addi %mul3A_11, %add3A_14 : i32
    "tpu.region"() ({
      %run_scoped3A = tpu.sem_alloc : memref<!tpu.dma_semaphore, #tpu.memory_space<semaphore_mem>>
      %dma_start3A_77 = arith.constant 0 : i32
      %dma_start3A_78 = tpu.memref_slice %arg12[%add3A_15, %dma_start3A_77] : memref<10112x128xf32, #tpu.memory_space<vmem_shared>> -> memref<96x128xf32, #tpu.memory_space<vmem_shared>>
      %dma_start3A_79 = arith.constant 0 : i32
      %dma_start3A_80 = tpu.memref_slice %arg12[%add3A_15, %dma_start3A_79] : memref<10112x128xf32, #tpu.memory_space<vmem_shared>> -> memref<96x128xf32, #tpu.memory_space<vmem_shared>>
      tpu.enqueue_dma source(%arg10 : memref<96x128xf32, #tpu.memory_space<vmem>>) target(%dma_start3A_80 : memref<96x128xf32, #tpu.memory_space<vmem_shared>>) target_semaphore(%run_scoped3A : memref<!tpu.dma_semaphore, #tpu.memory_space<semaphore_mem>>)
      %dma_wait3A_81 = arith.constant 0 : i32
      %dma_wait3A_82 = tpu.memref_slice %arg12[%add3A_15, %dma_wait3A_81] : memref<10112x128xf32, #tpu.memory_space<vmem_shared>> -> memref<96x128xf32, #tpu.memory_space<vmem_shared>>
      %dma_wait3A_83 = arith.constant 0 : i32
      %dma_wait3A_84 = tpu.memref_slice %arg12[%add3A_15, %dma_wait3A_83] : memref<10112x128xf32, #tpu.memory_space<vmem_shared>> -> memref<96x128xf32, #tpu.memory_space<vmem_shared>>
      tpu.wait_dma2 semaphore(%run_scoped3A : memref<!tpu.dma_semaphore, #tpu.memory_space<semaphore_mem>>) src(%arg10 : memref<96x128xf32, #tpu.memory_space<vmem>>) dst(%dma_wait3A_84 : memref<96x128xf32, #tpu.memory_space<vmem_shared>>)
      tpu.yield
    }) : () -> ()
    %add3A_16 = arith.constant 192 : i32
    %add3A_17 = arith.addi %mul3A_11, %add3A_16 : i32
    "tpu.region"() ({
      %run_scoped3A = tpu.sem_alloc : memref<!tpu.dma_semaphore, #tpu.memory_space<semaphore_mem>>
      %dma_start3A_77 = arith.constant 0 : i32
      %dma_start3A_78 = tpu.memref_slice %arg12[%add3A_17, %dma_start3A_77] : memref<10112x128xf32, #tpu.memory_space<vmem_shared>> -> memref<96x128xf32, #tpu.memory_space<vmem_shared>>
      %dma_start3A_79 = arith.constant 0 : i32
      %dma_start3A_80 = tpu.memref_slice %arg12[%add3A_17, %dma_start3A_79] : memref<10112x128xf32, #tpu.memory_space<vmem_shared>> -> memref<96x128xf32, #tpu.memory_space<vmem_shared>>
      tpu.enqueue_dma source(%arg10 : memref<96x128xf32, #tpu.memory_space<vmem>>) target(%dma_start3A_80 : memref<96x128xf32, #tpu.memory_space<vmem_shared>>) target_semaphore(%run_scoped3A : memref<!tpu.dma_semaphore, #tpu.memory_space<semaphore_mem>>)
      %dma_wait3A_81 = arith.constant 0 : i32
      %dma_wait3A_82 = tpu.memref_slice %arg12[%add3A_17, %dma_wait3A_81] : memref<10112x128xf32, #tpu.memory_space<vmem_shared>> -> memref<96x128xf32, #tpu.memory_space<vmem_shared>>
      %dma_wait3A_83 = arith.constant 0 : i32
      %dma_wait3A_84 = tpu.memref_slice %arg12[%add3A_17, %dma_wait3A_83] : memref<10112x128xf32, #tpu.memory_space<vmem_shared>> -> memref<96x128xf32, #tpu.memory_space<vmem_shared>>
      tpu.wait_dma2 semaphore(%run_scoped3A : memref<!tpu.dma_semaphore, #tpu.memory_space<semaphore_mem>>) src(%arg10 : memref<96x128xf32, #tpu.memory_space<vmem>>) dst(%dma_wait3A_84 : memref<96x128xf32, #tpu.memory_space<vmem_shared>>)
      tpu.yield
    }) : () -> ()
    %add3A_18 = arith.constant 288 : i32
    %add3A_19 = arith.addi %mul3A_11, %add3A_18 : i32
    "tpu.region"() ({
      %run_scoped3A = tpu.sem_alloc : memref<!tpu.dma_semaphore, #tpu.memory_space<semaphore_mem>>
      %dma_start3A_77 = arith.constant 0 : i32
      %dma_start3A_78 = tpu.memref_slice %arg12[%add3A_19, %dma_start3A_77] : memref<10112x128xf32, #tpu.memory_space<vmem_shared>> -> memref<96x128xf32, #tpu.memory_space<vmem_shared>>
      %dma_start3A_79 = arith.constant 0 : i32
      %dma_start3A_80 = tpu.memref_slice %arg12[%add3A_19, %dma_start3A_79] : memref<10112x128xf32, #tpu.memory_space<vmem_shared>> -> memref<96x128xf32, #tpu.memory_space<vmem_shared>>
      tpu.enqueue_dma source(%arg10 : memref<96x128xf32, #tpu.memory_space<vmem>>) target(%dma_start3A_80 : memref<96x128xf32, #tpu.memory_space<vmem_shared>>) target_semaphore(%run_scoped3A : memref<!tpu.dma_semaphore, #tpu.memory_space<semaphore_mem>>)
      %dma_wait3A_81 = arith.constant 0 : i32
      %dma_wait3A_82 = tpu.memref_slice %arg12[%add3A_19, %dma_wait3A_81] : memref<10112x128xf32, #tpu.memory_space<vmem_shared>> -> memref<96x128xf32, #tpu.memory_space<vmem_shared>>
      %dma_wait3A_83 = arith.constant 0 : i32
      %dma_wait3A_84 = tpu.memref_slice %arg12[%add3A_19, %dma_wait3A_83] : memref<10112x128xf32, #tpu.memory_space<vmem_shared>> -> memref<96x128xf32, #tpu.memory_space<vmem_shared>>
      tpu.wait_dma2 semaphore(%run_scoped3A : memref<!tpu.dma_semaphore, #tpu.memory_space<semaphore_mem>>) src(%arg10 : memref<96x128xf32, #tpu.memory_space<vmem>>) dst(%dma_wait3A_84 : memref<96x128xf32, #tpu.memory_space<vmem_shared>>)
      tpu.yield
    }) : () -> ()
    %add3A_20 = arith.constant 384 : i32
    %add3A_21 = arith.addi %mul3A_11, %add3A_20 : i32
    "tpu.region"() ({
      %run_scoped3A = tpu.sem_alloc : memref<!tpu.dma_semaphore, #tpu.memory_space<semaphore_mem>>
      %dma_start3A_77 = arith.constant 0 : i32
      %dma_start3A_78 = tpu.memref_slice %arg12[%add3A_21, %dma_start3A_77] : memref<10112x128xf32, #tpu.memory_space<vmem_shared>> -> memref<96x128xf32, #tpu.memory_space<vmem_shared>>
      %dma_start3A_79 = arith.constant 0 : i32
      %dma_start3A_80 = tpu.memref_slice %arg12[%add3A_21, %dma_start3A_79] : memref<10112x128xf32, #tpu.memory_space<vmem_shared>> -> memref<96x128xf32, #tpu.memory_space<vmem_shared>>
      tpu.enqueue_dma source(%arg10 : memref<96x128xf32, #tpu.memory_space<vmem>>) target(%dma_start3A_80 : memref<96x128xf32, #tpu.memory_space<vmem_shared>>) target_semaphore(%run_scoped3A : memref<!tpu.dma_semaphore, #tpu.memory_space<semaphore_mem>>)
      %dma_wait3A_81 = arith.constant 0 : i32
      %dma_wait3A_82 = tpu.memref_slice %arg12[%add3A_21, %dma_wait3A_81] : memref<10112x128xf32, #tpu.memory_space<vmem_shared>> -> memref<96x128xf32, #tpu.memory_space<vmem_shared>>
      %dma_wait3A_83 = arith.constant 0 : i32
      %dma_wait3A_84 = tpu.memref_slice %arg12[%add3A_21, %dma_wait3A_83] : memref<10112x128xf32, #tpu.memory_space<vmem_shared>> -> memref<96x128xf32, #tpu.memory_space<vmem_shared>>
      tpu.wait_dma2 semaphore(%run_scoped3A : memref<!tpu.dma_semaphore, #tpu.memory_space<semaphore_mem>>) src(%arg10 : memref<96x128xf32, #tpu.memory_space<vmem>>) dst(%dma_wait3A_84 : memref<96x128xf32, #tpu.memory_space<vmem_shared>>)
      tpu.yield
    }) : () -> ()
    %add3A_22 = arith.constant 480 : i32
    %add3A_23 = arith.addi %mul3A_11, %add3A_22 : i32
    "tpu.region"() ({
      %run_scoped3A = tpu.sem_alloc : memref<!tpu.dma_semaphore, #tpu.memory_space<semaphore_mem>>
      %dma_start3A_77 = arith.constant 0 : i32
      %dma_start3A_78 = tpu.memref_slice %arg12[%add3A_23, %dma_start3A_77] : memref<10112x128xf32, #tpu.memory_space<vmem_shared>> -> memref<96x128xf32, #tpu.memory_space<vmem_shared>>
      %dma_start3A_79 = arith.constant 0 : i32
      %dma_start3A_80 = tpu.memref_slice %arg12[%add3A_23, %dma_start3A_79] : memref<10112x128xf32, #tpu.memory_space<vmem_shared>> -> memref<96x128xf32, #tpu.memory_space<vmem_shared>>
      tpu.enqueue_dma source(%arg10 : memref<96x128xf32, #tpu.memory_space<vmem>>) target(%dma_start3A_80 : memref<96x128xf32, #tpu.memory_space<vmem_shared>>) target_semaphore(%run_scoped3A : memref<!tpu.dma_semaphore, #tpu.memory_space<semaphore_mem>>)
      %dma_wait3A_81 = arith.constant 0 : i32
      %dma_wait3A_82 = tpu.memref_slice %arg12[%add3A_23, %dma_wait3A_81] : memref<10112x128xf32, #tpu.memory_space<vmem_shared>> -> memref<96x128xf32, #tpu.memory_space<vmem_shared>>
      %dma_wait3A_83 = arith.constant 0 : i32
      %dma_wait3A_84 = tpu.memref_slice %arg12[%add3A_23, %dma_wait3A_83] : memref<10112x128xf32, #tpu.memory_space<vmem_shared>> -> memref<96x128xf32, #tpu.memory_space<vmem_shared>>
      tpu.wait_dma2 semaphore(%run_scoped3A : memref<!tpu.dma_semaphore, #tpu.memory_space<semaphore_mem>>) src(%arg10 : memref<96x128xf32, #tpu.memory_space<vmem>>) dst(%dma_wait3A_84 : memref<96x128xf32, #tpu.memory_space<vmem_shared>>)
      tpu.yield
    }) : () -> ()
    %add3A_24 = arith.constant 576 : i32
    %add3A_25 = arith.addi %mul3A_11, %add3A_24 : i32
    "tpu.region"() ({
      %run_scoped3A = tpu.sem_alloc : memref<!tpu.dma_semaphore, #tpu.memory_space<semaphore_mem>>
      %dma_start3A_77 = arith.constant 0 : i32
      %dma_start3A_78 = arith.constant 0 : i32
      %dma_start3A_79 = tpu.memref_slice %arg10[%dma_start3A_77, %dma_start3A_78] : memref<96x128xf32, #tpu.memory_space<vmem>> -> memref<56x128xf32, #tpu.memory_space<vmem>>
      %dma_start3A_80 = arith.constant 0 : i32
      %dma_start3A_81 = tpu.memref_slice %arg12[%add3A_25, %dma_start3A_80] : memref<10112x128xf32, #tpu.memory_space<vmem_shared>> -> memref<56x128xf32, #tpu.memory_space<vmem_shared>>
      %dma_start3A_82 = arith.constant 0 : i32
      %dma_start3A_83 = tpu.memref_slice %arg12[%add3A_25, %dma_start3A_82] : memref<10112x128xf32, #tpu.memory_space<vmem_shared>> -> memref<56x128xf32, #tpu.memory_space<vmem_shared>>
      %dma_start3A_84 = arith.constant 0 : i32
      %dma_start3A_85 = arith.constant 0 : i32
      %dma_start3A_86 = tpu.memref_slice %arg10[%dma_start3A_84, %dma_start3A_85] : memref<96x128xf32, #tpu.memory_space<vmem>> -> memref<56x128xf32, #tpu.memory_space<vmem>>
      tpu.enqueue_dma source(%dma_start3A_86 : memref<56x128xf32, #tpu.memory_space<vmem>>) target(%dma_start3A_83 : memref<56x128xf32, #tpu.memory_space<vmem_shared>>) target_semaphore(%run_scoped3A : memref<!tpu.dma_semaphore, #tpu.memory_space<semaphore_mem>>)
      %dma_wait3A_87 = arith.constant 0 : i32
      %dma_wait3A_88 = arith.constant 0 : i32
      %dma_wait3A_89 = tpu.memref_slice %arg10[%dma_wait3A_87, %dma_wait3A_88] : memref<96x128xf32, #tpu.memory_space<vmem>> -> memref<56x128xf32, #tpu.memory_space<vmem>>
      %dma_wait3A_90 = arith.constant 0 : i32
      %dma_wait3A_91 = tpu.memref_slice %arg12[%add3A_25, %dma_wait3A_90] : memref<10112x128xf32, #tpu.memory_space<vmem_shared>> -> memref<56x128xf32, #tpu.memory_space<vmem_shared>>
      %dma_wait3A_92 = arith.constant 0 : i32
      %dma_wait3A_93 = tpu.memref_slice %arg12[%add3A_25, %dma_wait3A_92] : memref<10112x128xf32, #tpu.memory_space<vmem_shared>> -> memref<56x128xf32, #tpu.memory_space<vmem_shared>>
      %dma_wait3A_94 = arith.constant 0 : i32
      %dma_wait3A_95 = arith.constant 0 : i32
      %dma_wait3A_96 = tpu.memref_slice %arg10[%dma_wait3A_94, %dma_wait3A_95] : memref<96x128xf32, #tpu.memory_space<vmem>> -> memref<56x128xf32, #tpu.memory_space<vmem>>
      tpu.wait_dma2 semaphore(%run_scoped3A : memref<!tpu.dma_semaphore, #tpu.memory_space<semaphore_mem>>) src(%dma_wait3A_96 : memref<56x128xf32, #tpu.memory_space<vmem>>) dst(%dma_wait3A_93 : memref<56x128xf32, #tpu.memory_space<vmem_shared>>)
      tpu.yield
    }) : () -> ()
    %barrier3A = arith.constant 0 : index
    tpu.barrier barrier_id(%barrier3A)
    %delay3A = arith.constant 2000 : i32
    tpu.delay %delay3A
    %barrier3A_26 = arith.constant 0 : index
    tpu.barrier barrier_id(%barrier3A_26)
    %add3A_27 = arith.constant 0 : i32
    %add3A_28 = arith.addi %mul3A_2, %add3A_27 : i32
    %dma_start3A = tpu.memref_slice %arg3[%add3A_28] : memref<325632xi32, #tpu.memory_space<hbm>> -> memref<96xi32, #tpu.memory_space<hbm>>
    %dma_start3A_29 = tpu.memref_slice %arg3[%add3A_28] : memref<325632xi32, #tpu.memory_space<hbm>> -> memref<96xi32, #tpu.memory_space<hbm>>
    tpu.enqueue_dma source(%dma_start3A_29 : memref<96xi32, #tpu.memory_space<hbm>>) target(%arg6 : memref<96xi32, #tpu.memory_space<vmem>>) target_semaphore(%arg13 : memref<!tpu.dma_semaphore, #tpu.memory_space<semaphore_mem>>)
    %dma_start3A_30 = tpu.memref_slice %arg4[%add3A_28] : memref<325632xi32, #tpu.memory_space<hbm>> -> memref<96xi32, #tpu.memory_space<hbm>>
    %dma_start3A_31 = tpu.memref_slice %arg4[%add3A_28] : memref<325632xi32, #tpu.memory_space<hbm>> -> memref<96xi32, #tpu.memory_space<hbm>>
    tpu.enqueue_dma source(%dma_start3A_31 : memref<96xi32, #tpu.memory_space<hbm>>) target(%arg8 : memref<96xi32, #tpu.memory_space<vmem>>) target_semaphore(%arg13 : memref<!tpu.dma_semaphore, #tpu.memory_space<semaphore_mem>>)
    %add3A_32 = arith.constant 96 : i32
    %add3A_33 = arith.addi %mul3A_2, %add3A_32 : i32
    %dma_start3A_34 = tpu.memref_slice %arg3[%add3A_33] : memref<325632xi32, #tpu.memory_space<hbm>> -> memref<96xi32, #tpu.memory_space<hbm>>
    %dma_start3A_35 = tpu.memref_slice %arg3[%add3A_33] : memref<325632xi32, #tpu.memory_space<hbm>> -> memref<96xi32, #tpu.memory_space<hbm>>
    tpu.enqueue_dma source(%dma_start3A_35 : memref<96xi32, #tpu.memory_space<hbm>>) target(%arg7 : memref<96xi32, #tpu.memory_space<vmem>>) target_semaphore(%arg14 : memref<!tpu.dma_semaphore, #tpu.memory_space<semaphore_mem>>)
    %dma_start3A_36 = tpu.memref_slice %arg4[%add3A_33] : memref<325632xi32, #tpu.memory_space<hbm>> -> memref<96xi32, #tpu.memory_space<hbm>>
    %dma_start3A_37 = tpu.memref_slice %arg4[%add3A_33] : memref<325632xi32, #tpu.memory_space<hbm>> -> memref<96xi32, #tpu.memory_space<hbm>>
    tpu.enqueue_dma source(%dma_start3A_37 : memref<96xi32, #tpu.memory_space<hbm>>) target(%arg9 : memref<96xi32, #tpu.memory_space<vmem>>) target_semaphore(%arg14 : memref<!tpu.dma_semaphore, #tpu.memory_space<semaphore_mem>>)
    %add3A_38 = arith.constant 0 : i32
    %add3A_39 = arith.addi %mul3A_2, %add3A_38 : i32
    %dma_wait3A = tpu.memref_slice %arg3[%add3A_39] : memref<325632xi32, #tpu.memory_space<hbm>> -> memref<96xi32, #tpu.memory_space<hbm>>
    %dma_wait3A_40 = tpu.memref_slice %arg3[%add3A_39] : memref<325632xi32, #tpu.memory_space<hbm>> -> memref<96xi32, #tpu.memory_space<hbm>>
    tpu.wait_dma2 semaphore(%arg13 : memref<!tpu.dma_semaphore, #tpu.memory_space<semaphore_mem>>) src(%dma_wait3A_40 : memref<96xi32, #tpu.memory_space<hbm>>) dst(%arg6 : memref<96xi32, #tpu.memory_space<vmem>>)
    %dma_wait3A_41 = tpu.memref_slice %arg4[%add3A_39] : memref<325632xi32, #tpu.memory_space<hbm>> -> memref<96xi32, #tpu.memory_space<hbm>>
    %dma_wait3A_42 = tpu.memref_slice %arg4[%add3A_39] : memref<325632xi32, #tpu.memory_space<hbm>> -> memref<96xi32, #tpu.memory_space<hbm>>
    tpu.wait_dma2 semaphore(%arg13 : memref<!tpu.dma_semaphore, #tpu.memory_space<semaphore_mem>>) src(%dma_wait3A_42 : memref<96xi32, #tpu.memory_space<hbm>>) dst(%arg8 : memref<96xi32, #tpu.memory_space<vmem>>)
    %dma_start3A_43 = arith.constant 0 : i32
    %dma_start3A_44 = arith.constant 0 : i32
    %dma_start3A_45 = tpu.memref_slice %arg2[%dma_start3A_43, %dma_start3A_44] : memref<10000x128xf32, #tpu.memory_space<hbm>> -> memref<10000x128xf32, #tpu.memory_space<hbm>>
    tpu.enqueue_indirect_dma source(%dma_start3A_45 : memref<10000x128xf32, #tpu.memory_space<hbm>>) target(%arg10 : memref<96x128xf32, #tpu.memory_space<vmem>>) offsets(%arg6 : memref<96xi32, #tpu.memory_space<vmem>>) semaphore(%arg15 : memref<!tpu.dma_semaphore, #tpu.memory_space<semaphore_mem>>)
    %scan3A_46 = arith.constant 0 : i32
    %scan3A_47 = arith.constant 0 : i32
    %scan3A_48 = arith.constant 52 : i32
    %scan3A_49 = arith.addi %scan3A_47, %scan3A_48 : i32
    %scan3A_50 = arith.constant 1 : i32
    %scan3A_51 = scf.for %scan3A_77 = %scan3A_47 to %scan3A_49 step %scan3A_50 iter_args(%scan3A_78 = %scan3A_46) -> (i32)  : i32 {
      %mul3A_79 = arith.constant 2 : i32
      %mul3A_80 = arith.muli %mul3A_79, %scan3A_77 : i32
      %add3A_81 = arith.constant 0 : i32
      %add3A_82 = arith.addi %mul3A_80, %add3A_81 : i32
      %add3A_83 = arith.constant 1 : i32
      %add3A_84 = arith.addi %add3A_82, %add3A_83 : i32
      %mul3A_85 = arith.constant 96 : i32
      %mul3A_86 = arith.muli %add3A_84, %mul3A_85 : i32
      %add3A_87 = arith.addi %mul3A_2, %mul3A_86 : i32
      %dma_wait3A_88 = tpu.memref_slice %arg3[%add3A_87] : memref<325632xi32, #tpu.memory_space<hbm>> -> memref<96xi32, #tpu.memory_space<hbm>>
      %dma_wait3A_89 = tpu.memref_slice %arg3[%add3A_87] : memref<325632xi32, #tpu.memory_space<hbm>> -> memref<96xi32, #tpu.memory_space<hbm>>
      tpu.wait_dma2 semaphore(%arg14 : memref<!tpu.dma_semaphore, #tpu.memory_space<semaphore_mem>>) src(%dma_wait3A_89 : memref<96xi32, #tpu.memory_space<hbm>>) dst(%arg7 : memref<96xi32, #tpu.memory_space<vmem>>)
      %dma_wait3A_90 = tpu.memref_slice %arg4[%add3A_87] : memref<325632xi32, #tpu.memory_space<hbm>> -> memref<96xi32, #tpu.memory_space<hbm>>
      %dma_wait3A_91 = tpu.memref_slice %arg4[%add3A_87] : memref<325632xi32, #tpu.memory_space<hbm>> -> memref<96xi32, #tpu.memory_space<hbm>>
      tpu.wait_dma2 semaphore(%arg14 : memref<!tpu.dma_semaphore, #tpu.memory_space<semaphore_mem>>) src(%dma_wait3A_91 : memref<96xi32, #tpu.memory_space<hbm>>) dst(%arg9 : memref<96xi32, #tpu.memory_space<vmem>>)
      %dma_start3A_92 = arith.constant 0 : i32
      %dma_start3A_93 = arith.constant 0 : i32
      %dma_start3A_94 = tpu.memref_slice %arg2[%dma_start3A_92, %dma_start3A_93] : memref<10000x128xf32, #tpu.memory_space<hbm>> -> memref<10000x128xf32, #tpu.memory_space<hbm>>
      tpu.enqueue_indirect_dma source(%dma_start3A_94 : memref<10000x128xf32, #tpu.memory_space<hbm>>) target(%arg11 : memref<96x128xf32, #tpu.memory_space<vmem>>) offsets(%arg7 : memref<96xi32, #tpu.memory_space<vmem>>) semaphore(%arg16 : memref<!tpu.dma_semaphore, #tpu.memory_space<semaphore_mem>>)
      %dma_wait3A_95 = arith.constant 0 : i32
      %dma_wait3A_96 = arith.constant 0 : i32
      %dma_wait3A_97 = tpu.memref_slice %arg2[%dma_wait3A_95, %dma_wait3A_96] : memref<10000x128xf32, #tpu.memory_space<hbm>> -> memref<10000x128xf32, #tpu.memory_space<hbm>>
      tpu.wait_indirect_dma semaphore(%arg15 : memref<!tpu.dma_semaphore, #tpu.memory_space<semaphore_mem>>) src(%dma_wait3A_97 : memref<10000x128xf32, #tpu.memory_space<hbm>>) dst(%arg10 : memref<96x128xf32, #tpu.memory_space<vmem>>)
      "tpu.region"() ({
        %run_scoped3A = tpu.sem_alloc : memref<!tpu.dma_semaphore, #tpu.memory_space<semaphore_mem>>
        %dma_start3A_136 = arith.constant 0 : i32
        %dma_start3A_137 = arith.constant 0 : i32
        %dma_start3A_138 = tpu.memref_slice %arg12[%dma_start3A_136, %dma_start3A_137] : memref<10112x128xf32, #tpu.memory_space<vmem_shared>> -> memref<10112x128xf32, #tpu.memory_space<vmem_shared>>
        tpu.enqueue_indirect_dma source(%arg10 : memref<96x128xf32, #tpu.memory_space<vmem>>) target(%dma_start3A_138 : memref<10112x128xf32, #tpu.memory_space<vmem_shared>>) offsets(%arg8 : memref<96xi32, #tpu.memory_space<vmem>>) semaphore(%run_scoped3A : memref<!tpu.dma_semaphore, #tpu.memory_space<semaphore_mem>>) {add = true}
        %dma_wait3A_139 = arith.constant 0 : i32
        %dma_wait3A_140 = arith.constant 0 : i32
        %dma_wait3A_141 = tpu.memref_slice %arg12[%dma_wait3A_139, %dma_wait3A_140] : memref<10112x128xf32, #tpu.memory_space<vmem_shared>> -> memref<10112x128xf32, #tpu.memory_space<vmem_shared>>
        tpu.wait_indirect_dma semaphore(%run_scoped3A : memref<!tpu.dma_semaphore, #tpu.memory_space<semaphore_mem>>) src(%arg10 : memref<96x128xf32, #tpu.memory_space<vmem>>) dst(%dma_wait3A_141 : memref<10112x128xf32, #tpu.memory_space<vmem_shared>>)
        tpu.yield
      }) : () -> ()
      %add3A_98 = arith.constant 2 : i32
      %add3A_99 = arith.addi %add3A_82, %add3A_98 : i32
      %mul3A_100 = arith.constant 96 : i32
      %mul3A_101 = arith.muli %add3A_99, %mul3A_100 : i32
      %add3A_102 = arith.addi %mul3A_2, %mul3A_101 : i32
      %dma_start3A_103 = tpu.memref_slice %arg3[%add3A_102] : memref<325632xi32, #tpu.memory_space<hbm>> -> memref<96xi32, #tpu.memory_space<hbm>>
      %dma_start3A_104 = tpu.memref_slice %arg3[%add3A_102] : memref<325632xi32, #tpu.memory_space<hbm>> -> memref<96xi32, #tpu.memory_space<hbm>>
      tpu.enqueue_dma source(%dma_start3A_104 : memref<96xi32, #tpu.memory_space<hbm>>) target(%arg6 : memref<96xi32, #tpu.memory_space<vmem>>) target_semaphore(%arg13 : memref<!tpu.dma_semaphore, #tpu.memory_space<semaphore_mem>>)
      %dma_start3A_105 = tpu.memref_slice %arg4[%add3A_102] : memref<325632xi32, #tpu.memory_space<hbm>> -> memref<96xi32, #tpu.memory_space<hbm>>
      %dma_start3A_106 = tpu.memref_slice %arg4[%add3A_102] : memref<325632xi32, #tpu.memory_space<hbm>> -> memref<96xi32, #tpu.memory_space<hbm>>
      tpu.enqueue_dma source(%dma_start3A_106 : memref<96xi32, #tpu.memory_space<hbm>>) target(%arg8 : memref<96xi32, #tpu.memory_space<vmem>>) target_semaphore(%arg13 : memref<!tpu.dma_semaphore, #tpu.memory_space<semaphore_mem>>)
      %mul3A_107 = arith.constant 2 : i32
      %mul3A_108 = arith.muli %mul3A_107, %scan3A_77 : i32
      %add3A_109 = arith.constant 1 : i32
      %add3A_110 = arith.addi %mul3A_108, %add3A_109 : i32
      %add3A_111 = arith.constant 1 : i32
      %add3A_112 = arith.addi %add3A_110, %add3A_111 : i32
      %mul3A_113 = arith.constant 96 : i32
      %mul3A_114 = arith.muli %add3A_112, %mul3A_113 : i32
      %add3A_115 = arith.addi %mul3A_2, %mul3A_114 : i32
      %dma_wait3A_116 = tpu.memref_slice %arg3[%add3A_115] : memref<325632xi32, #tpu.memory_space<hbm>> -> memref<96xi32, #tpu.memory_space<hbm>>
      %dma_wait3A_117 = tpu.memref_slice %arg3[%add3A_115] : memref<325632xi32, #tpu.memory_space<hbm>> -> memref<96xi32, #tpu.memory_space<hbm>>
      tpu.wait_dma2 semaphore(%arg13 : memref<!tpu.dma_semaphore, #tpu.memory_space<semaphore_mem>>) src(%dma_wait3A_117 : memref<96xi32, #tpu.memory_space<hbm>>) dst(%arg6 : memref<96xi32, #tpu.memory_space<vmem>>)
      %dma_wait3A_118 = tpu.memref_slice %arg4[%add3A_115] : memref<325632xi32, #tpu.memory_space<hbm>> -> memref<96xi32, #tpu.memory_space<hbm>>
      %dma_wait3A_119 = tpu.memref_slice %arg4[%add3A_115] : memref<325632xi32, #tpu.memory_space<hbm>> -> memref<96xi32, #tpu.memory_space<hbm>>
      tpu.wait_dma2 semaphore(%arg13 : memref<!tpu.dma_semaphore, #tpu.memory_space<semaphore_mem>>) src(%dma_wait3A_119 : memref<96xi32, #tpu.memory_space<hbm>>) dst(%arg8 : memref<96xi32, #tpu.memory_space<vmem>>)
      %dma_start3A_120 = arith.constant 0 : i32
      %dma_start3A_121 = arith.constant 0 : i32
      %dma_start3A_122 = tpu.memref_slice %arg2[%dma_start3A_120, %dma_start3A_121] : memref<10000x128xf32, #tpu.memory_space<hbm>> -> memref<10000x128xf32, #tpu.memory_space<hbm>>
      tpu.enqueue_indirect_dma source(%dma_start3A_122 : memref<10000x128xf32, #tpu.memory_space<hbm>>) target(%arg10 : memref<96x128xf32, #tpu.memory_space<vmem>>) offsets(%arg6 : memref<96xi32, #tpu.memory_space<vmem>>) semaphore(%arg15 : memref<!tpu.dma_semaphore, #tpu.memory_space<semaphore_mem>>)
      %dma_wait3A_123 = arith.constant 0 : i32
      %dma_wait3A_124 = arith.constant 0 : i32
      %dma_wait3A_125 = tpu.memref_slice %arg2[%dma_wait3A_123, %dma_wait3A_124] : memref<10000x128xf32, #tpu.memory_space<hbm>> -> memref<10000x128xf32, #tpu.memory_space<hbm>>
      tpu.wait_indirect_dma semaphore(%arg16 : memref<!tpu.dma_semaphore, #tpu.memory_space<semaphore_mem>>) src(%dma_wait3A_125 : memref<10000x128xf32, #tpu.memory_space<hbm>>) dst(%arg11 : memref<96x128xf32, #tpu.memory_space<vmem>>)
      "tpu.region"() ({
        %run_scoped3A = tpu.sem_alloc : memref<!tpu.dma_semaphore, #tpu.memory_space<semaphore_mem>>
        %dma_start3A_136 = arith.constant 0 : i32
        %dma_start3A_137 = arith.constant 0 : i32
        %dma_start3A_138 = tpu.memref_slice %arg12[%dma_start3A_136, %dma_start3A_137] : memref<10112x128xf32, #tpu.memory_space<vmem_shared>> -> memref<10112x128xf32, #tpu.memory_space<vmem_shared>>
        tpu.enqueue_indirect_dma source(%arg11 : memref<96x128xf32, #tpu.memory_space<vmem>>) target(%dma_start3A_138 : memref<10112x128xf32, #tpu.memory_space<vmem_shared>>) offsets(%arg9 : memref<96xi32, #tpu.memory_space<vmem>>) semaphore(%run_scoped3A : memref<!tpu.dma_semaphore, #tpu.memory_space<semaphore_mem>>) {add = true}
        %dma_wait3A_139 = arith.constant 0 : i32
        %dma_wait3A_140 = arith.constant 0 : i32
        %dma_wait3A_141 = tpu.memref_slice %arg12[%dma_wait3A_139, %dma_wait3A_140] : memref<10112x128xf32, #tpu.memory_space<vmem_shared>> -> memref<10112x128xf32, #tpu.memory_space<vmem_shared>>
        tpu.wait_indirect_dma semaphore(%run_scoped3A : memref<!tpu.dma_semaphore, #tpu.memory_space<semaphore_mem>>) src(%arg11 : memref<96x128xf32, #tpu.memory_space<vmem>>) dst(%dma_wait3A_141 : memref<10112x128xf32, #tpu.memory_space<vmem_shared>>)
        tpu.yield
      }) : () -> ()
      %add3A_126 = arith.constant 2 : i32
      %add3A_127 = arith.addi %add3A_110, %add3A_126 : i32
      %mul3A_128 = arith.constant 96 : i32
      %mul3A_129 = arith.muli %add3A_127, %mul3A_128 : i32
      %add3A_130 = arith.addi %mul3A_2, %mul3A_129 : i32
      %dma_start3A_131 = tpu.memref_slice %arg3[%add3A_130] : memref<325632xi32, #tpu.memory_space<hbm>> -> memref<96xi32, #tpu.memory_space<hbm>>
      %dma_start3A_132 = tpu.memref_slice %arg3[%add3A_130] : memref<325632xi32, #tpu.memory_space<hbm>> -> memref<96xi32, #tpu.memory_space<hbm>>
      tpu.enqueue_dma source(%dma_start3A_132 : memref<96xi32, #tpu.memory_space<hbm>>) target(%arg7 : memref<96xi32, #tpu.memory_space<vmem>>) target_semaphore(%arg14 : memref<!tpu.dma_semaphore, #tpu.memory_space<semaphore_mem>>)
      %dma_start3A_133 = tpu.memref_slice %arg4[%add3A_130] : memref<325632xi32, #tpu.memory_space<hbm>> -> memref<96xi32, #tpu.memory_space<hbm>>
      %dma_start3A_134 = tpu.memref_slice %arg4[%add3A_130] : memref<325632xi32, #tpu.memory_space<hbm>> -> memref<96xi32, #tpu.memory_space<hbm>>
      tpu.enqueue_dma source(%dma_start3A_134 : memref<96xi32, #tpu.memory_space<hbm>>) target(%arg9 : memref<96xi32, #tpu.memory_space<vmem>>) target_semaphore(%arg14 : memref<!tpu.dma_semaphore, #tpu.memory_space<semaphore_mem>>)
      %scan3A_135 = arith.constant 0 : i32
      scf.yield %scan3A_135 : i32
    }
    %scan3A_52 = arith.constant 52 : i32
    %add3A_53 = arith.constant 10080 : i32
    %add3A_54 = arith.addi %mul3A_2, %add3A_53 : i32
    %dma_wait3A_55 = tpu.memref_slice %arg3[%add3A_54] : memref<325632xi32, #tpu.memory_space<hbm>> -> memref<96xi32, #tpu.memory_space<hbm>>
    %dma_wait3A_56 = tpu.memref_slice %arg3[%add3A_54] : memref<325632xi32, #tpu.memory_space<hbm>> -> memref<96xi32, #tpu.memory_space<hbm>>
    tpu.wait_dma2 semaphore(%arg14 : memref<!tpu.dma_semaphore, #tpu.memory_space<semaphore_mem>>) src(%dma_wait3A_56 : memref<96xi32, #tpu.memory_space<hbm>>) dst(%arg7 : memref<96xi32, #tpu.memory_space<vmem>>)
    %dma_wait3A_57 = tpu.memref_slice %arg4[%add3A_54] : memref<325632xi32, #tpu.memory_space<hbm>> -> memref<96xi32, #tpu.memory_space<hbm>>
    %dma_wait3A_58 = tpu.memref_slice %arg4[%add3A_54] : memref<325632xi32, #tpu.memory_space<hbm>> -> memref<96xi32, #tpu.memory_space<hbm>>
    tpu.wait_dma2 semaphore(%arg14 : memref<!tpu.dma_semaphore, #tpu.memory_space<semaphore_mem>>) src(%dma_wait3A_58 : memref<96xi32, #tpu.memory_space<hbm>>) dst(%arg9 : memref<96xi32, #tpu.memory_space<vmem>>)
    %dma_start3A_59 = arith.constant 0 : i32
    %dma_start3A_60 = arith.constant 0 : i32
    %dma_start3A_61 = tpu.memref_slice %arg2[%dma_start3A_59, %dma_start3A_60] : memref<10000x128xf32, #tpu.memory_space<hbm>> -> memref<10000x128xf32, #tpu.memory_space<hbm>>
    tpu.enqueue_indirect_dma source(%dma_start3A_61 : memref<10000x128xf32, #tpu.memory_space<hbm>>) target(%arg11 : memref<96x128xf32, #tpu.memory_space<vmem>>) offsets(%arg7 : memref<96xi32, #tpu.memory_space<vmem>>) semaphore(%arg16 : memref<!tpu.dma_semaphore, #tpu.memory_space<semaphore_mem>>)
    %dma_wait3A_62 = arith.constant 0 : i32
    %dma_wait3A_63 = arith.constant 0 : i32
    %dma_wait3A_64 = tpu.memref_slice %arg2[%dma_wait3A_62, %dma_wait3A_63] : memref<10000x128xf32, #tpu.memory_space<hbm>> -> memref<10000x128xf32, #tpu.memory_space<hbm>>
    tpu.wait_indirect_dma semaphore(%arg15 : memref<!tpu.dma_semaphore, #tpu.memory_space<semaphore_mem>>) src(%dma_wait3A_64 : memref<10000x128xf32, #tpu.memory_space<hbm>>) dst(%arg10 : memref<96x128xf32, #tpu.memory_space<vmem>>)
    "tpu.region"() ({
      %run_scoped3A = tpu.sem_alloc : memref<!tpu.dma_semaphore, #tpu.memory_space<semaphore_mem>>
      %dma_start3A_77 = arith.constant 0 : i32
      %dma_start3A_78 = arith.constant 0 : i32
      %dma_start3A_79 = tpu.memref_slice %arg12[%dma_start3A_77, %dma_start3A_78] : memref<10112x128xf32, #tpu.memory_space<vmem_shared>> -> memref<10112x128xf32, #tpu.memory_space<vmem_shared>>
      tpu.enqueue_indirect_dma source(%arg10 : memref<96x128xf32, #tpu.memory_space<vmem>>) target(%dma_start3A_79 : memref<10112x128xf32, #tpu.memory_space<vmem_shared>>) offsets(%arg8 : memref<96xi32, #tpu.memory_space<vmem>>) semaphore(%run_scoped3A : memref<!tpu.dma_semaphore, #tpu.memory_space<semaphore_mem>>) {add = true}
      %dma_wait3A_80 = arith.constant 0 : i32
      %dma_wait3A_81 = arith.constant 0 : i32
      %dma_wait3A_82 = tpu.memref_slice %arg12[%dma_wait3A_80, %dma_wait3A_81] : memref<10112x128xf32, #tpu.memory_space<vmem_shared>> -> memref<10112x128xf32, #tpu.memory_space<vmem_shared>>
      tpu.wait_indirect_dma semaphore(%run_scoped3A : memref<!tpu.dma_semaphore, #tpu.memory_space<semaphore_mem>>) src(%arg10 : memref<96x128xf32, #tpu.memory_space<vmem>>) dst(%dma_wait3A_82 : memref<10112x128xf32, #tpu.memory_space<vmem_shared>>)
      tpu.yield
    }) : () -> ()
    %dma_wait3A_65 = arith.constant 0 : i32
    %dma_wait3A_66 = arith.constant 0 : i32
    %dma_wait3A_67 = tpu.memref_slice %arg2[%dma_wait3A_65, %dma_wait3A_66] : memref<10000x128xf32, #tpu.memory_space<hbm>> -> memref<10000x128xf32, #tpu.memory_space<hbm>>
    tpu.wait_indirect_dma semaphore(%arg16 : memref<!tpu.dma_semaphore, #tpu.memory_space<semaphore_mem>>) src(%dma_wait3A_67 : memref<10000x128xf32, #tpu.memory_space<hbm>>) dst(%arg11 : memref<96x128xf32, #tpu.memory_space<vmem>>)
    "tpu.region"() ({
      %run_scoped3A = tpu.sem_alloc : memref<!tpu.dma_semaphore, #tpu.memory_space<semaphore_mem>>
      %dma_start3A_77 = arith.constant 0 : i32
      %dma_start3A_78 = arith.constant 0 : i32
      %dma_start3A_79 = tpu.memref_slice %arg12[%dma_start3A_77, %dma_start3A_78] : memref<10112x128xf32, #tpu.memory_space<vmem_shared>> -> memref<10112x128xf32, #tpu.memory_space<vmem_shared>>
      tpu.enqueue_indirect_dma source(%arg11 : memref<96x128xf32, #tpu.memory_space<vmem>>) target(%dma_start3A_79 : memref<10112x128xf32, #tpu.memory_space<vmem_shared>>) offsets(%arg9 : memref<96xi32, #tpu.memory_space<vmem>>) semaphore(%run_scoped3A : memref<!tpu.dma_semaphore, #tpu.memory_space<semaphore_mem>>) {add = true}
      %dma_wait3A_80 = arith.constant 0 : i32
      %dma_wait3A_81 = arith.constant 0 : i32
      %dma_wait3A_82 = tpu.memref_slice %arg12[%dma_wait3A_80, %dma_wait3A_81] : memref<10112x128xf32, #tpu.memory_space<vmem_shared>> -> memref<10112x128xf32, #tpu.memory_space<vmem_shared>>
      tpu.wait_indirect_dma semaphore(%run_scoped3A : memref<!tpu.dma_semaphore, #tpu.memory_space<semaphore_mem>>) src(%arg11 : memref<96x128xf32, #tpu.memory_space<vmem>>) dst(%dma_wait3A_82 : memref<10112x128xf32, #tpu.memory_space<vmem_shared>>)
      tpu.yield
    }) : () -> ()
    %barrier3A_68 = arith.constant 0 : index
    tpu.barrier barrier_id(%barrier3A_68)
    %delay3A_69 = arith.constant 2000 : i32
    tpu.delay %delay3A_69
    %barrier3A_70 = arith.constant 0 : index
    tpu.barrier barrier_id(%barrier3A_70)
    %mul3A_71 = arith.constant 624 : i32
    %mul3A_72 = arith.muli %arg1, %mul3A_71 : i32
    %mul3A_73 = arith.constant 624 : i32
    %mul3A_74 = arith.muli %arg1, %mul3A_73 : i32
    "tpu.region"() ({
      %run_scoped3A = tpu.sem_alloc : memref<!tpu.dma_semaphore, #tpu.memory_space<semaphore_mem>>
      %dma_start3A_77 = arith.constant 0 : i32
      %dma_start3A_78 = arith.constant 0 : i32
      %dma_start3A_79 = tpu.memref_slice %arg5[%arg0, %dma_start3A_77, %dma_start3A_78] : memref<2x10000x128xf32, #tpu.memory_space<hbm>> -> memref<1x10000x128xf32, #tpu.memory_space<hbm>>
      %dma_start3A_80 = tpu.memref_squeeze %dma_start3A_79 : memref<1x10000x128xf32, #tpu.memory_space<hbm>> -> memref<10000x128xf32, #tpu.memory_space<hbm>>
      %dma_start3A_81 = arith.constant 0 : i32
      %dma_start3A_82 = tpu.memref_slice %dma_start3A_80[%mul3A_74, %dma_start3A_81] : memref<10000x128xf32, #tpu.memory_space<hbm>> -> memref<624x128xf32, #tpu.memory_space<hbm>>
      %dma_start3A_83 = arith.constant 0 : i32
      %dma_start3A_84 = tpu.memref_slice %arg12[%mul3A_72, %dma_start3A_83] : memref<10112x128xf32, #tpu.memory_space<vmem_shared>> -> memref<624x128xf32, #tpu.memory_space<vmem_shared>>
      tpu.enqueue_dma source(%dma_start3A_84 : memref<624x128xf32, #tpu.memory_space<vmem_shared>>) target(%dma_start3A_82 : memref<624x128xf32, #tpu.memory_space<hbm>>) target_semaphore(%run_scoped3A : memref<!tpu.dma_semaphore, #tpu.memory_space<semaphore_mem>>)
      %dma_wait3A_85 = arith.constant 0 : i32
      %dma_wait3A_86 = arith.constant 0 : i32
      %dma_wait3A_87 = tpu.memref_slice %arg5[%arg0, %dma_wait3A_85, %dma_wait3A_86] : memref<2x10000x128xf32, #tpu.memory_space<hbm>> -> memref<1x10000x128xf32, #tpu.memory_space<hbm>>
      %dma_wait3A_88 = tpu.memref_squeeze %dma_wait3A_87 : memref<1x10000x128xf32, #tpu.memory_space<hbm>> -> memref<10000x128xf32, #tpu.memory_space<hbm>>
      %dma_wait3A_89 = arith.constant 0 : i32
      %dma_wait3A_90 = tpu.memref_slice %dma_wait3A_88[%mul3A_74, %dma_wait3A_89] : memref<10000x128xf32, #tpu.memory_space<hbm>> -> memref<624x128xf32, #tpu.memory_space<hbm>>
      %dma_wait3A_91 = arith.constant 0 : i32
      %dma_wait3A_92 = tpu.memref_slice %arg12[%mul3A_72, %dma_wait3A_91] : memref<10112x128xf32, #tpu.memory_space<vmem_shared>> -> memref<624x128xf32, #tpu.memory_space<vmem_shared>>
      tpu.wait_dma2 semaphore(%run_scoped3A : memref<!tpu.dma_semaphore, #tpu.memory_space<semaphore_mem>>) src(%dma_wait3A_92 : memref<624x128xf32, #tpu.memory_space<vmem_shared>>) dst(%dma_wait3A_90 : memref<624x128xf32, #tpu.memory_space<hbm>>)
      tpu.yield
    }) : () -> ()
    %eq3A = arith.constant 0 : i32
    %eq3A_75 = arith.cmpi eq, %arg1, %eq3A : i32
    %convert_element_type3A = arith.extui %eq3A_75 : i1 to i32
    %cond3A = arith.constant 0 : i32
    %cond3A_76 = arith.cmpi ne, %convert_element_type3A, %cond3A : i32
    scf.if %cond3A_76 {
      "tpu.region"() ({
        %run_scoped3A = tpu.sem_alloc : memref<!tpu.dma_semaphore, #tpu.memory_space<semaphore_mem>>
        %dma_start3A_77 = arith.constant 0 : i32
        %dma_start3A_78 = arith.constant 0 : i32
        %dma_start3A_79 = tpu.memref_slice %arg5[%arg0, %dma_start3A_77, %dma_start3A_78] : memref<2x10000x128xf32, #tpu.memory_space<hbm>> -> memref<1x10000x128xf32, #tpu.memory_space<hbm>>
        %dma_start3A_80 = tpu.memref_squeeze %dma_start3A_79 : memref<1x10000x128xf32, #tpu.memory_space<hbm>> -> memref<10000x128xf32, #tpu.memory_space<hbm>>
        %dma_start3A_81 = arith.constant 9984 : i32
        %dma_start3A_82 = arith.constant 0 : i32
        %dma_start3A_83 = tpu.memref_slice %dma_start3A_80[%dma_start3A_81, %dma_start3A_82] : memref<10000x128xf32, #tpu.memory_space<hbm>> -> memref<16x128xf32, #tpu.memory_space<hbm>>
        %dma_start3A_84 = arith.constant 9984 : i32
        %dma_start3A_85 = arith.constant 0 : i32
        %dma_start3A_86 = tpu.memref_slice %arg12[%dma_start3A_84, %dma_start3A_85] : memref<10112x128xf32, #tpu.memory_space<vmem_shared>> -> memref<16x128xf32, #tpu.memory_space<vmem_shared>>
        tpu.enqueue_dma source(%dma_start3A_86 : memref<16x128xf32, #tpu.memory_space<vmem_shared>>) target(%dma_start3A_83 : memref<16x128xf32, #tpu.memory_space<hbm>>) target_semaphore(%run_scoped3A : memref<!tpu.dma_semaphore, #tpu.memory_space<semaphore_mem>>)
        %dma_wait3A_87 = arith.constant 0 : i32
        %dma_wait3A_88 = arith.constant 0 : i32
        %dma_wait3A_89 = tpu.memref_slice %arg5[%arg0, %dma_wait3A_87, %dma_wait3A_88] : memref<2x10000x128xf32, #tpu.memory_space<hbm>> -> memref<1x10000x128xf32, #tpu.memory_space<hbm>>
        %dma_wait3A_90 = tpu.memref_squeeze %dma_wait3A_89 : memref<1x10000x128xf32, #tpu.memory_space<hbm>> -> memref<10000x128xf32, #tpu.memory_space<hbm>>
        %dma_wait3A_91 = arith.constant 9984 : i32
        %dma_wait3A_92 = arith.constant 0 : i32
        %dma_wait3A_93 = tpu.memref_slice %dma_wait3A_90[%dma_wait3A_91, %dma_wait3A_92] : memref<10000x128xf32, #tpu.memory_space<hbm>> -> memref<16x128xf32, #tpu.memory_space<hbm>>
        %dma_wait3A_94 = arith.constant 9984 : i32
        %dma_wait3A_95 = arith.constant 0 : i32
        %dma_wait3A_96 = tpu.memref_slice %arg12[%dma_wait3A_94, %dma_wait3A_95] : memref<10112x128xf32, #tpu.memory_space<vmem_shared>> -> memref<16x128xf32, #tpu.memory_space<vmem_shared>>
        tpu.wait_dma2 semaphore(%run_scoped3A : memref<!tpu.dma_semaphore, #tpu.memory_space<semaphore_mem>>) src(%dma_wait3A_96 : memref<16x128xf32, #tpu.memory_space<vmem_shared>>) dst(%dma_wait3A_93 : memref<16x128xf32, #tpu.memory_space<hbm>>)
        tpu.yield
      }) : () -> ()
    } else {
    }
    return
  }
}

module attributes {stable_mosaic.version = 14 : i64} {
  func.func @_tc_combine_body(%arg0: i32, %arg1: memref<1000x128xf32, #tpu.memory_space<vmem>>, %arg2: memref<1000x128xf32, #tpu.memory_space<vmem>>, %arg3: memref<1000x16xf32, #tpu.memory_space<vmem>>, %arg4: memref<1000x16xf32, #tpu.memory_space<vmem>>, %arg5: memref<1000x128xf32, #tpu.memory_space<vmem>>, %arg6: memref<128x128xf32, #tpu.memory_space<vmem>>, %arg7: memref<128x128xf32, #tpu.memory_space<vmem>>, %arg8: memref<1x128xf32, #tpu.memory_space<vmem>>, %arg9: memref<1000x128xf32, #tpu.memory_space<vmem>>) attributes {dimension_semantics = [#tpu.dimension_semantics<arbitrary>], iteration_bounds = array<i64: 10>, scalar_prefetch = 0 : i64, scratch_operands = 0 : i64, tpu.core_type = #tpu.core_type<tc>, window_params = [{transform_indices = @transform_0, window_bounds = array<i64: 1000, 128>}, {transform_indices = @transform_1, window_bounds = array<i64: 1000, 128>}, {transform_indices = @transform_2, window_bounds = array<i64: 1000, 16>}, {transform_indices = @transform_3, window_bounds = array<i64: 1000, 16>}, {transform_indices = @transform_4, window_bounds = array<i64: 1000, 128>}, {pipeline_mode = #tpu.pipeline_mode<synchronous>, transform_indices = @transform_5, window_bounds = array<i64: 128, 128>}, {pipeline_mode = #tpu.pipeline_mode<synchronous>, transform_indices = @transform_6, window_bounds = array<i64: 128, 128>}, {pipeline_mode = #tpu.pipeline_mode<synchronous>, transform_indices = @transform_7, window_bounds = array<i64: 1, 128>}, {transform_indices = @transform_8, window_bounds = array<i64: 1000, 128>}]} {
    %get3A = arith.constant 0 : index
    %get3A_0 = arith.constant 0 : index
    %get3A_1 = vector.load %arg3[%get3A, %get3A_0] : memref<1000x16xf32, #tpu.memory_space<vmem>>, vector<1000x1xf32>
    %get3A_2 = arith.constant 0 : index
    %get3A_3 = arith.constant 0 : index
    %get3A_4 = vector.load %arg4[%get3A_2, %get3A_3] : memref<1000x16xf32, #tpu.memory_space<vmem>>, vector<1000x1xf32>
    %add3A = arith.addf %get3A_1, %get3A_4 : vector<1000x1xf32>
    %max3A = arith.constant 1.000000e+00 : f32
    %max3A_5 = vector.broadcast %max3A : f32 to vector<1000x1xf32>
    %max3A_6 = arith.maximumf %add3A, %max3A_5 : vector<1000x1xf32>
    %div3A = arith.constant 1.000000e+00 : f32
    %div3A_7 = vector.broadcast %div3A : f32 to vector<1000x1xf32>
    %div3A_8 = arith.divf %div3A_7, %max3A_6 : vector<1000x1xf32>
    %get3A_9 = arith.constant 0 : index
    %get3A_10 = arith.constant 0 : index
    %get3A_11 = vector.load %arg1[%get3A_9, %get3A_10] : memref<1000x128xf32, #tpu.memory_space<vmem>>, vector<1000x128xf32>
    %get3A_12 = arith.constant 0 : index
    %get3A_13 = arith.constant 0 : index
    %get3A_14 = vector.load %arg2[%get3A_12, %get3A_13] : memref<1000x128xf32, #tpu.memory_space<vmem>>, vector<1000x128xf32>
    %add3A_15 = arith.addf %get3A_11, %get3A_14 : vector<1000x128xf32>
    %mul3A = vector.broadcast %div3A_8 : vector<1000x1xf32> to vector<1000x128xf32>
    %mul3A_16 = arith.mulf %add3A_15, %mul3A : vector<1000x128xf32>
    %get3A_17 = arith.constant 0 : index
    %get3A_18 = arith.constant 0 : index
    %get3A_19 = vector.load %arg6[%get3A_17, %get3A_18] : memref<128x128xf32, #tpu.memory_space<vmem>>, vector<128x128xf32>
    %dot_general3A = arith.constant dense<0.000000e+00> : vector<1000x128xf32>
    %dot_general3A_20 = tpu.matmul %mul3A_16, %get3A_19, %dot_general3A {dimension_numbers = #tpu.dot_dimension_numbers<[1], [0], [0], [1], [0, 0, 1, 1], [], []>, transpose_lhs_hint = false} : vector<1000x128xf32>, vector<128x128xf32>, vector<1000x128xf32> -> vector<1000x128xf32>
    %get3A_21 = arith.constant 0 : index
    %get3A_22 = arith.constant 0 : index
    %get3A_23 = vector.load %arg5[%get3A_21, %get3A_22] : memref<1000x128xf32, #tpu.memory_space<vmem>>, vector<1000x128xf32>
    %get3A_24 = arith.constant 0 : index
    %get3A_25 = arith.constant 0 : index
    %get3A_26 = vector.load %arg7[%get3A_24, %get3A_25] : memref<128x128xf32, #tpu.memory_space<vmem>>, vector<128x128xf32>
    %dot_general3A_27 = arith.constant dense<0.000000e+00> : vector<1000x128xf32>
    %dot_general3A_28 = tpu.matmul %get3A_23, %get3A_26, %dot_general3A_27 {dimension_numbers = #tpu.dot_dimension_numbers<[1], [0], [0], [1], [0, 0, 1, 1], [], []>, transpose_lhs_hint = false} : vector<1000x128xf32>, vector<128x128xf32>, vector<1000x128xf32> -> vector<1000x128xf32>
    %add3A_29 = arith.addf %dot_general3A_20, %dot_general3A_28 : vector<1000x128xf32>
    %get3A_30 = arith.constant 0 : index
    %get3A_31 = arith.constant 0 : index
    %get3A_32 = vector.load %arg8[%get3A_30, %get3A_31] : memref<1x128xf32, #tpu.memory_space<vmem>>, vector<1x128xf32>
    %add3A_33 = vector.broadcast %get3A_32 : vector<1x128xf32> to vector<1000x128xf32>
    %add3A_34 = arith.addf %add3A_29, %add3A_33 : vector<1000x128xf32>
    %max3A_35 = arith.constant 0.000000e+00 : f32
    %max3A_36 = vector.broadcast %max3A_35 : f32 to vector<1000x128xf32>
    %max3A_37 = arith.maximumf %add3A_34, %max3A_36 : vector<1000x128xf32>
    %swap3A = arith.constant 0 : index
    %swap3A_38 = arith.constant 0 : index
    %swap3A_39 = vector.load %arg9[%swap3A, %swap3A_38] : memref<1000x128xf32, #tpu.memory_space<vmem>>, vector<1000x128xf32>
    tpu.vector_store %arg9[%swap3A, %swap3A_38], %max3A_37 {strides = array<i32>} : memref<1000x128xf32, #tpu.memory_space<vmem>>, vector<1000x128xf32>,
    return
  }
  func.func @transform_0(%arg0: i32) -> (i32, i32) {
    %c0_i32 = arith.constant 0 : i32
    %c0_i32_0 = arith.constant 0 : i32
    return %arg0, %c0_i32 : i32, i32
  }
  func.func @transform_1(%arg0: i32) -> (i32, i32) {
    %c0_i32 = arith.constant 0 : i32
    %c0_i32_0 = arith.constant 0 : i32
    return %arg0, %c0_i32 : i32, i32
  }
  func.func @transform_2(%arg0: i32) -> (i32, i32) {
    %c0_i32 = arith.constant 0 : i32
    %c0_i32_0 = arith.constant 0 : i32
    return %arg0, %c0_i32 : i32, i32
  }
  func.func @transform_3(%arg0: i32) -> (i32, i32) {
    %c0_i32 = arith.constant 0 : i32
    %c0_i32_0 = arith.constant 0 : i32
    return %arg0, %c0_i32 : i32, i32
  }
  func.func @transform_4(%arg0: i32) -> (i32, i32) {
    %c0_i32 = arith.constant 0 : i32
    %c0_i32_0 = arith.constant 0 : i32
    return %arg0, %c0_i32 : i32, i32
  }
  func.func @transform_5(%arg0: i32) -> (i32, i32) {
    %c0_i32 = arith.constant 0 : i32
    %c0_i32_0 = arith.constant 0 : i32
    %c0_i32_1 = arith.constant 0 : i32
    return %c0_i32, %c0_i32_0 : i32, i32
  }
  func.func @transform_6(%arg0: i32) -> (i32, i32) {
    %c0_i32 = arith.constant 0 : i32
    %c0_i32_0 = arith.constant 0 : i32
    %c0_i32_1 = arith.constant 0 : i32
    return %c0_i32, %c0_i32_0 : i32, i32
  }
  func.func @transform_7(%arg0: i32) -> (i32, i32) {
    %c0_i32 = arith.constant 0 : i32
    %c0_i32_0 = arith.constant 0 : i32
    %c0_i32_1 = arith.constant 0 : i32
    return %c0_i32, %c0_i32_0 : i32, i32
  }
  func.func @transform_8(%arg0: i32) -> (i32, i32) {
    %c0_i32 = arith.constant 0 : i32
    %c0_i32_0 = arith.constant 0 : i32
    return %arg0, %c0_i32 : i32, i32
  }
}

module attributes {stable_mosaic.version = 14 : i64} {
  func.func @_tc_combine_body(%arg0: i32, %arg1: memref<1000x128xf32, #tpu.memory_space<vmem>>, %arg2: memref<1000x128xf32, #tpu.memory_space<vmem>>, %arg3: memref<1000x16xf32, #tpu.memory_space<vmem>>, %arg4: memref<1000x16xf32, #tpu.memory_space<vmem>>, %arg5: memref<1000x128xf32, #tpu.memory_space<vmem>>, %arg6: memref<128x128xf32, #tpu.memory_space<vmem>>, %arg7: memref<128x128xf32, #tpu.memory_space<vmem>>, %arg8: memref<1x128xf32, #tpu.memory_space<vmem>>, %arg9: memref<1000x128xf32, #tpu.memory_space<vmem>>) attributes {dimension_semantics = [#tpu.dimension_semantics<arbitrary>], iteration_bounds = array<i64: 10>, scalar_prefetch = 0 : i64, scratch_operands = 0 : i64, tpu.core_type = #tpu.core_type<tc>, window_params = [{transform_indices = @transform_0, window_bounds = array<i64: 1000, 128>}, {transform_indices = @transform_1, window_bounds = array<i64: 1000, 128>}, {transform_indices = @transform_2, window_bounds = array<i64: 1000, 16>}, {transform_indices = @transform_3, window_bounds = array<i64: 1000, 16>}, {transform_indices = @transform_4, window_bounds = array<i64: 1000, 128>}, {pipeline_mode = #tpu.pipeline_mode<synchronous>, transform_indices = @transform_5, window_bounds = array<i64: 128, 128>}, {pipeline_mode = #tpu.pipeline_mode<synchronous>, transform_indices = @transform_6, window_bounds = array<i64: 128, 128>}, {pipeline_mode = #tpu.pipeline_mode<synchronous>, transform_indices = @transform_7, window_bounds = array<i64: 1, 128>}, {transform_indices = @transform_8, window_bounds = array<i64: 1000, 128>}]} {
    %get3A = arith.constant 0 : index
    %get3A_0 = arith.constant 0 : index
    %get3A_1 = vector.load %arg3[%get3A, %get3A_0] : memref<1000x16xf32, #tpu.memory_space<vmem>>, vector<1000x1xf32>
    %get3A_2 = arith.constant 0 : index
    %get3A_3 = arith.constant 0 : index
    %get3A_4 = vector.load %arg4[%get3A_2, %get3A_3] : memref<1000x16xf32, #tpu.memory_space<vmem>>, vector<1000x1xf32>
    %add3A = arith.addf %get3A_1, %get3A_4 : vector<1000x1xf32>
    %max3A = arith.constant 1.000000e+00 : f32
    %max3A_5 = vector.broadcast %max3A : f32 to vector<1000x1xf32>
    %max3A_6 = arith.maximumf %add3A, %max3A_5 : vector<1000x1xf32>
    %div3A = arith.constant 1.000000e+00 : f32
    %div3A_7 = vector.broadcast %div3A : f32 to vector<1000x1xf32>
    %div3A_8 = arith.divf %div3A_7, %max3A_6 : vector<1000x1xf32>
    %get3A_9 = arith.constant 0 : index
    %get3A_10 = arith.constant 0 : index
    %get3A_11 = vector.load %arg1[%get3A_9, %get3A_10] : memref<1000x128xf32, #tpu.memory_space<vmem>>, vector<1000x128xf32>
    %get3A_12 = arith.constant 0 : index
    %get3A_13 = arith.constant 0 : index
    %get3A_14 = vector.load %arg2[%get3A_12, %get3A_13] : memref<1000x128xf32, #tpu.memory_space<vmem>>, vector<1000x128xf32>
    %add3A_15 = arith.addf %get3A_11, %get3A_14 : vector<1000x128xf32>
    %mul3A = vector.broadcast %div3A_8 : vector<1000x1xf32> to vector<1000x128xf32>
    %mul3A_16 = arith.mulf %add3A_15, %mul3A : vector<1000x128xf32>
    %get3A_17 = arith.constant 0 : index
    %get3A_18 = arith.constant 0 : index
    %get3A_19 = vector.load %arg6[%get3A_17, %get3A_18] : memref<128x128xf32, #tpu.memory_space<vmem>>, vector<128x128xf32>
    %dot_general3A = arith.constant dense<0.000000e+00> : vector<1000x128xf32>
    %dot_general3A_20 = tpu.matmul %mul3A_16, %get3A_19, %dot_general3A {dimension_numbers = #tpu.dot_dimension_numbers<[1], [0], [0], [1], [0, 0, 1, 1], [], []>, transpose_lhs_hint = false} : vector<1000x128xf32>, vector<128x128xf32>, vector<1000x128xf32> -> vector<1000x128xf32>
    %get3A_21 = arith.constant 0 : index
    %get3A_22 = arith.constant 0 : index
    %get3A_23 = vector.load %arg5[%get3A_21, %get3A_22] : memref<1000x128xf32, #tpu.memory_space<vmem>>, vector<1000x128xf32>
    %get3A_24 = arith.constant 0 : index
    %get3A_25 = arith.constant 0 : index
    %get3A_26 = vector.load %arg7[%get3A_24, %get3A_25] : memref<128x128xf32, #tpu.memory_space<vmem>>, vector<128x128xf32>
    %dot_general3A_27 = arith.constant dense<0.000000e+00> : vector<1000x128xf32>
    %dot_general3A_28 = tpu.matmul %get3A_23, %get3A_26, %dot_general3A_27 {dimension_numbers = #tpu.dot_dimension_numbers<[1], [0], [0], [1], [0, 0, 1, 1], [], []>, transpose_lhs_hint = false} : vector<1000x128xf32>, vector<128x128xf32>, vector<1000x128xf32> -> vector<1000x128xf32>
    %add3A_29 = arith.addf %dot_general3A_20, %dot_general3A_28 : vector<1000x128xf32>
    %get3A_30 = arith.constant 0 : index
    %get3A_31 = arith.constant 0 : index
    %get3A_32 = vector.load %arg8[%get3A_30, %get3A_31] : memref<1x128xf32, #tpu.memory_space<vmem>>, vector<1x128xf32>
    %add3A_33 = vector.broadcast %get3A_32 : vector<1x128xf32> to vector<1000x128xf32>
    %add3A_34 = arith.addf %add3A_29, %add3A_33 : vector<1000x128xf32>
    %swap3A = arith.constant 0 : index
    %swap3A_35 = arith.constant 0 : index
    %swap3A_36 = vector.load %arg9[%swap3A, %swap3A_35] : memref<1000x128xf32, #tpu.memory_space<vmem>>, vector<1000x128xf32>
    tpu.vector_store %arg9[%swap3A, %swap3A_35], %add3A_34 {strides = array<i32>} : memref<1000x128xf32, #tpu.memory_space<vmem>>, vector<1000x128xf32>,
    return
  }
  func.func @transform_0(%arg0: i32) -> (i32, i32) {
    %c0_i32 = arith.constant 0 : i32
    %c0_i32_0 = arith.constant 0 : i32
    return %arg0, %c0_i32 : i32, i32
  }
  func.func @transform_1(%arg0: i32) -> (i32, i32) {
    %c0_i32 = arith.constant 0 : i32
    %c0_i32_0 = arith.constant 0 : i32
    return %arg0, %c0_i32 : i32, i32
  }
  func.func @transform_2(%arg0: i32) -> (i32, i32) {
    %c0_i32 = arith.constant 0 : i32
    %c0_i32_0 = arith.constant 0 : i32
    return %arg0, %c0_i32 : i32, i32
  }
  func.func @transform_3(%arg0: i32) -> (i32, i32) {
    %c0_i32 = arith.constant 0 : i32
    %c0_i32_0 = arith.constant 0 : i32
    return %arg0, %c0_i32 : i32, i32
  }
  func.func @transform_4(%arg0: i32) -> (i32, i32) {
    %c0_i32 = arith.constant 0 : i32
    %c0_i32_0 = arith.constant 0 : i32
    return %arg0, %c0_i32 : i32, i32
  }
  func.func @transform_5(%arg0: i32) -> (i32, i32) {
    %c0_i32 = arith.constant 0 : i32
    %c0_i32_0 = arith.constant 0 : i32
    %c0_i32_1 = arith.constant 0 : i32
    return %c0_i32, %c0_i32_0 : i32, i32
  }
  func.func @transform_6(%arg0: i32) -> (i32, i32) {
    %c0_i32 = arith.constant 0 : i32
    %c0_i32_0 = arith.constant 0 : i32
    %c0_i32_1 = arith.constant 0 : i32
    return %c0_i32, %c0_i32_0 : i32, i32
  }
  func.func @transform_7(%arg0: i32) -> (i32, i32) {
    %c0_i32 = arith.constant 0 : i32
    %c0_i32_0 = arith.constant 0 : i32
    %c0_i32_1 = arith.constant 0 : i32
    return %c0_i32, %c0_i32_0 : i32, i32
  }
  func.func @transform_8(%arg0: i32) -> (i32, i32) {
    %c0_i32 = arith.constant 0 : i32
    %c0_i32_0 = arith.constant 0 : i32
    return %arg0, %c0_i32 : i32, i32
  }
}

</mosaic_0001>

<sc_bundles>
// kernel: sc_agg.11.cloned.1.call-start
scs
__scs_entry_jumppad:
0x0: {  	(pc) =	sbr.rel $0x88, $3  }
0x1: {  	(tag) =	ssettag $0x0;
	lr =	simm.s32 $0x1  }
0x2: {  	[smem:$0x3F96] =	sst lr;
	_ =	strace $0xD0000000  }
0x3: {  	_ = 	snop  }
0x4: {  	_ = 	snop  }
0x5: {  	_ = 	snop  }
0x6: {  	_ = 	snop  }
0x7: {  	_ = 	snop  }
__scs_overlays_trampoline_lowered:
0x8: {  	[smem:$0x3FA5] =	sst s0  }
0x9: {  	[smem:$0x3FA6] =	sst s1  }
0xa: {  	[smem:$0x3FA7] =	sst s2  }
0xb: {  	[smem:$0x3FA8] =	sst s3  }
0xc: {  	[smem:$0x3FA9] =	sst s4  }
0xd: {  	[smem:$0x3FAA] =	sst s5  }
0xe: {  	[smem:$0x3FAB] =	sst s6  }
0xf: {  	[smem:$0x3FAC] =	sst s7  }
0x10: {  	[smem:$0x3FAD] =	sst s8  }
0x11: {  	[smem:$0x3FAE] =	sst s9;
	s0 =	simm.s32 @!p0 $0x0  }
0x12: {  	s1 =	sld [smem:$0x3F94];
	s0 =	simm.s32 @p0 $0x1  }
0x13: {  	[smem:$0x3FAF] =	sst s0;
	s0 =	simm.s32 @!p1 $0x0  }
0x14: {  	s2 =	sld [smem:$0x3F93];
	s0 =	simm.s32 @p1 $0x1  }
0x15: {  	[smem:$0x3FB0] =	sst s0;
	s0 =	simm.s32 @!p2 $0x0  }
0x16: {  	s3 =	sld [smem:$0x3FDB];
	s0 =	simm.s32 @p2 $0x1  }
0x17: {  	s4 =	simm.s32 $0x1BF5;
	[smem:$0x3FB2] =	sst s0  }
0x18: {  	s0 =	sld [smem:$0x3F95];
	_ =	swait.ge [sflag:s4], $0x0  }
0x19: {  	s7 =	sld [smem:$0x3F96]  }
0x1a: {  	s8 =	sadd.s32 $0xFFFFE003, lr  }
0x1b: {  	s9 =	sadd.s32 $0xFFFFFEF7, lr;
	s5 =	simm.s32 $0xFFFFFFFF;
	p2 =	slt.u32 s8, $0xFFFFF086  }
0x1c: {  	p1 =	slt.u32 s9, $0xF7A;
	s5 =	simm.s32 @!p2 $0x0  }
0x1d: {  	s5 =	simm.s32 @p1 $0x1;
	p0 =	seq.s32 s7, s2  }
0x1e: {  	s7 =	smul.u32 @!p0 $0xF7A, s2;
	p2 =	seq.s32 @!p0 s5, $0x0  }
0x1f: {  	s9 =	smul.u32 $0xF7A, s1;
	s8 =	simm.s32 @!p0 $0x1BF5;
	p2 =	por !p2, p0  }
0x20: {  	[sflag:s8] =	ssyncset.s32 @!p0 $0xFFFFF086;
	s6 =	sadd.s32 @!p0 s3, s7;
	s7 =	simm.s32 @!p0 $0x108  }
0x21: {  	s3 =	sadd.s32 s3, s9;
	s6 =	sadd.s32 @!p0 $0x88, s6;
	s7 =	simm.s32 @p2 $0x1082  }
0x22: {  	[simem:s7], [sflag:s8] =	dma.local @!p0 [hbm:s6], $0xF7A  }
0x23: {  	s9 =	sor.u32 $0xD0000000, s2;
	s6 =	simm.s32 $0x108;
	_ =	swait.ge @!p0 [sflag:s8], $0x0  }
0x24: {  	s3 =	sadd.s32 $0x88, s3;
	s6 =	simm.s32 @!p1 $0x1082;
	[sflag:s4] =	ssyncset.s32 $0xFFFFF086  }
0x25: {  	[simem:s6], [sflag:s4] =	dma.local [hbm:s3], $0xF7A  }
0x26: {  	[smem:$0x3F96] =	sst s1;
	(tag) =	ssettag s2;
	_ =	strace s9  }
0x27: {  	s1 =	sld [smem:$0x3FA6]  }
0x28: {  	s2 =	sld [smem:$0x3FA7]  }
0x29: {  	s4 =	sld [smem:$0x3FA9]  }
0x2a: {  	p0 =	seq.s32 s5, $0x0;
	s5 =	sld [smem:$0x3FAA]  }
0x2b: {  	s6 =	sld [smem:$0x3FAB]  }
0x2c: {  	s7 =	sld [smem:$0x3FAC]  }
0x2d: {  	s3 =	simm.s32 $0x108;
	s8 =	sld [smem:$0x3FAD]  }
0x2e: {  	s3 =	simm.s32 @!p0 $0x1082;
	s9 =	sld [smem:$0x3FAE]  }
0x2f: {  	lr =	sadd.s32 s0, s3;
	s0 =	sld [smem:$0x3FA5]  }
0x30: {  	s3 =	sld [smem:$0x3FA8]  }
0x31: {  	[smem:$0x3FB1] =	sst s10  }
0x32: {  	s10 =	sld [smem:$0x3FAF];
	_ =	sdelay $0x3  }
0x33: {  	p0 =	seq.s32 s10, $0x1;
	s10 =	sld [smem:$0x3FB1];
	_ =	sdelay $0x3  }
0x34: {  	[smem:$0x3FB1] =	sst s10  }
0x35: {  	s10 =	sld [smem:$0x3FB0];
	_ =	sdelay $0x3  }
0x36: {  	p1 =	seq.s32 s10, $0x1;
	s10 =	sld [smem:$0x3FB1];
	_ =	sdelay $0x3  }
0x37: {  	[smem:$0x3FB1] =	sst s10  }
0x38: {  	s10 =	sld [smem:$0x3FB2]  }
0x39: {  	_ = 	snop;
	(pc) =	sbr.ind lr, $3  }
0x3a: {  	_ = 	snop  }
0x3b: {  	_ = 	snop  }
0x3c: {  	p2 =	seq.s32 s10, $0x1;
	s10 =	sld [smem:$0x3FB1]  }
0x3d: {  	_ =	shalt  }
0x3e: {  	_ =	shalt  }
0x3f: {  	_ =	shalt  }
0x40: {  	_ =	shalt  }
0x41: {  	_ =	shalt  }
0x42: {  	_ =	shalt  }
0x43: {  	_ =	shalt  }
0x44: {  	_ =	shalt  }
0x45: {  	_ =	shalt  }
0x46: {  	_ =	shalt  }
0x47: {  	_ =	shalt  }
0x48: {  	_ =	shalt  }
0x49: {  	_ =	shalt  }
0x4a: {  	_ =	shalt  }
0x4b: {  	_ =	shalt  }
0x4c: {  	_ =	shalt  }
0x4d: {  	_ =	shalt  }
0x4e: {  	_ =	shalt  }
0x4f: {  	_ =	shalt  }
0x50: {  	_ =	shalt  }
0x51: {  	_ =	shalt  }
0x52: {  	_ =	shalt  }
0x53: {  	_ =	shalt  }
0x54: {  	_ =	shalt  }
0x55: {  	_ =	shalt  }
0x56: {  	_ =	shalt  }
0x57: {  	_ =	shalt  }
0x58: {  	_ =	shalt  }
0x59: {  	_ =	shalt  }
0x5a: {  	_ =	shalt  }
0x5b: {  	_ =	shalt  }
0x5c: {  	_ =	shalt  }
0x5d: {  	_ =	shalt  }
0x5e: {  	_ =	shalt  }
0x5f: {  	_ =	shalt  }
0x60: {  	_ =	shalt  }
0x61: {  	_ =	shalt  }
0x62: {  	_ =	shalt  }
0x63: {  	_ =	shalt  }
0x64: {  	_ =	shalt  }
0x65: {  	_ =	shalt  }
0x66: {  	_ =	shalt  }
0x67: {  	_ =	shalt  }
0x68: {  	_ =	shalt  }
0x69: {  	_ =	shalt  }
0x6a: {  	_ =	shalt  }
0x6b: {  	_ =	shalt  }
0x6c: {  	_ =	shalt  }
0x6d: {  	_ =	shalt  }
0x6e: {  	_ =	shalt  }
0x6f: {  	_ =	shalt  }
0x70: {  	_ =	shalt  }
0x71: {  	_ =	shalt  }
0x72: {  	_ =	shalt  }
0x73: {  	_ =	shalt  }
0x74: {  	_ =	shalt  }
0x75: {  	_ =	shalt  }
0x76: {  	_ =	shalt  }
0x77: {  	_ =	shalt  }
0x78: {  	_ =	shalt  }
0x79: {  	_ =	shalt  }
0x7a: {  	_ =	shalt  }
0x7b: {  	_ =	shalt  }
0x7c: {  	_ =	shalt  }
0x7d: {  	_ =	shalt  }
0x7e: {  	_ =	shalt  }
0x7f: {  	_ =	shalt  }
0x80: {  	_ =	shalt  }
0x81: {  	_ =	shalt  }
0x82: {  	_ =	shalt  }
0x83: {  	_ =	shalt  }
0x84: {  	_ =	shalt  }
0x85: {  	_ =	shalt  }
0x86: {  	_ =	shalt  }
0x87: {  	_ =	shalt  }
.Lfunc_end0:
.L_simem_size_0:
called_computation.3_lowered:
.L_overlay_start_0:
0x88: {  	s2 =	sld [smem:$0x3FD9]  }
0x89: {  	s3 =	sld [smem:$0x3FFE];
	_ =	sdelay $0x1  }
0x8a: {  	s1 =	srdreg.scid  }
0x8b: {  	s0 =	sand.u32 $0x1, s1  }
0x8c: {  	s16 =	sshll.u32 s0, $0xA;
	s2 =	sadd.s32 s3, s2  }
0x8d: {  	s2 =	sadd.s32 s2, s16  }
0x8e: {  	[smem:$0x3FBD] =	sst s2  }
0x8f: {  	_ = 	snop  }
0x90: {  	(tm) =	ssettm $0x1  }
0x91: {  	s17 =	sld [smem:$0x3FFB];
	_ =	sdelay $0x3  }
0x92: {  	_ =	strace s17  }
0x93: {  	s2 =	sld [smem:$0x3FFC];
	_ =	sdelay $0x3  }
0x94: {  	_ =	strace s2  }
0x95: {  	s2 =	sld [smem:$0x3FFD];
	_ =	sdelay $0x3  }
0x96: {  	_ =	strace s2  }
0x97: {  	_ =	strace $0x8FFFFFFF  }
0x98: {  	s18 =	sld [smem:$0x3FDB];
	_ =	sdelay $0x1  }
0x99: {  	s19 =	simm.s32 $_scs_section_size  }
0x9a: {  	s4 =	simm.s32 $_size__tile_overlayer_lowered;
	s5 =	simm.s32 $_tile_overlayer_lowered  }
0x9b: {  	s22 =	simm.s32 $0x1BFF;
	s21 =	sshll.u32 s5, $0x1;
	s2 =	sadd.s32 s19, s18  }
0x9c: {  	s6 =	simm.s32 $0x0;
	s20 =	sshll.u32 s4, $0x1;
	s4 =	sadd.s32 s21, s2  }
0x9d: {  	[timem:s6], [sflag:s22] =	dma.local [hbm:s4], s20  }
0x9e: {  	_ =	swait.ge [sflag:s22], s20  }
0x9f: {  	s3 =	ssub.s32 $0x0, s20;
	[sflag:s22] =	ssyncset.done $0x0  }
0xa0: {  	[sflag:s22] =	ssyncadd.s32 s3;
	_ =	sdelay $0x1  }
0xa1: {  	s23 =	simm.s32 $0x1B8B  }
0xa2: {  	_ =	swait.ge [sflag:s23], $0x1  }
0xa3: {  	[sflag:s23] =	ssyncset.done $0x0  }
0xa4: {  	s25 =	simm.s32 $0x1B8E;
	s24 =	sld [smem:$0x3FFE];
	[sflag:s23] =	ssyncadd.s32 $0xFFFFFFFF  }
0xa5: {  	s26 =	simm.s32 $execute0_lowered;
	[smem:$0x3FD2] =	sst s25  }
0xa6: {  	s4 =	sshll.u32 s26, $0x1;
	_ =	strace $0x8000004F;
	[dreg:$0x1] =	wrdreg $0xFFFFFFFF  }
0xa7: {  	s28 =	simm.s32 $_size_execute0_lowered;
	s2 =	sadd.s32 s2, s4;
	[dreg:$0x0] =	wrdreg $0x0  }
0xa8: {  	s4 =	sshll.u32 s28, $0x1;
	[dreg:$0x2] =	wrdreg s2  }
0xa9: {  	[dreg:$0x3] =	wrdreg s4  }
0xaa: {  	[dreg:$0x4] =	wrdreg $0xC0  }
0xab: {  	_ =	task [dreg:s6], $0x5FFFF  }
0xac: {  	[dreg:$0x1] =	wrdreg $0xFFFFFFFF  }
0xad: {  	[dreg:$0x0] =	wrdreg $0x60  }
0xae: {  	[dreg:$0x2] =	wrdreg s24  }
0xaf: {  	[dreg:$0x3] =	wrdreg $0x62000  }
0xb0: {  	[dreg:$0x4] =	wrdreg $0x9  }
0xb1: {  	_ =	task.clear_ibuf [dreg:s6], $0x5FFFF;
	_ =	strace $0x9000004F  }
0xb2: {  	s29 =	simm.s32 $0x9;
	_ =	strace $0x80000051  }
0xb3: {  	_ =	swait.ge [sflag:s29], $0x1  }
0xb4: {  	[sflag:s29] =	ssyncadd.s32 $0xFFFFFFFF  }
0xb5: {  	_ =	strace $0x90000051  }
0xb6: {  	_ =	sfence  }
0xb7: {  	s30 =	sld [smem:$0x0];
	_ =	sdelay $0x2  }
0xb8: {  	s31 =	sshll.u32 s1, $0xD;
	s1 =	sshrl.u32 s1, $0x2  }
0xb9: {  	s3 =	sand.u32 $0x4000, s31;
	s1 =	sadd.s32 s1, s30  }
0xba: {  	s0 =	sor.u32 s3, s0;
	s1 =	sshll.u32 s1, $0x11  }
0xbb: {  	s0 =	sor.u32 s1, s0  }
0xbc: {  	s0 =	sadd.s32 $0x8F2B, s0  }
0xbd: {  	[sflag:s0] =	ssyncadd.remote.s32 $0x1  }
0xbe: {  	_ =	sfence.sel $0xFFFF  }
0xbf: {  	[dreg:$0x0] =	wrdreg $0xFFFFFFFF;
	(pc) =	sbr.abs _section_cstart, $3  }
0xc0: {  	[dreg:$0x1] =	wrdreg $0xFFFFFFFF  }
0xc1: {  	_ =	task.clear_ibuf [dreg:s6], $0x2FFFF;
	_ =	strace $0x9FFFFFFF  }
0xc2: {  	(tm) =	ssettm $0x7FFFFFFF  }
0xc3: {  	_ =	shalt  }
tec
execute0_lowered:
.L_overlay_start_1:
0x0: {  	(tag) =	ssettag $0x1  }
0x1: {  	s0 =	rddreg [dreg:$0x0]  }
0x2: {  	s1 =	rddreg [dreg:$0x1];
	s2 =	simm.s32 $0x0  }
0x3: {  	s3 =	srdreg.scid;
	s12 =	stileid.u32;
	s28 =	simm.s32 $0x5  }
0x4: {  	s29 =	simm.s32 $0x100;
	s30 =	simm.s32 $0x80;
	s8 =	smul.u32 $0x4F000, s12  }
0x5: {  	s31 =	simm.s32 $0x180;
	[smem:$0x7FF] =	sst s2;
	s21 =	smul.u32 $0x27C0, s12  }
0x6: {  	s3 =	sand.u32 $0x1, s3;
	s4 =	sadd.s32 $0x16E00, s0;
	s23 =	smul.u32 $0x4E000, s12  }
0x7: {  	s5 =	sadd.s32 $0x2E00, s0;
	s6 =	sadd.s32 $0xCE00, s0;
	s26 =	smul.u32 $0x2700, s12  }
0x8: {  	p0 =	sne.s32 s12, $0x0;
	s7 =	smul.u32 $0x27100, s3;
	_ =	strace $0x80000050  }
0x9: {  	s9 =	ssub.s32 $0x2, s3;
	s11 =	sshll.u32 s3, $0x4;
	s3 =	smul.u32 $0x27C00, s3  }
0xa: {  	s8 =	sshrl.u32 s8, $0x2;
	s10 =	sshrl.u32 s9, $0x1;
	s11 =	sor.u32 s12, s11  }
0xb: {  	s24 =	sshrl.u32 s23, $0x2;
	s0 =	sadd.s32 s7, s0;
	s7 =	sadd.s32 s8, s1  }
0xc: {  	s12 =	simm.s32 $0x0;
	s8 =	ssub.s32 s9, s10;
	s14 =	sadd.s32 $0x3000, s7  }
0xd: {  	s13 =	smul.u32 $0x27C0, s11;
	s15 =	sadd.s32 $0x6000, s7;
	[dreg:$0x3] =	wrdreg s14  }
0xe: {  	s3 =	sadd.s32 s21, s3;
	s16 =	sadd.s32 $0x9000, s7;
	[dreg:$0x4] =	wrdreg s15  }
0xf: {  	s11 =	sadd.s32 $0x138000, s1;
	s17 =	sadd.s32 $0xC000, s7;
	[dreg:$0x5] =	wrdreg s16  }
0x10: {  	s10 =	simm.s32 $0x3;
	s18 =	sadd.s32 $0xF000, s7;
	[dreg:$0x6] =	wrdreg s17  }
0x11: {  	s19 =	sadd.s32 $0x12000, s7;
	s25 =	sadd.s32 $0x120, s3;
	[dreg:$0x7] =	wrdreg s18  }
0x12: {  	s9 =	sshrl.u32 s13, $0x3;
	[dreg:$0x8] =	wrdreg s19;
	s18 =	sadd.s32 $0x3E000, s0  }
0x13: {  	s0 =	sadd.s32 s24, s1;
	s19 =	smax.u32 s8, $0x1;
	s8 =	simm.s32 $0x2  }
0x14: {  	s20 =	sadd.s32 s5, s9;
	s22 =	sadd.s32 s6, s9;
	s9 =	sadd.s32 $0xC, s9  }
0x15: {  	s23 =	sadd.s32 s26, s18;
	s24 =	sshrl.u32 s0, $0x3;
	[dreg:$0x9] =	wrdreg s20  }
0x16: {  	s26 =	simm.s32 $0x200;
	[dreg:$0xa] =	wrdreg s22;
	s13 =	sadd.s32 s5, s9  }
0x17: {  	s0 =	simm.s32 $0x1;
	s9 =	sadd.s32 s6, s9;
	[dreg:$0xb] =	wrdreg s13  }
0x18: {  	s22 =	sadd.s32 $0xC0, s3;
	s3 =	simm.s32 $0x60;
	[dreg:$0xc] =	wrdreg s9  }
0x19: {  	s9 =	sshrl.u32 s25, $0x3;
	s25 =	sshrl.u32 @!p0 s11, $0x3;
	s11 =	simm.s32 $0x4  }
0x1a: {  	v0 =	vimm.f32 $0.0e+00;
	s20 =	sadd.s32 s9, s6;
	s21 =	sadd.s32 s9, s5;
	s9 =	simm.s32 $0x3200  }
.LBB2_1:
0x1b: {  	s13 =	sand.u32 $0xFE00, s2  }
0x1c: {  	s14 =	sand.u32 $0x70, s2;
	s15 =	sshrl.u32 s13, $0x2  }
0x1d: {  	s13 =	simm.s32 $0x40;
	s15 =	sor.u32 s14, s15;
	s14 =	simm.s32 $0x0  }
.LBB2_2:
0x1e: {  	p1 =	sne.s32 s13, $0xBFC0  }
0x1f: {  	[tilespmem:s15+$0x200] =	vst v0;
	s14 =	sadd.s32 $0x10, s14;
	s15 =	smov.u32 s13;
	s13 =	sadd.s32 $0x40, s13  }
.Ltmp0:
0x20: {  	(pc) =	sbr.rel @p1 .LBB2_2-.Ltmp0, $4  }
0x21: {  	_ = 	snop  }
0x22: {  	s15 =	sand.u32 $0xFE00, s15  }
0x23: {  	s16 =	sand.u32 $0x70, s14;
	s15 =	sshrl.u32 s15, $0x2  }
0x24: {  	s15 =	sor.u32 s16, s15  }
0x25: {  	[tilespmem:s15+$0x200] =	vst v0  }
0x26: {  	[spmem:s7] =	stream.linear.scatter [tilespmem:s26], [sflag:$0x5], $0x3000, $0x38;
	[tilespmem:$0x19E00] =	vst v63  }
0x27: {  	_ =	swait.ge [sflag:s28], $0x3000  }
0x28: {  	[sflag:s28] =	ssyncset.done $0x0  }
0x29: {  	s13 =	rddreg [dreg:$0x3];
	[sflag:s28] =	ssyncadd.s32 $0xFFFFD000  }
0x2a: {  	[spmem:s13] =	stream.linear.scatter [tilespmem:s26], [sflag:$0x5], $0x3000, $0x38;
	[tilespmem:$0x19E00] =	vst v63  }
0x2b: {  	_ =	swait.ge [sflag:s28], $0x3000  }
0x2c: {  	[sflag:s28] =	ssyncset.done $0x0  }
0x2d: {  	s14 =	rddreg [dreg:$0x4];
	[sflag:s28] =	ssyncadd.s32 $0xFFFFD000  }
0x2e: {  	[spmem:s14] =	stream.linear.scatter [tilespmem:s26], [sflag:$0x5], $0x3000, $0x38;
	[tilespmem:$0x19E00] =	vst v63  }
0x2f: {  	_ =	swait.ge [sflag:s28], $0x3000  }
0x30: {  	[sflag:s28] =	ssyncset.done $0x0  }
0x31: {  	s15 =	rddreg [dreg:$0x5];
	[sflag:s28] =	ssyncadd.s32 $0xFFFFD000  }
0x32: {  	[spmem:s15] =	stream.linear.scatter [tilespmem:s26], [sflag:$0x5], $0x3000, $0x38;
	[tilespmem:$0x19E00] =	vst v63  }
0x33: {  	_ =	swait.ge [sflag:s28], $0x3000  }
0x34: {  	[sflag:s28] =	ssyncset.done $0x0  }
0x35: {  	s16 =	rddreg [dreg:$0x6];
	[sflag:s28] =	ssyncadd.s32 $0xFFFFD000  }
0x36: {  	[spmem:s16] =	stream.linear.scatter [tilespmem:s26], [sflag:$0x5], $0x3000, $0x38;
	[tilespmem:$0x19E00] =	vst v63  }
0x37: {  	_ =	swait.ge [sflag:s28], $0x3000  }
0x38: {  	[sflag:s28] =	ssyncset.done $0x0  }
0x39: {  	s17 =	rddreg [dreg:$0x7];
	[sflag:s28] =	ssyncadd.s32 $0xFFFFD000  }
0x3a: {  	[spmem:s17] =	stream.linear.scatter [tilespmem:s26], [sflag:$0x5], $0x3000, $0x38;
	[tilespmem:$0x19E00] =	vst v63  }
0x3b: {  	_ =	swait.ge [sflag:s28], $0x3000  }
0x3c: {  	[sflag:s28] =	ssyncset.done $0x0  }
0x3d: {  	s14 =	rddreg [dreg:$0x8];
	[sflag:s28] =	ssyncadd.s32 $0xFFFFD000  }
0x3e: {  	[spmem:s14] =	stream.linear.scatter [tilespmem:s26], [sflag:$0x5], $0x1C00, $0x38;
	[tilespmem:$0x19E00] =	vst v63  }
0x3f: {  	_ =	swait.ge [sflag:s28], $0x1C00  }
0x40: {  	[sflag:s28] =	ssyncset.done $0x0  }
0x41: {  	[sflag:s28] =	ssyncadd.s32 $0xFFFFE400  }
0x42: {  	[bflag:$0x0] =	sbarrier.arrive $0xFFFF  }
0x43: {  	_ =	sdelay $0x7ff  }
0x44: {  	_ =	sdelay $0x7ff  }
0x45: {  	_ =	sdelay $0x5ad  }
0x46: {  	[bflag:$0x0] =	sbarrier.arrive $0xFFFF  }
0x47: {  	s13 =	simm.s32 $0x0;
	s14 =	rddreg [dreg:$0x9]  }
0x48: {  	[tilespmem:s13], [sflag:$0x1] =	stream.linear.gather [hbm4b:s14+s13], $0x60, $0x38;
	[tilespmem:$0x19E00] =	vst v63  }
0x49: {  	s15 =	rddreg [dreg:$0xa]  }
0x4a: {  	[tilespmem:s29], [sflag:$0x1] =	stream.linear.gather [hbm4b:s15+s13], $0x60, $0x38;
	[tilespmem:$0x19E00] =	vst v63  }
0x4b: {  	s16 =	rddreg [dreg:$0xb]  }
0x4c: {  	[tilespmem:s30], [sflag:$0x2] =	stream.linear.gather [hbm4b:s16+s13], $0x60, $0x38;
	[tilespmem:$0x19E00] =	vst v63  }
0x4d: {  	s17 =	rddreg [dreg:$0xc]  }
0x4e: {  	[tilespmem:s31], [sflag:$0x2] =	stream.linear.gather [hbm4b:s17+s13], $0x60, $0x38;
	[tilespmem:$0x19E00] =	vst v63  }
0x4f: {  	_ =	swait.ge [sflag:s0], $0x60  }
0x50: {  	[sflag:s0] =	ssyncset.done $0x0  }
0x51: {  	[sflag:s0] =	ssyncadd.s32 $0xFFFFFFA0  }
0x52: {  	_ =	swait.ge [sflag:s0], $0x60  }
0x53: {  	[sflag:s0] =	ssyncset.done $0x0  }
0x54: {  	[sflag:s0] =	ssyncadd.s32 $0xFFFFFFA0  }
0x55: {  	[tilespmem:s26], [sflag:$0x3] =	stream.indirect.gather [hbm4b:s4+s3], $0x80, s13, s3, $0xb8;
	[tilespmem:$0x19E00] =	vst v63  }
0x56: {  	_ =	swait.ge [sflag:s8], $0x60  }
0x57: {  	[sflag:s8] =	ssyncset.done $0x0  }
0x58: {  	[sflag:s8] =	ssyncadd.s32 $0xFFFFFFA0  }
0x59: {  	_ =	swait.ge [sflag:s8], $0x60  }
0x5a: {  	[sflag:s8] =	ssyncset.done $0x0  }
0x5b: {  	[sflag:s8] =	ssyncadd.s32 $0xFFFFFFA0  }
0x5c: {  	[tilespmem:s9], [sflag:$0x4] =	stream.indirect.gather [hbm4b:s4+s3], $0x80, s30, s3, $0xb8;
	[tilespmem:$0x19E00] =	vst v63  }
0x5d: {  	_ =	swait.ge [sflag:s10], $0x3000  }
0x5e: {  	[sflag:s10] =	ssyncset.done $0x0  }
0x5f: {  	[sflag:s10] =	ssyncadd.s32 $0xFFFFD000  }
0x60: {  	[spmem:s1] =	stream.indirect.scatter.add.f32 [tilespmem:s26], [sflag:$0x5], $0x80, s29, s3, $0xb8;
	[tilespmem:$0x19E00] =	vst v63  }
0x61: {  	_ =	swait.ge [sflag:s28], $0x3000  }
0x62: {  	s15 =	sshrl.u32 s22, $0x3;
	[sflag:s28] =	ssyncset.done $0x0  }
0x63: {  	s16 =	sadd.s32 s5, s15;
	[sflag:s28] =	ssyncadd.s32 $0xFFFFD000  }
0x64: {  	[tilespmem:s2], [sflag:$0x1] =	stream.linear.gather [hbm4b:s16+s2], $0x60, $0x38;
	[tilespmem:$0x19E00] =	vst v63  }
0x65: {  	s13 =	sadd.s32 s6, s15  }
0x66: {  	[tilespmem:s29], [sflag:$0x1] =	stream.linear.gather [hbm4b:s13+s2], $0x60, $0x38;
	[tilespmem:$0x19E00] =	vst v63  }
0x67: {  	_ =	swait.ge [sflag:s0], $0x60  }
0x68: {  	[sflag:s0] =	ssyncset.done $0x0  }
0x69: {  	[sflag:s0] =	ssyncadd.s32 $0xFFFFFFA0  }
0x6a: {  	_ =	swait.ge [sflag:s0], $0x60  }
0x6b: {  	[sflag:s0] =	ssyncset.done $0x0  }
0x6c: {  	[sflag:s0] =	ssyncadd.s32 $0xFFFFFFA0  }
0x6d: {  	[tilespmem:s26], [sflag:$0x3] =	stream.indirect.gather [hbm4b:s4+s3], $0x80, s2, s3, $0xb8;
	[tilespmem:$0x19E00] =	vst v63  }
0x6e: {  	_ =	swait.ge [sflag:s11], $0x3000  }
0x6f: {  	[sflag:s11] =	ssyncset.done $0x0  }
0x70: {  	[sflag:s11] =	ssyncadd.s32 $0xFFFFD000  }
0x71: {  	[spmem:s1] =	stream.indirect.scatter.add.f32 [tilespmem:s9], [sflag:$0x5], $0x80, s31, s3, $0xb8;
	[tilespmem:$0x19E00] =	vst v63  }
0x72: {  	_ =	swait.ge [sflag:s28], $0x3000  }
0x73: {  	s14 =	sadd.s32 $0xC0, s22;
	s17 =	sadd.s32 $0x0, s21;
	[sflag:s28] =	ssyncset.done $0x0  }
0x74: {  	s15 =	sadd.s32 $0x0, s20;
	s13 =	simm.s32 $0x18;
	[sflag:s28] =	ssyncadd.s32 $0xFFFFD000  }
0x75: {  	[tilespmem:s30], [sflag:$0x2] =	stream.linear.gather [hbm4b:s17+s2], $0x60, $0x38;
	[tilespmem:$0x19E00] =	vst v63  }
.LBB2_4:
0x76: {  	[tilespmem:s31], [sflag:$0x2] =	stream.linear.gather [hbm4b:s15+s2], $0x60, $0x38;
	[tilespmem:$0x19E00] =	vst v63  }
0x77: {  	s15 =	smov.u32 s13  }
0x78: {  	p1 =	sne.s32 s13, $0x4C8;
	s13 =	sadd.s32 $0x18, s13;
	_ =	swait.ge [sflag:s8], $0x60  }
0x79: {  	[sflag:s8] =	ssyncset.done $0x0  }
0x7a: {  	[sflag:s8] =	ssyncadd.s32 $0xFFFFFFA0  }
0x7b: {  	_ =	swait.ge [sflag:s8], $0x60  }
0x7c: {  	[sflag:s8] =	ssyncset.done $0x0  }
0x7d: {  	[sflag:s8] =	ssyncadd.s32 $0xFFFFFFA0  }
0x7e: {  	[tilespmem:s9], [sflag:$0x4] =	stream.indirect.gather [hbm4b:s4+s3], $0x80, s30, s3, $0xb8;
	[tilespmem:$0x19E00] =	vst v63  }
0x7f: {  	_ =	swait.ge [sflag:s10], $0x3000  }
0x80: {  	[sflag:s10] =	ssyncset.done $0x0  }
0x81: {  	[sflag:s10] =	ssyncadd.s32 $0xFFFFD000  }
0x82: {  	[spmem:s1] =	stream.indirect.scatter.add.f32 [tilespmem:s26], [sflag:$0x5], $0x80, s29, s3, $0xb8;
	[tilespmem:$0x19E00] =	vst v63  }
0x83: {  	_ =	swait.ge [sflag:s28], $0x3000  }
0x84: {  	s16 =	sshrl.u32 s14, $0x3;
	[sflag:s28] =	ssyncset.done $0x0  }
0x85: {  	s17 =	sadd.s32 s5, s16;
	[sflag:s28] =	ssyncadd.s32 $0xFFFFD000  }
0x86: {  	[tilespmem:s2], [sflag:$0x1] =	stream.linear.gather [hbm4b:s17+s2], $0x60, $0x38;
	[tilespmem:$0x19E00] =	vst v63  }
0x87: {  	s16 =	sadd.s32 s6, s16  }
0x88: {  	[tilespmem:s29], [sflag:$0x1] =	stream.linear.gather [hbm4b:s16+s2], $0x60, $0x38;
	[tilespmem:$0x19E00] =	vst v63  }
0x89: {  	_ =	swait.ge [sflag:s0], $0x60  }
0x8a: {  	[sflag:s0] =	ssyncset.done $0x0  }
0x8b: {  	[sflag:s0] =	ssyncadd.s32 $0xFFFFFFA0  }
0x8c: {  	_ =	swait.ge [sflag:s0], $0x60  }
0x8d: {  	[sflag:s0] =	ssyncset.done $0x0  }
0x8e: {  	[sflag:s0] =	ssyncadd.s32 $0xFFFFFFA0  }
0x8f: {  	[tilespmem:s26], [sflag:$0x3] =	stream.indirect.gather [hbm4b:s4+s3], $0x80, s2, s3, $0xb8;
	[tilespmem:$0x19E00] =	vst v63  }
0x90: {  	_ =	swait.ge [sflag:s11], $0x3000  }
0x91: {  	[sflag:s11] =	ssyncset.done $0x0  }
0x92: {  	[sflag:s11] =	ssyncadd.s32 $0xFFFFD000  }
0x93: {  	[spmem:s1] =	stream.indirect.scatter.add.f32 [tilespmem:s9], [sflag:$0x5], $0x80, s31, s3, $0xb8;
	[tilespmem:$0x19E00] =	vst v63  }
.Ltmp1:
0x94: {  	_ =	swait.ge [sflag:s28], $0x3000;
	(pc) =	sbr.rel @p1 .LBB2_4-.Ltmp1, $4  }
0x95: {  	[sflag:s28] =	ssyncset.done $0x0  }
0x96: {  	s16 =	sadd.s32 s15, s21;
	[sflag:s28] =	ssyncadd.s32 $0xFFFFD000  }
0x97: {  	[tilespmem:s30], [sflag:$0x2] =	stream.linear.gather [hbm4b:s16+s2], $0x60, $0x38;
	[tilespmem:$0x19E00] =	vst v63  }
0x98: {  	s14 =	sadd.s32 $0xC0, s14;
	s15 =	sadd.s32 s15, s20  }
0x99: {  	[tilespmem:s31], [sflag:$0x2] =	stream.linear.gather [hbm4b:s15+s2], $0x60, $0x38;
	[tilespmem:$0x19E00] =	vst v63  }
0x9a: {  	_ =	swait.ge [sflag:s8], $0x60  }
0x9b: {  	[sflag:s8] =	ssyncset.done $0x0  }
0x9c: {  	[sflag:s8] =	ssyncadd.s32 $0xFFFFFFA0  }
0x9d: {  	_ =	swait.ge [sflag:s8], $0x60  }
0x9e: {  	[sflag:s8] =	ssyncset.done $0x0  }
0x9f: {  	[sflag:s8] =	ssyncadd.s32 $0xFFFFFFA0  }
0xa0: {  	[tilespmem:s9], [sflag:$0x4] =	stream.indirect.gather [hbm4b:s4+s3], $0x80, s30, s3, $0xb8;
	[tilespmem:$0x19E00] =	vst v63  }
0xa1: {  	_ =	swait.ge [sflag:s10], $0x3000  }
0xa2: {  	[sflag:s10] =	ssyncset.done $0x0  }
0xa3: {  	[sflag:s10] =	ssyncadd.s32 $0xFFFFD000  }
0xa4: {  	[spmem:s1] =	stream.indirect.scatter.add.f32 [tilespmem:s26], [sflag:$0x5], $0x80, s29, s3, $0xb8;
	[tilespmem:$0x19E00] =	vst v63  }
0xa5: {  	_ =	swait.ge [sflag:s28], $0x3000  }
0xa6: {  	[sflag:s28] =	ssyncset.done $0x0  }
0xa7: {  	[sflag:s28] =	ssyncadd.s32 $0xFFFFD000  }
0xa8: {  	_ =	swait.ge [sflag:s11], $0x3000  }
0xa9: {  	[sflag:s11] =	ssyncset.done $0x0  }
0xaa: {  	[sflag:s11] =	ssyncadd.s32 $0xFFFFD000  }
0xab: {  	[spmem:s1] =	stream.indirect.scatter.add.f32 [tilespmem:s9], [sflag:$0x5], $0x80, s31, s3, $0xb8;
	[tilespmem:$0x19E00] =	vst v63  }
0xac: {  	_ =	swait.ge [sflag:s28], $0x3000  }
0xad: {  	[sflag:s28] =	ssyncset.done $0x0  }
0xae: {  	[sflag:s28] =	ssyncadd.s32 $0xFFFFD000  }
0xaf: {  	[bflag:$0x0] =	sbarrier.arrive $0xFFFF  }
0xb0: {  	_ =	sdelay $0x7ff  }
0xb1: {  	s13 =	stileid.u32;
	_ =	sdelay $0x7ff  }
0xb2: {  	s13 =	sshll.u32 s13, $0x6;
	_ =	sdelay $0x5ad  }
0xb3: {  	s13 =	sor.u32 $0x1C05, s13;
	[bflag:$0x0] =	sbarrier.arrive $0xFFFF  }
0xb4: {  	[hbm:s23], [sflag:s13] =	dma.local [spmem:s24], $0x2700  }
0xb5: {  	_ =	swait.ge [sflag:s28], $0x2700  }
0xb6: {  	s12 =	sadd.s32 $0x1, s12;
	[sflag:s28] =	ssyncset.done $0x0  }
0xb7: {  	s14 =	sadd.s32 @!p0 $0x27000, s18;
	p1 =	sne.s32 s12, s19;
	[sflag:s28] =	ssyncadd.s32 $0xFFFFD900  }
0xb8: {  	[hbm:s14], [sflag:s13] =	dma.local @!p0 [spmem:s25], $0x100  }
.Ltmp2:
0xb9: {  	_ = 	snop;
	(pc) =	sbr.rel @p1 .LBB2_1-.Ltmp2, $4  }
0xba: {  	s13 =	simm.s32 @!p0 $0x5  }
0xbb: {  	_ =	swait.ge @!p0 [sflag:s13], $0x100  }
0xbc: {  	[sflag:s13] =	ssyncset.done @!p0 $0x0  }
0xbd: {  	[sflag:s13] =	ssyncadd.s32 @!p0 $0xFFFFFF00  }
0xbe: {  	_ =	sfence.sel $0x180000  }
0xbf: {  	[bflag:$0x0] =	sbarrier.arrive $0xFFFF  }
0xc0: {  	_ =	strace $0x90000050  }
0xc1: {  	[bflag:$0x2] =	sbarrier.arrive $0xFFFF  }
0xc2: {  	s0 =	rddreg [dreg:$0x2]  }
0xc3: {  	s0 =	sadd.s32 @!p0 $0x100000, s0  }
0xc4: {  	[sflag:s0] =	ssyncadd.tile.s32 @!p0 $0x1;
	_ =	shalt  }
.Lfunc_end2:
_tile_overlayer_lowered:
.L_overlay_start_2:
0xc5: {  	(tag) =	ssettag $0x2  }
0xc6: {  	s0 =	rddreg [dreg:$0x0];
	s2 =	stileid.u32  }
0xc7: {  	s1 =	rddreg [dreg:$0x1];
	p0 =	sne.s32 s2, $0x0  }
0xc8: {  	s3 =	rddreg [dreg:$0x2];
	[bflag:$0x3] =	sbarrier.arrive $0xFFFF;
	s2 =	simm.s32 @!p0 $0x1C05  }
0xc9: {  	[timem:s3], [sflag:s2] =	dma.local @!p0 [hbm:s0], s1  }
0xca: {  	s0 =	simm.s32 @!p0 $0x5  }
0xcb: {  	_ =	swait.ge @!p0 [sflag:s0], s1  }
0xcc: {  	s1 =	ssub.s32 @!p0 $0x0, s1;
	[sflag:s0] =	ssyncset.done @!p0 $0x0  }
0xcd: {  	[sflag:s0] =	ssyncadd.s32 @!p0 s1  }
0xce: {  	[bflag:$0x3] =	sbarrier.arrive $0xFFFF  }
0xcf: {  	_ =	shalt  }

// kernel: sc_agg.5.cloned.1.call-start
scs
__scs_entry_jumppad:
0x0: {  	(pc) =	sbr.rel $0x88, $3  }
0x1: {  	(tag) =	ssettag $0x0;
	lr =	simm.s32 $0x1  }
0x2: {  	[smem:$0x3F96] =	sst lr;
	_ =	strace $0xD0000000  }
0x3: {  	_ = 	snop  }
0x4: {  	_ = 	snop  }
0x5: {  	_ = 	snop  }
0x6: {  	_ = 	snop  }
0x7: {  	_ = 	snop  }
__scs_overlays_trampoline_lowered:
0x8: {  	[smem:$0x3FA5] =	sst s0  }
0x9: {  	[smem:$0x3FA6] =	sst s1  }
0xa: {  	[smem:$0x3FA7] =	sst s2  }
0xb: {  	[smem:$0x3FA8] =	sst s3  }
0xc: {  	[smem:$0x3FA9] =	sst s4  }
0xd: {  	[smem:$0x3FAA] =	sst s5  }
0xe: {  	[smem:$0x3FAB] =	sst s6  }
0xf: {  	[smem:$0x3FAC] =	sst s7  }
0x10: {  	[smem:$0x3FAD] =	sst s8  }
0x11: {  	[smem:$0x3FAE] =	sst s9;
	s0 =	simm.s32 @!p0 $0x0  }
0x12: {  	s1 =	sld [smem:$0x3F94];
	s0 =	simm.s32 @p0 $0x1  }
0x13: {  	[smem:$0x3FAF] =	sst s0;
	s0 =	simm.s32 @!p1 $0x0  }
0x14: {  	s2 =	sld [smem:$0x3F93];
	s0 =	simm.s32 @p1 $0x1  }
0x15: {  	[smem:$0x3FB0] =	sst s0;
	s0 =	simm.s32 @!p2 $0x0  }
0x16: {  	s3 =	sld [smem:$0x3FDB];
	s0 =	simm.s32 @p2 $0x1  }
0x17: {  	s4 =	simm.s32 $0x1BF5;
	[smem:$0x3FB2] =	sst s0  }
0x18: {  	s0 =	sld [smem:$0x3F95];
	_ =	swait.ge [sflag:s4], $0x0  }
0x19: {  	s7 =	sld [smem:$0x3F96]  }
0x1a: {  	s8 =	sadd.s32 $0xFFFFE003, lr  }
0x1b: {  	s9 =	sadd.s32 $0xFFFFFEF7, lr;
	s5 =	simm.s32 $0xFFFFFFFF;
	p2 =	slt.u32 s8, $0xFFFFF086  }
0x1c: {  	p1 =	slt.u32 s9, $0xF7A;
	s5 =	simm.s32 @!p2 $0x0  }
0x1d: {  	s5 =	simm.s32 @p1 $0x1;
	p0 =	seq.s32 s7, s2  }
0x1e: {  	s7 =	smul.u32 @!p0 $0xF7A, s2;
	p2 =	seq.s32 @!p0 s5, $0x0  }
0x1f: {  	s9 =	smul.u32 $0xF7A, s1;
	s8 =	simm.s32 @!p0 $0x1BF5;
	p2 =	por !p2, p0  }
0x20: {  	[sflag:s8] =	ssyncset.s32 @!p0 $0xFFFFF086;
	s6 =	sadd.s32 @!p0 s3, s7;
	s7 =	simm.s32 @!p0 $0x108  }
0x21: {  	s3 =	sadd.s32 s3, s9;
	s6 =	sadd.s32 @!p0 $0x88, s6;
	s7 =	simm.s32 @p2 $0x1082  }
0x22: {  	[simem:s7], [sflag:s8] =	dma.local @!p0 [hbm:s6], $0xF7A  }
0x23: {  	s9 =	sor.u32 $0xD0000000, s2;
	s6 =	simm.s32 $0x108;
	_ =	swait.ge @!p0 [sflag:s8], $0x0  }
0x24: {  	s3 =	sadd.s32 $0x88, s3;
	s6 =	simm.s32 @!p1 $0x1082;
	[sflag:s4] =	ssyncset.s32 $0xFFFFF086  }
0x25: {  	[simem:s6], [sflag:s4] =	dma.local [hbm:s3], $0xF7A  }
0x26: {  	[smem:$0x3F96] =	sst s1;
	(tag) =	ssettag s2;
	_ =	strace s9  }
0x27: {  	s1 =	sld [smem:$0x3FA6]  }
0x28: {  	s2 =	sld [smem:$0x3FA7]  }
0x29: {  	s4 =	sld [smem:$0x3FA9]  }
0x2a: {  	p0 =	seq.s32 s5, $0x0;
	s5 =	sld [smem:$0x3FAA]  }
0x2b: {  	s6 =	sld [smem:$0x3FAB]  }
0x2c: {  	s7 =	sld [smem:$0x3FAC]  }
0x2d: {  	s3 =	simm.s32 $0x108;
	s8 =	sld [smem:$0x3FAD]  }
0x2e: {  	s3 =	simm.s32 @!p0 $0x1082;
	s9 =	sld [smem:$0x3FAE]  }
0x2f: {  	lr =	sadd.s32 s0, s3;
	s0 =	sld [smem:$0x3FA5]  }
0x30: {  	s3 =	sld [smem:$0x3FA8]  }
0x31: {  	[smem:$0x3FB1] =	sst s10  }
0x32: {  	s10 =	sld [smem:$0x3FAF];
	_ =	sdelay $0x3  }
0x33: {  	p0 =	seq.s32 s10, $0x1;
	s10 =	sld [smem:$0x3FB1];
	_ =	sdelay $0x3  }
0x34: {  	[smem:$0x3FB1] =	sst s10  }
0x35: {  	s10 =	sld [smem:$0x3FB0];
	_ =	sdelay $0x3  }
0x36: {  	p1 =	seq.s32 s10, $0x1;
	s10 =	sld [smem:$0x3FB1];
	_ =	sdelay $0x3  }
0x37: {  	[smem:$0x3FB1] =	sst s10  }
0x38: {  	s10 =	sld [smem:$0x3FB2]  }
0x39: {  	_ = 	snop;
	(pc) =	sbr.ind lr, $3  }
0x3a: {  	_ = 	snop  }
0x3b: {  	_ = 	snop  }
0x3c: {  	p2 =	seq.s32 s10, $0x1;
	s10 =	sld [smem:$0x3FB1]  }
0x3d: {  	_ =	shalt  }
0x3e: {  	_ =	shalt  }
0x3f: {  	_ =	shalt  }
0x40: {  	_ =	shalt  }
0x41: {  	_ =	shalt  }
0x42: {  	_ =	shalt  }
0x43: {  	_ =	shalt  }
0x44: {  	_ =	shalt  }
0x45: {  	_ =	shalt  }
0x46: {  	_ =	shalt  }
0x47: {  	_ =	shalt  }
0x48: {  	_ =	shalt  }
0x49: {  	_ =	shalt  }
0x4a: {  	_ =	shalt  }
0x4b: {  	_ =	shalt  }
0x4c: {  	_ =	shalt  }
0x4d: {  	_ =	shalt  }
0x4e: {  	_ =	shalt  }
0x4f: {  	_ =	shalt  }
0x50: {  	_ =	shalt  }
0x51: {  	_ =	shalt  }
0x52: {  	_ =	shalt  }
0x53: {  	_ =	shalt  }
0x54: {  	_ =	shalt  }
0x55: {  	_ =	shalt  }
0x56: {  	_ =	shalt  }
0x57: {  	_ =	shalt  }
0x58: {  	_ =	shalt  }
0x59: {  	_ =	shalt  }
0x5a: {  	_ =	shalt  }
0x5b: {  	_ =	shalt  }
0x5c: {  	_ =	shalt  }
0x5d: {  	_ =	shalt  }
0x5e: {  	_ =	shalt  }
0x5f: {  	_ =	shalt  }
0x60: {  	_ =	shalt  }
0x61: {  	_ =	shalt  }
0x62: {  	_ =	shalt  }
0x63: {  	_ =	shalt  }
0x64: {  	_ =	shalt  }
0x65: {  	_ =	shalt  }
0x66: {  	_ =	shalt  }
0x67: {  	_ =	shalt  }
0x68: {  	_ =	shalt  }
0x69: {  	_ =	shalt  }
0x6a: {  	_ =	shalt  }
0x6b: {  	_ =	shalt  }
0x6c: {  	_ =	shalt  }
0x6d: {  	_ =	shalt  }
0x6e: {  	_ =	shalt  }
0x6f: {  	_ =	shalt  }
0x70: {  	_ =	shalt  }
0x71: {  	_ =	shalt  }
0x72: {  	_ =	shalt  }
0x73: {  	_ =	shalt  }
0x74: {  	_ =	shalt  }
0x75: {  	_ =	shalt  }
0x76: {  	_ =	shalt  }
0x77: {  	_ =	shalt  }
0x78: {  	_ =	shalt  }
0x79: {  	_ =	shalt  }
0x7a: {  	_ =	shalt  }
0x7b: {  	_ =	shalt  }
0x7c: {  	_ =	shalt  }
0x7d: {  	_ =	shalt  }
0x7e: {  	_ =	shalt  }
0x7f: {  	_ =	shalt  }
0x80: {  	_ =	shalt  }
0x81: {  	_ =	shalt  }
0x82: {  	_ =	shalt  }
0x83: {  	_ =	shalt  }
0x84: {  	_ =	shalt  }
0x85: {  	_ =	shalt  }
0x86: {  	_ =	shalt  }
0x87: {  	_ =	shalt  }
.Lfunc_end0:
.L_simem_size_0:
called_computation.1_lowered:
.L_overlay_start_0:
0x88: {  	s2 =	sld [smem:$0x3FD9]  }
0x89: {  	s3 =	sld [smem:$0x3FFE];
	_ =	sdelay $0x1  }
0x8a: {  	s1 =	srdreg.scid  }
0x8b: {  	s0 =	sand.u32 $0x1, s1  }
0x8c: {  	s17 =	sshll.u32 s0, $0xA;
	s2 =	sadd.s32 s3, s2  }
0x8d: {  	s2 =	sadd.s32 s2, s17  }
0x8e: {  	[smem:$0x3FBD] =	sst s2  }
0x8f: {  	_ = 	snop  }
0x90: {  	s18 =	sld [smem:$0x3FC9];
	(tm) =	ssettm $0x1  }
0x91: {  	s19 =	sld [smem:$0x3FFB];
	_ =	sdelay $0x3  }
0x92: {  	_ =	strace s19  }
0x93: {  	s2 =	sld [smem:$0x3FFC];
	_ =	sdelay $0x3  }
0x94: {  	_ =	strace s2  }
0x95: {  	s2 =	sld [smem:$0x3FFD];
	_ =	sdelay $0x3  }
0x96: {  	_ =	strace s2  }
0x97: {  	_ =	strace $0x8FFFFFFF  }
0x98: {  	s20 =	sld [smem:$0x3FDB];
	_ =	sdelay $0x1  }
0x99: {  	s4 =	simm.s32 $_scs_section_size  }
0x9a: {  	s5 =	simm.s32 $_size__tile_overlayer_lowered;
	s6 =	simm.s32 $_tile_overlayer_lowered  }
0x9b: {  	s7 =	simm.s32 $0x1BFF;
	s21 =	sshll.u32 s6, $0x1;
	s4 =	sadd.s32 s4, s20  }
0x9c: {  	s22 =	simm.s32 $0x0;
	s5 =	sshll.u32 s5, $0x1;
	s6 =	sadd.s32 s21, s4  }
0x9d: {  	[timem:s22], [sflag:s7] =	dma.local [hbm:s6], s5  }
0x9e: {  	_ =	swait.ge [sflag:s7], s5  }
0x9f: {  	s5 =	ssub.s32 $0x0, s5;
	[sflag:s7] =	ssyncset.done $0x0  }
0xa0: {  	[sflag:s7] =	ssyncadd.s32 s5;
	_ =	sdelay $0x1  }
0xa1: {  	s23 =	simm.s32 $0x1B8B  }
0xa2: {  	_ =	swait.ge [sflag:s23], $0x1  }
0xa3: {  	[sflag:s23] =	ssyncset.done $0x0  }
0xa4: {  	[sflag:s23] =	ssyncadd.s32 $0xFFFFFFFF  }
0xa5: {  	s5 =	sld [smem:$0x0]  }
0xa6: {  	s6 =	sand.u32 $0xFFFFFFFE, s1  }
0xa7: {  	p0 =	sne.s32 s1, s6  }
0xa8: {  	s6 =	sshll.u32 @p0 s6, $0xE  }
0xa9: {  	s6 =	sadd.s32 @p0 $0x11B8D, s6;
	s7 =	sshll.u32 @p0 s5, $0x11  }
0xaa: {  	s6 =	sor.u32 @p0 s7, s6  }
0xab: {  	[sflag:s6] =	ssyncadd.remote.s32 @p0 $0x1;
	_ =	sdelay $0x1  }
0xac: {  	s6 =	simm.s32 @p0 $0x1B8D  }
0xad: {  	_ =	swait.eq @p0 [sflag:s6], $0x1  }
0xae: {  	[sflag:s6] =	ssyncadd.s32 @p0 $0xFFFFFFFF  }
0xaf: {  	s7 =	sshll.u32 @!p0 s1, $0xE  }
0xb0: {  	s7 =	sor.u32 @!p0 $0x4000, s7;
	s6 =	simm.s32 @!p0 $0x1B8D  }
0xb1: {  	s5 =	sshll.u32 @!p0 s5, $0x11;
	s7 =	sadd.s32 @!p0 $0x11B8D, s7;
	_ =	swait.eq @!p0 [sflag:s6], $0x1  }
0xb2: {  	s5 =	sor.u32 @!p0 s5, s7;
	[sflag:s6] =	ssyncadd.s32 @!p0 $0xFFFFFFFF  }
0xb3: {  	s25 =	simm.s32 $0x1B8E;
	s24 =	sld [smem:$0x3FFE];
	[sflag:s5] =	ssyncadd.remote.s32 @!p0 $0x1  }
0xb4: {  	s26 =	simm.s32 $execute0_lowered;
	[smem:$0x3FD2] =	sst s25  }
0xb5: {  	s6 =	sshll.u32 s26, $0x1;
	_ =	strace $0x80000049;
	[dreg:$0x1] =	wrdreg $0xFFFFFFFF  }
0xb6: {  	s28 =	simm.s32 $_size_execute0_lowered;
	s4 =	sadd.s32 s4, s6;
	[dreg:$0x0] =	wrdreg $0x0  }
0xb7: {  	s6 =	sshll.u32 s28, $0x1;
	[dreg:$0x2] =	wrdreg s4  }
0xb8: {  	[dreg:$0x3] =	wrdreg s6  }
0xb9: {  	[dreg:$0x4] =	wrdreg $0xC0  }
0xba: {  	_ =	task [dreg:s22], $0x5FFFF  }
0xbb: {  	[dreg:$0x1] =	wrdreg $0xFFFFFFFF  }
0xbc: {  	[dreg:$0x0] =	wrdreg $0x60  }
0xbd: {  	[dreg:$0x2] =	wrdreg s18  }
0xbe: {  	[dreg:$0x3] =	wrdreg s24  }
0xbf: {  	[dreg:$0x4] =	wrdreg $0x62000  }
0xc0: {  	[dreg:$0x5] =	wrdreg $0xA  }
0xc1: {  	_ =	task.clear_ibuf [dreg:s22], $0x6FFFF;
	_ =	strace $0x90000049  }
0xc2: {  	s29 =	simm.s32 $0xA;
	_ =	strace $0x8000004B  }
0xc3: {  	_ =	swait.ge [sflag:s29], $0x1  }
0xc4: {  	[sflag:s29] =	ssyncadd.s32 $0xFFFFFFFF  }
0xc5: {  	_ =	strace $0x9000004B  }
0xc6: {  	_ =	sfence  }
0xc7: {  	s30 =	sld [smem:$0x0];
	_ =	sdelay $0x2  }
0xc8: {  	s31 =	sshll.u32 s1, $0xD;
	s1 =	sshrl.u32 s1, $0x2  }
0xc9: {  	s4 =	sand.u32 $0x4000, s31;
	s1 =	sadd.s32 s1, s30  }
0xca: {  	s0 =	sor.u32 s4, s0;
	s1 =	sshll.u32 s1, $0x11  }
0xcb: {  	s0 =	sor.u32 s1, s0  }
0xcc: {  	s0 =	sadd.s32 $0x8F2B, s0  }
0xcd: {  	[sflag:s0] =	ssyncadd.remote.s32 $0x1  }
0xce: {  	_ =	sfence.sel $0xFFFF  }
0xcf: {  	[dreg:$0x0] =	wrdreg $0xFFFFFFFF;
	(pc) =	sbr.abs _section_cstart, $3  }
0xd0: {  	[dreg:$0x1] =	wrdreg $0xFFFFFFFF  }
0xd1: {  	_ =	task.clear_ibuf [dreg:s22], $0x2FFFF;
	_ =	strace $0x9FFFFFFF  }
0xd2: {  	(tm) =	ssettm $0x7FFFFFFF  }
0xd3: {  	_ =	shalt  }
tec
execute0_lowered:
.L_overlay_start_1:
0x0: {  	(tag) =	ssettag $0x1  }
0x1: {  	s1 =	rddreg [dreg:$0x0]  }
0x2: {  	s0 =	rddreg [dreg:$0x1]  }
0x3: {  	s2 =	rddreg [dreg:$0x2]  }
0x4: {  	s3 =	simm.s32 $0x0;
	s4 =	srdreg.scid;
	s12 =	stileid.u32  }
0x5: {  	s28 =	simm.s32 $0x5;
	s29 =	simm.s32 $0x100;
	s8 =	smul.u32 $0x4F000, s12  }
0x6: {  	s30 =	simm.s32 $0x80;
	s31 =	simm.s32 $0x180;
	s21 =	smul.u32 $0x27C0, s12  }
0x7: {  	[smem:$0x7FF] =	sst s3;
	s4 =	sand.u32 $0x1, s4;
	s23 =	smul.u32 $0x4E000, s12  }
0x8: {  	s5 =	sadd.s32 $0x2E00, s0;
	s6 =	sadd.s32 $0xCE00, s0;
	s26 =	smul.u32 $0x2700, s12  }
0x9: {  	p0 =	sne.s32 s12, $0x0;
	s7 =	smul.u32 $0x27100, s4;
	_ =	strace $0x8000004A  }
0xa: {  	s9 =	ssub.s32 $0x2, s4;
	s11 =	sshll.u32 s4, $0x4;
	s4 =	smul.u32 $0x27C00, s4  }
0xb: {  	s8 =	sshrl.u32 s8, $0x2;
	s10 =	sshrl.u32 s9, $0x1;
	s11 =	sor.u32 s12, s11  }
0xc: {  	s24 =	sshrl.u32 s23, $0x2;
	s0 =	sadd.s32 s7, s0;
	s7 =	sadd.s32 s8, s2  }
0xd: {  	s12 =	simm.s32 $0x0;
	s8 =	ssub.s32 s9, s10;
	s14 =	sadd.s32 $0x3000, s7  }
0xe: {  	s13 =	smul.u32 $0x27C0, s11;
	s15 =	sadd.s32 $0x6000, s7;
	[dreg:$0x4] =	wrdreg s14  }
0xf: {  	s4 =	sadd.s32 s21, s4;
	s16 =	sadd.s32 $0x9000, s7;
	[dreg:$0x5] =	wrdreg s15  }
0x10: {  	s11 =	sadd.s32 $0x138000, s2;
	s17 =	sadd.s32 $0xC000, s7;
	[dreg:$0x6] =	wrdreg s16  }
0x11: {  	s10 =	simm.s32 $0x3;
	s18 =	sadd.s32 $0xF000, s7;
	[dreg:$0x7] =	wrdreg s17  }
0x12: {  	s19 =	sadd.s32 $0x12000, s7;
	s25 =	sadd.s32 $0x120, s4;
	[dreg:$0x8] =	wrdreg s18  }
0x13: {  	s9 =	sshrl.u32 s13, $0x3;
	[dreg:$0x9] =	wrdreg s19;
	s18 =	sadd.s32 $0x65000, s0  }
0x14: {  	s0 =	sadd.s32 s24, s2;
	s19 =	smax.u32 s8, $0x1;
	s8 =	simm.s32 $0x2  }
0x15: {  	s20 =	sadd.s32 s5, s9;
	s22 =	sadd.s32 s6, s9;
	s9 =	sadd.s32 $0xC, s9  }
0x16: {  	s23 =	sadd.s32 s26, s18;
	s24 =	sshrl.u32 s0, $0x3;
	[dreg:$0xa] =	wrdreg s20  }
0x17: {  	s26 =	simm.s32 $0x200;
	[dreg:$0xb] =	wrdreg s22;
	s13 =	sadd.s32 s5, s9  }
0x18: {  	s0 =	simm.s32 $0x1;
	s9 =	sadd.s32 s6, s9;
	[dreg:$0xc] =	wrdreg s13  }
0x19: {  	s22 =	sadd.s32 $0xC0, s4;
	s4 =	simm.s32 $0x60;
	[dreg:$0xd] =	wrdreg s9  }
0x1a: {  	s9 =	sshrl.u32 s25, $0x3;
	s25 =	sshrl.u32 @!p0 s11, $0x3;
	s11 =	simm.s32 $0x4  }
0x1b: {  	v0 =	vimm.f32 $0.0e+00;
	s20 =	sadd.s32 s9, s6;
	s21 =	sadd.s32 s9, s5;
	s9 =	simm.s32 $0x3200  }
.LBB2_1:
0x1c: {  	s13 =	sand.u32 $0xFE00, s3  }
0x1d: {  	s14 =	sand.u32 $0x70, s3;
	s15 =	sshrl.u32 s13, $0x2  }
0x1e: {  	s13 =	simm.s32 $0x40;
	s15 =	sor.u32 s14, s15;
	s14 =	simm.s32 $0x0  }
.LBB2_2:
0x1f: {  	p1 =	sne.s32 s13, $0xBFC0  }
0x20: {  	[tilespmem:s15+$0x200] =	vst v0;
	s14 =	sadd.s32 $0x10, s14;
	s15 =	smov.u32 s13;
	s13 =	sadd.s32 $0x40, s13  }
.Ltmp0:
0x21: {  	(pc) =	sbr.rel @p1 .LBB2_2-.Ltmp0, $4  }
0x22: {  	_ = 	snop  }
0x23: {  	s15 =	sand.u32 $0xFE00, s15  }
0x24: {  	s16 =	sand.u32 $0x70, s14;
	s15 =	sshrl.u32 s15, $0x2  }
0x25: {  	s15 =	sor.u32 s16, s15  }
0x26: {  	[tilespmem:s15+$0x200] =	vst v0  }
0x27: {  	[spmem:s7] =	stream.linear.scatter [tilespmem:s26], [sflag:$0x5], $0x3000, $0x38;
	[tilespmem:$0x19E00] =	vst v63  }
0x28: {  	_ =	swait.ge [sflag:s28], $0x3000  }
0x29: {  	[sflag:s28] =	ssyncset.done $0x0  }
0x2a: {  	s13 =	rddreg [dreg:$0x4];
	[sflag:s28] =	ssyncadd.s32 $0xFFFFD000  }
0x2b: {  	[spmem:s13] =	stream.linear.scatter [tilespmem:s26], [sflag:$0x5], $0x3000, $0x38;
	[tilespmem:$0x19E00] =	vst v63  }
0x2c: {  	_ =	swait.ge [sflag:s28], $0x3000  }
0x2d: {  	[sflag:s28] =	ssyncset.done $0x0  }
0x2e: {  	s14 =	rddreg [dreg:$0x5];
	[sflag:s28] =	ssyncadd.s32 $0xFFFFD000  }
0x2f: {  	[spmem:s14] =	stream.linear.scatter [tilespmem:s26], [sflag:$0x5], $0x3000, $0x38;
	[tilespmem:$0x19E00] =	vst v63  }
0x30: {  	_ =	swait.ge [sflag:s28], $0x3000  }
0x31: {  	[sflag:s28] =	ssyncset.done $0x0  }
0x32: {  	s15 =	rddreg [dreg:$0x6];
	[sflag:s28] =	ssyncadd.s32 $0xFFFFD000  }
0x33: {  	[spmem:s15] =	stream.linear.scatter [tilespmem:s26], [sflag:$0x5], $0x3000, $0x38;
	[tilespmem:$0x19E00] =	vst v63  }
0x34: {  	_ =	swait.ge [sflag:s28], $0x3000  }
0x35: {  	[sflag:s28] =	ssyncset.done $0x0  }
0x36: {  	s16 =	rddreg [dreg:$0x7];
	[sflag:s28] =	ssyncadd.s32 $0xFFFFD000  }
0x37: {  	[spmem:s16] =	stream.linear.scatter [tilespmem:s26], [sflag:$0x5], $0x3000, $0x38;
	[tilespmem:$0x19E00] =	vst v63  }
0x38: {  	_ =	swait.ge [sflag:s28], $0x3000  }
0x39: {  	[sflag:s28] =	ssyncset.done $0x0  }
0x3a: {  	s17 =	rddreg [dreg:$0x8];
	[sflag:s28] =	ssyncadd.s32 $0xFFFFD000  }
0x3b: {  	[spmem:s17] =	stream.linear.scatter [tilespmem:s26], [sflag:$0x5], $0x3000, $0x38;
	[tilespmem:$0x19E00] =	vst v63  }
0x3c: {  	_ =	swait.ge [sflag:s28], $0x3000  }
0x3d: {  	[sflag:s28] =	ssyncset.done $0x0  }
0x3e: {  	s14 =	rddreg [dreg:$0x9];
	[sflag:s28] =	ssyncadd.s32 $0xFFFFD000  }
0x3f: {  	[spmem:s14] =	stream.linear.scatter [tilespmem:s26], [sflag:$0x5], $0x1C00, $0x38;
	[tilespmem:$0x19E00] =	vst v63  }
0x40: {  	_ =	swait.ge [sflag:s28], $0x1C00  }
0x41: {  	[sflag:s28] =	ssyncset.done $0x0  }
0x42: {  	[sflag:s28] =	ssyncadd.s32 $0xFFFFE400  }
0x43: {  	[bflag:$0x0] =	sbarrier.arrive $0xFFFF  }
0x44: {  	_ =	sdelay $0x7ff  }
0x45: {  	_ =	sdelay $0x7ff  }
0x46: {  	_ =	sdelay $0x5ad  }
0x47: {  	[bflag:$0x0] =	sbarrier.arrive $0xFFFF  }
0x48: {  	s13 =	simm.s32 $0x0;
	s14 =	rddreg [dreg:$0xa]  }
0x49: {  	[tilespmem:s13], [sflag:$0x1] =	stream.linear.gather [hbm4b:s14+s13], $0x60, $0x38;
	[tilespmem:$0x19E00] =	vst v63  }
0x4a: {  	s15 =	rddreg [dreg:$0xb]  }
0x4b: {  	[tilespmem:s29], [sflag:$0x1] =	stream.linear.gather [hbm4b:s15+s13], $0x60, $0x38;
	[tilespmem:$0x19E00] =	vst v63  }
0x4c: {  	s16 =	rddreg [dreg:$0xc]  }
0x4d: {  	[tilespmem:s30], [sflag:$0x2] =	stream.linear.gather [hbm4b:s16+s13], $0x60, $0x38;
	[tilespmem:$0x19E00] =	vst v63  }
0x4e: {  	s17 =	rddreg [dreg:$0xd]  }
0x4f: {  	[tilespmem:s31], [sflag:$0x2] =	stream.linear.gather [hbm4b:s17+s13], $0x60, $0x38;
	[tilespmem:$0x19E00] =	vst v63  }
0x50: {  	_ =	swait.ge [sflag:s0], $0x60  }
0x51: {  	[sflag:s0] =	ssyncset.done $0x0  }
0x52: {  	[sflag:s0] =	ssyncadd.s32 $0xFFFFFFA0  }
0x53: {  	_ =	swait.ge [sflag:s0], $0x60  }
0x54: {  	[sflag:s0] =	ssyncset.done $0x0  }
0x55: {  	[sflag:s0] =	ssyncadd.s32 $0xFFFFFFA0  }
0x56: {  	[tilespmem:s26], [sflag:$0x3] =	stream.indirect.gather [hbm4b:s1+s4], $0x80, s13, s4, $0xb8;
	[tilespmem:$0x19E00] =	vst v63  }
0x57: {  	_ =	swait.ge [sflag:s8], $0x60  }
0x58: {  	[sflag:s8] =	ssyncset.done $0x0  }
0x59: {  	[sflag:s8] =	ssyncadd.s32 $0xFFFFFFA0  }
0x5a: {  	_ =	swait.ge [sflag:s8], $0x60  }
0x5b: {  	[sflag:s8] =	ssyncset.done $0x0  }
0x5c: {  	[sflag:s8] =	ssyncadd.s32 $0xFFFFFFA0  }
0x5d: {  	[tilespmem:s9], [sflag:$0x4] =	stream.indirect.gather [hbm4b:s1+s4], $0x80, s30, s4, $0xb8;
	[tilespmem:$0x19E00] =	vst v63  }
0x5e: {  	_ =	swait.ge [sflag:s10], $0x3000  }
0x5f: {  	[sflag:s10] =	ssyncset.done $0x0  }
0x60: {  	[sflag:s10] =	ssyncadd.s32 $0xFFFFD000  }
0x61: {  	[spmem:s2] =	stream.indirect.scatter.add.f32 [tilespmem:s26], [sflag:$0x5], $0x80, s29, s4, $0xb8;
	[tilespmem:$0x19E00] =	vst v63  }
0x62: {  	_ =	swait.ge [sflag:s28], $0x3000  }
0x63: {  	s15 =	sshrl.u32 s22, $0x3;
	[sflag:s28] =	ssyncset.done $0x0  }
0x64: {  	s16 =	sadd.s32 s5, s15;
	[sflag:s28] =	ssyncadd.s32 $0xFFFFD000  }
0x65: {  	[tilespmem:s3], [sflag:$0x1] =	stream.linear.gather [hbm4b:s16+s3], $0x60, $0x38;
	[tilespmem:$0x19E00] =	vst v63  }
0x66: {  	s13 =	sadd.s32 s6, s15  }
0x67: {  	[tilespmem:s29], [sflag:$0x1] =	stream.linear.gather [hbm4b:s13+s3], $0x60, $0x38;
	[tilespmem:$0x19E00] =	vst v63  }
0x68: {  	_ =	swait.ge [sflag:s0], $0x60  }
0x69: {  	[sflag:s0] =	ssyncset.done $0x0  }
0x6a: {  	[sflag:s0] =	ssyncadd.s32 $0xFFFFFFA0  }
0x6b: {  	_ =	swait.ge [sflag:s0], $0x60  }
0x6c: {  	[sflag:s0] =	ssyncset.done $0x0  }
0x6d: {  	[sflag:s0] =	ssyncadd.s32 $0xFFFFFFA0  }
0x6e: {  	[tilespmem:s26], [sflag:$0x3] =	stream.indirect.gather [hbm4b:s1+s4], $0x80, s3, s4, $0xb8;
	[tilespmem:$0x19E00] =	vst v63  }
0x6f: {  	_ =	swait.ge [sflag:s11], $0x3000  }
0x70: {  	[sflag:s11] =	ssyncset.done $0x0  }
0x71: {  	[sflag:s11] =	ssyncadd.s32 $0xFFFFD000  }
0x72: {  	[spmem:s2] =	stream.indirect.scatter.add.f32 [tilespmem:s9], [sflag:$0x5], $0x80, s31, s4, $0xb8;
	[tilespmem:$0x19E00] =	vst v63  }
0x73: {  	_ =	swait.ge [sflag:s28], $0x3000  }
0x74: {  	s14 =	sadd.s32 $0xC0, s22;
	s17 =	sadd.s32 $0x0, s21;
	[sflag:s28] =	ssyncset.done $0x0  }
0x75: {  	s15 =	sadd.s32 $0x0, s20;
	s13 =	simm.s32 $0x18;
	[sflag:s28] =	ssyncadd.s32 $0xFFFFD000  }
0x76: {  	[tilespmem:s30], [sflag:$0x2] =	stream.linear.gather [hbm4b:s17+s3], $0x60, $0x38;
	[tilespmem:$0x19E00] =	vst v63  }
.LBB2_4:
0x77: {  	[tilespmem:s31], [sflag:$0x2] =	stream.linear.gather [hbm4b:s15+s3], $0x60, $0x38;
	[tilespmem:$0x19E00] =	vst v63  }
0x78: {  	s15 =	smov.u32 s13  }
0x79: {  	p1 =	sne.s32 s13, $0x4C8;
	s13 =	sadd.s32 $0x18, s13;
	_ =	swait.ge [sflag:s8], $0x60  }
0x7a: {  	[sflag:s8] =	ssyncset.done $0x0  }
0x7b: {  	[sflag:s8] =	ssyncadd.s32 $0xFFFFFFA0  }
0x7c: {  	_ =	swait.ge [sflag:s8], $0x60  }
0x7d: {  	[sflag:s8] =	ssyncset.done $0x0  }
0x7e: {  	[sflag:s8] =	ssyncadd.s32 $0xFFFFFFA0  }
0x7f: {  	[tilespmem:s9], [sflag:$0x4] =	stream.indirect.gather [hbm4b:s1+s4], $0x80, s30, s4, $0xb8;
	[tilespmem:$0x19E00] =	vst v63  }
0x80: {  	_ =	swait.ge [sflag:s10], $0x3000  }
0x81: {  	[sflag:s10] =	ssyncset.done $0x0  }
0x82: {  	[sflag:s10] =	ssyncadd.s32 $0xFFFFD000  }
0x83: {  	[spmem:s2] =	stream.indirect.scatter.add.f32 [tilespmem:s26], [sflag:$0x5], $0x80, s29, s4, $0xb8;
	[tilespmem:$0x19E00] =	vst v63  }
0x84: {  	_ =	swait.ge [sflag:s28], $0x3000  }
0x85: {  	s16 =	sshrl.u32 s14, $0x3;
	[sflag:s28] =	ssyncset.done $0x0  }
0x86: {  	s17 =	sadd.s32 s5, s16;
	[sflag:s28] =	ssyncadd.s32 $0xFFFFD000  }
0x87: {  	[tilespmem:s3], [sflag:$0x1] =	stream.linear.gather [hbm4b:s17+s3], $0x60, $0x38;
	[tilespmem:$0x19E00] =	vst v63  }
0x88: {  	s16 =	sadd.s32 s6, s16  }
0x89: {  	[tilespmem:s29], [sflag:$0x1] =	stream.linear.gather [hbm4b:s16+s3], $0x60, $0x38;
	[tilespmem:$0x19E00] =	vst v63  }
0x8a: {  	_ =	swait.ge [sflag:s0], $0x60  }
0x8b: {  	[sflag:s0] =	ssyncset.done $0x0  }
0x8c: {  	[sflag:s0] =	ssyncadd.s32 $0xFFFFFFA0  }
0x8d: {  	_ =	swait.ge [sflag:s0], $0x60  }
0x8e: {  	[sflag:s0] =	ssyncset.done $0x0  }
0x8f: {  	[sflag:s0] =	ssyncadd.s32 $0xFFFFFFA0  }
0x90: {  	[tilespmem:s26], [sflag:$0x3] =	stream.indirect.gather [hbm4b:s1+s4], $0x80, s3, s4, $0xb8;
	[tilespmem:$0x19E00] =	vst v63  }
0x91: {  	_ =	swait.ge [sflag:s11], $0x3000  }
0x92: {  	[sflag:s11] =	ssyncset.done $0x0  }
0x93: {  	[sflag:s11] =	ssyncadd.s32 $0xFFFFD000  }
0x94: {  	[spmem:s2] =	stream.indirect.scatter.add.f32 [tilespmem:s9], [sflag:$0x5], $0x80, s31, s4, $0xb8;
	[tilespmem:$0x19E00] =	vst v63  }
.Ltmp1:
0x95: {  	_ =	swait.ge [sflag:s28], $0x3000;
	(pc) =	sbr.rel @p1 .LBB2_4-.Ltmp1, $4  }
0x96: {  	[sflag:s28] =	ssyncset.done $0x0  }
0x97: {  	s16 =	sadd.s32 s15, s21;
	[sflag:s28] =	ssyncadd.s32 $0xFFFFD000  }
0x98: {  	[tilespmem:s30], [sflag:$0x2] =	stream.linear.gather [hbm4b:s16+s3], $0x60, $0x38;
	[tilespmem:$0x19E00] =	vst v63  }
0x99: {  	s14 =	sadd.s32 $0xC0, s14;
	s15 =	sadd.s32 s15, s20  }
0x9a: {  	[tilespmem:s31], [sflag:$0x2] =	stream.linear.gather [hbm4b:s15+s3], $0x60, $0x38;
	[tilespmem:$0x19E00] =	vst v63  }
0x9b: {  	_ =	swait.ge [sflag:s8], $0x60  }
0x9c: {  	[sflag:s8] =	ssyncset.done $0x0  }
0x9d: {  	[sflag:s8] =	ssyncadd.s32 $0xFFFFFFA0  }
0x9e: {  	_ =	swait.ge [sflag:s8], $0x60  }
0x9f: {  	[sflag:s8] =	ssyncset.done $0x0  }
0xa0: {  	[sflag:s8] =	ssyncadd.s32 $0xFFFFFFA0  }
0xa1: {  	[tilespmem:s9], [sflag:$0x4] =	stream.indirect.gather [hbm4b:s1+s4], $0x80, s30, s4, $0xb8;
	[tilespmem:$0x19E00] =	vst v63  }
0xa2: {  	_ =	swait.ge [sflag:s10], $0x3000  }
0xa3: {  	[sflag:s10] =	ssyncset.done $0x0  }
0xa4: {  	[sflag:s10] =	ssyncadd.s32 $0xFFFFD000  }
0xa5: {  	[spmem:s2] =	stream.indirect.scatter.add.f32 [tilespmem:s26], [sflag:$0x5], $0x80, s29, s4, $0xb8;
	[tilespmem:$0x19E00] =	vst v63  }
0xa6: {  	_ =	swait.ge [sflag:s28], $0x3000  }
0xa7: {  	[sflag:s28] =	ssyncset.done $0x0  }
0xa8: {  	[sflag:s28] =	ssyncadd.s32 $0xFFFFD000  }
0xa9: {  	_ =	swait.ge [sflag:s11], $0x3000  }
0xaa: {  	[sflag:s11] =	ssyncset.done $0x0  }
0xab: {  	[sflag:s11] =	ssyncadd.s32 $0xFFFFD000  }
0xac: {  	[spmem:s2] =	stream.indirect.scatter.add.f32 [tilespmem:s9], [sflag:$0x5], $0x80, s31, s4, $0xb8;
	[tilespmem:$0x19E00] =	vst v63  }
0xad: {  	_ =	swait.ge [sflag:s28], $0x3000  }
0xae: {  	[sflag:s28] =	ssyncset.done $0x0  }
0xaf: {  	[sflag:s28] =	ssyncadd.s32 $0xFFFFD000  }
0xb0: {  	[bflag:$0x0] =	sbarrier.arrive $0xFFFF  }
0xb1: {  	_ =	sdelay $0x7ff  }
0xb2: {  	s13 =	stileid.u32;
	_ =	sdelay $0x7ff  }
0xb3: {  	s13 =	sshll.u32 s13, $0x6;
	_ =	sdelay $0x5ad  }
0xb4: {  	s13 =	sor.u32 $0x1C05, s13;
	[bflag:$0x0] =	sbarrier.arrive $0xFFFF  }
0xb5: {  	[hbm:s23], [sflag:s13] =	dma.local [spmem:s24], $0x2700  }
0xb6: {  	_ =	swait.ge [sflag:s28], $0x2700  }
0xb7: {  	s12 =	sadd.s32 $0x1, s12;
	[sflag:s28] =	ssyncset.done $0x0  }
0xb8: {  	s14 =	sadd.s32 @!p0 $0x27000, s18;
	p1 =	sne.s32 s12, s19;
	[sflag:s28] =	ssyncadd.s32 $0xFFFFD900  }
0xb9: {  	[hbm:s14], [sflag:s13] =	dma.local @!p0 [spmem:s25], $0x100  }
.Ltmp2:
0xba: {  	_ = 	snop;
	(pc) =	sbr.rel @p1 .LBB2_1-.Ltmp2, $4  }
0xbb: {  	s13 =	simm.s32 @!p0 $0x5  }
0xbc: {  	_ =	swait.ge @!p0 [sflag:s13], $0x100  }
0xbd: {  	[sflag:s13] =	ssyncset.done @!p0 $0x0  }
0xbe: {  	[sflag:s13] =	ssyncadd.s32 @!p0 $0xFFFFFF00  }
0xbf: {  	_ =	sfence.sel $0x180000  }
0xc0: {  	[bflag:$0x0] =	sbarrier.arrive $0xFFFF  }
0xc1: {  	_ =	strace $0x9000004A  }
0xc2: {  	[bflag:$0x2] =	sbarrier.arrive $0xFFFF  }
0xc3: {  	s0 =	rddreg [dreg:$0x3]  }
0xc4: {  	s0 =	sadd.s32 @!p0 $0x100000, s0  }
0xc5: {  	[sflag:s0] =	ssyncadd.tile.s32 @!p0 $0x1;
	_ =	shalt  }
.Lfunc_end2:
_tile_overlayer_lowered:
.L_overlay_start_2:
0xc6: {  	(tag) =	ssettag $0x2  }
0xc7: {  	s0 =	rddreg [dreg:$0x0];
	s2 =	stileid.u32  }
0xc8: {  	s1 =	rddreg [dreg:$0x1];
	p0 =	sne.s32 s2, $0x0  }
0xc9: {  	s3 =	rddreg [dreg:$0x2];
	[bflag:$0x3] =	sbarrier.arrive $0xFFFF;
	s2 =	simm.s32 @!p0 $0x1C05  }
0xca: {  	[timem:s3], [sflag:s2] =	dma.local @!p0 [hbm:s0], s1  }
0xcb: {  	s0 =	simm.s32 @!p0 $0x5  }
0xcc: {  	_ =	swait.ge @!p0 [sflag:s0], s1  }
0xcd: {  	s1 =	ssub.s32 @!p0 $0x0, s1;
	[sflag:s0] =	ssyncset.done @!p0 $0x0  }
0xce: {  	[sflag:s0] =	ssyncadd.s32 @!p0 s1  }
0xcf: {  	[bflag:$0x3] =	sbarrier.arrive $0xFFFF  }
0xd0: {  	_ =	shalt  }

// kernel: sc_agg.8.cloned.1.call-start
scs
__scs_entry_jumppad:
0x0: {  	(pc) =	sbr.rel $0x88, $3  }
0x1: {  	(tag) =	ssettag $0x0;
	lr =	simm.s32 $0x1  }
0x2: {  	[smem:$0x3F96] =	sst lr;
	_ =	strace $0xD0000000  }
0x3: {  	_ = 	snop  }
0x4: {  	_ = 	snop  }
0x5: {  	_ = 	snop  }
0x6: {  	_ = 	snop  }
0x7: {  	_ = 	snop  }
__scs_overlays_trampoline_lowered:
0x8: {  	[smem:$0x3FA5] =	sst s0  }
0x9: {  	[smem:$0x3FA6] =	sst s1  }
0xa: {  	[smem:$0x3FA7] =	sst s2  }
0xb: {  	[smem:$0x3FA8] =	sst s3  }
0xc: {  	[smem:$0x3FA9] =	sst s4  }
0xd: {  	[smem:$0x3FAA] =	sst s5  }
0xe: {  	[smem:$0x3FAB] =	sst s6  }
0xf: {  	[smem:$0x3FAC] =	sst s7  }
0x10: {  	[smem:$0x3FAD] =	sst s8  }
0x11: {  	[smem:$0x3FAE] =	sst s9;
	s0 =	simm.s32 @!p0 $0x0  }
0x12: {  	s1 =	sld [smem:$0x3F94];
	s0 =	simm.s32 @p0 $0x1  }
0x13: {  	[smem:$0x3FAF] =	sst s0;
	s0 =	simm.s32 @!p1 $0x0  }
0x14: {  	s2 =	sld [smem:$0x3F93];
	s0 =	simm.s32 @p1 $0x1  }
0x15: {  	[smem:$0x3FB0] =	sst s0;
	s0 =	simm.s32 @!p2 $0x0  }
0x16: {  	s3 =	sld [smem:$0x3FDB];
	s0 =	simm.s32 @p2 $0x1  }
0x17: {  	s4 =	simm.s32 $0x1BF5;
	[smem:$0x3FB2] =	sst s0  }
0x18: {  	s0 =	sld [smem:$0x3F95];
	_ =	swait.ge [sflag:s4], $0x0  }
0x19: {  	s7 =	sld [smem:$0x3F96]  }
0x1a: {  	s8 =	sadd.s32 $0xFFFFE003, lr  }
0x1b: {  	s9 =	sadd.s32 $0xFFFFFEF7, lr;
	s5 =	simm.s32 $0xFFFFFFFF;
	p2 =	slt.u32 s8, $0xFFFFF086  }
0x1c: {  	p1 =	slt.u32 s9, $0xF7A;
	s5 =	simm.s32 @!p2 $0x0  }
0x1d: {  	s5 =	simm.s32 @p1 $0x1;
	p0 =	seq.s32 s7, s2  }
0x1e: {  	s7 =	smul.u32 @!p0 $0xF7A, s2;
	p2 =	seq.s32 @!p0 s5, $0x0  }
0x1f: {  	s9 =	smul.u32 $0xF7A, s1;
	s8 =	simm.s32 @!p0 $0x1BF5;
	p2 =	por !p2, p0  }
0x20: {  	[sflag:s8] =	ssyncset.s32 @!p0 $0xFFFFF086;
	s6 =	sadd.s32 @!p0 s3, s7;
	s7 =	simm.s32 @!p0 $0x108  }
0x21: {  	s3 =	sadd.s32 s3, s9;
	s6 =	sadd.s32 @!p0 $0x88, s6;
	s7 =	simm.s32 @p2 $0x1082  }
0x22: {  	[simem:s7], [sflag:s8] =	dma.local @!p0 [hbm:s6], $0xF7A  }
0x23: {  	s9 =	sor.u32 $0xD0000000, s2;
	s6 =	simm.s32 $0x108;
	_ =	swait.ge @!p0 [sflag:s8], $0x0  }
0x24: {  	s3 =	sadd.s32 $0x88, s3;
	s6 =	simm.s32 @!p1 $0x1082;
	[sflag:s4] =	ssyncset.s32 $0xFFFFF086  }
0x25: {  	[simem:s6], [sflag:s4] =	dma.local [hbm:s3], $0xF7A  }
0x26: {  	[smem:$0x3F96] =	sst s1;
	(tag) =	ssettag s2;
	_ =	strace s9  }
0x27: {  	s1 =	sld [smem:$0x3FA6]  }
0x28: {  	s2 =	sld [smem:$0x3FA7]  }
0x29: {  	s4 =	sld [smem:$0x3FA9]  }
0x2a: {  	p0 =	seq.s32 s5, $0x0;
	s5 =	sld [smem:$0x3FAA]  }
0x2b: {  	s6 =	sld [smem:$0x3FAB]  }
0x2c: {  	s7 =	sld [smem:$0x3FAC]  }
0x2d: {  	s3 =	simm.s32 $0x108;
	s8 =	sld [smem:$0x3FAD]  }
0x2e: {  	s3 =	simm.s32 @!p0 $0x1082;
	s9 =	sld [smem:$0x3FAE]  }
0x2f: {  	lr =	sadd.s32 s0, s3;
	s0 =	sld [smem:$0x3FA5]  }
0x30: {  	s3 =	sld [smem:$0x3FA8]  }
0x31: {  	[smem:$0x3FB1] =	sst s10  }
0x32: {  	s10 =	sld [smem:$0x3FAF];
	_ =	sdelay $0x3  }
0x33: {  	p0 =	seq.s32 s10, $0x1;
	s10 =	sld [smem:$0x3FB1];
	_ =	sdelay $0x3  }
0x34: {  	[smem:$0x3FB1] =	sst s10  }
0x35: {  	s10 =	sld [smem:$0x3FB0];
	_ =	sdelay $0x3  }
0x36: {  	p1 =	seq.s32 s10, $0x1;
	s10 =	sld [smem:$0x3FB1];
	_ =	sdelay $0x3  }
0x37: {  	[smem:$0x3FB1] =	sst s10  }
0x38: {  	s10 =	sld [smem:$0x3FB2]  }
0x39: {  	_ = 	snop;
	(pc) =	sbr.ind lr, $3  }
0x3a: {  	_ = 	snop  }
0x3b: {  	_ = 	snop  }
0x3c: {  	p2 =	seq.s32 s10, $0x1;
	s10 =	sld [smem:$0x3FB1]  }
0x3d: {  	_ =	shalt  }
0x3e: {  	_ =	shalt  }
0x3f: {  	_ =	shalt  }
0x40: {  	_ =	shalt  }
0x41: {  	_ =	shalt  }
0x42: {  	_ =	shalt  }
0x43: {  	_ =	shalt  }
0x44: {  	_ =	shalt  }
0x45: {  	_ =	shalt  }
0x46: {  	_ =	shalt  }
0x47: {  	_ =	shalt  }
0x48: {  	_ =	shalt  }
0x49: {  	_ =	shalt  }
0x4a: {  	_ =	shalt  }
0x4b: {  	_ =	shalt  }
0x4c: {  	_ =	shalt  }
0x4d: {  	_ =	shalt  }
0x4e: {  	_ =	shalt  }
0x4f: {  	_ =	shalt  }
0x50: {  	_ =	shalt  }
0x51: {  	_ =	shalt  }
0x52: {  	_ =	shalt  }
0x53: {  	_ =	shalt  }
0x54: {  	_ =	shalt  }
0x55: {  	_ =	shalt  }
0x56: {  	_ =	shalt  }
0x57: {  	_ =	shalt  }
0x58: {  	_ =	shalt  }
0x59: {  	_ =	shalt  }
0x5a: {  	_ =	shalt  }
0x5b: {  	_ =	shalt  }
0x5c: {  	_ =	shalt  }
0x5d: {  	_ =	shalt  }
0x5e: {  	_ =	shalt  }
0x5f: {  	_ =	shalt  }
0x60: {  	_ =	shalt  }
0x61: {  	_ =	shalt  }
0x62: {  	_ =	shalt  }
0x63: {  	_ =	shalt  }
0x64: {  	_ =	shalt  }
0x65: {  	_ =	shalt  }
0x66: {  	_ =	shalt  }
0x67: {  	_ =	shalt  }
0x68: {  	_ =	shalt  }
0x69: {  	_ =	shalt  }
0x6a: {  	_ =	shalt  }
0x6b: {  	_ =	shalt  }
0x6c: {  	_ =	shalt  }
0x6d: {  	_ =	shalt  }
0x6e: {  	_ =	shalt  }
0x6f: {  	_ =	shalt  }
0x70: {  	_ =	shalt  }
0x71: {  	_ =	shalt  }
0x72: {  	_ =	shalt  }
0x73: {  	_ =	shalt  }
0x74: {  	_ =	shalt  }
0x75: {  	_ =	shalt  }
0x76: {  	_ =	shalt  }
0x77: {  	_ =	shalt  }
0x78: {  	_ =	shalt  }
0x79: {  	_ =	shalt  }
0x7a: {  	_ =	shalt  }
0x7b: {  	_ =	shalt  }
0x7c: {  	_ =	shalt  }
0x7d: {  	_ =	shalt  }
0x7e: {  	_ =	shalt  }
0x7f: {  	_ =	shalt  }
0x80: {  	_ =	shalt  }
0x81: {  	_ =	shalt  }
0x82: {  	_ =	shalt  }
0x83: {  	_ =	shalt  }
0x84: {  	_ =	shalt  }
0x85: {  	_ =	shalt  }
0x86: {  	_ =	shalt  }
0x87: {  	_ =	shalt  }
.Lfunc_end0:
.L_simem_size_0:
called_computation.2_lowered:
.L_overlay_start_0:
0x88: {  	s2 =	sld [smem:$0x3FD9]  }
0x89: {  	s3 =	sld [smem:$0x3FFE];
	_ =	sdelay $0x1  }
0x8a: {  	s1 =	srdreg.scid  }
0x8b: {  	s0 =	sand.u32 $0x1, s1  }
0x8c: {  	s16 =	sshll.u32 s0, $0xA;
	s2 =	sadd.s32 s3, s2  }
0x8d: {  	s2 =	sadd.s32 s2, s16  }
0x8e: {  	[smem:$0x3FBD] =	sst s2  }
0x8f: {  	_ = 	snop  }
0x90: {  	(tm) =	ssettm $0x1  }
0x91: {  	s17 =	sld [smem:$0x3FFB];
	_ =	sdelay $0x3  }
0x92: {  	_ =	strace s17  }
0x93: {  	s2 =	sld [smem:$0x3FFC];
	_ =	sdelay $0x3  }
0x94: {  	_ =	strace s2  }
0x95: {  	s2 =	sld [smem:$0x3FFD];
	_ =	sdelay $0x3  }
0x96: {  	_ =	strace s2  }
0x97: {  	_ =	strace $0x8FFFFFFF  }
0x98: {  	s18 =	sld [smem:$0x3FDB];
	_ =	sdelay $0x1  }
0x99: {  	s19 =	simm.s32 $_scs_section_size  }
0x9a: {  	s4 =	simm.s32 $_size__tile_overlayer_lowered;
	s5 =	simm.s32 $_tile_overlayer_lowered  }
0x9b: {  	s22 =	simm.s32 $0x1BFF;
	s21 =	sshll.u32 s5, $0x1;
	s2 =	sadd.s32 s19, s18  }
0x9c: {  	s6 =	simm.s32 $0x0;
	s20 =	sshll.u32 s4, $0x1;
	s4 =	sadd.s32 s21, s2  }
0x9d: {  	[timem:s6], [sflag:s22] =	dma.local [hbm:s4], s20  }
0x9e: {  	_ =	swait.ge [sflag:s22], s20  }
0x9f: {  	s3 =	ssub.s32 $0x0, s20;
	[sflag:s22] =	ssyncset.done $0x0  }
0xa0: {  	[sflag:s22] =	ssyncadd.s32 s3;
	_ =	sdelay $0x1  }
0xa1: {  	s23 =	simm.s32 $0x1B8B  }
0xa2: {  	_ =	swait.ge [sflag:s23], $0x1  }
0xa3: {  	[sflag:s23] =	ssyncset.done $0x0  }
0xa4: {  	s25 =	simm.s32 $0x1B8E;
	s24 =	sld [smem:$0x3FFE];
	[sflag:s23] =	ssyncadd.s32 $0xFFFFFFFF  }
0xa5: {  	s26 =	simm.s32 $execute0_lowered;
	[smem:$0x3FD2] =	sst s25  }
0xa6: {  	s4 =	sshll.u32 s26, $0x1;
	_ =	strace $0x8000004C;
	[dreg:$0x1] =	wrdreg $0xFFFFFFFF  }
0xa7: {  	s28 =	simm.s32 $_size_execute0_lowered;
	s2 =	sadd.s32 s2, s4;
	[dreg:$0x0] =	wrdreg $0x0  }
0xa8: {  	s4 =	sshll.u32 s28, $0x1;
	[dreg:$0x2] =	wrdreg s2  }
0xa9: {  	[dreg:$0x3] =	wrdreg s4  }
0xaa: {  	[dreg:$0x4] =	wrdreg $0xC0  }
0xab: {  	_ =	task [dreg:s6], $0x5FFFF  }
0xac: {  	[dreg:$0x1] =	wrdreg $0xFFFFFFFF  }
0xad: {  	[dreg:$0x0] =	wrdreg $0x60  }
0xae: {  	[dreg:$0x2] =	wrdreg s24  }
0xaf: {  	[dreg:$0x3] =	wrdreg $0x62000  }
0xb0: {  	[dreg:$0x4] =	wrdreg $0x9  }
0xb1: {  	_ =	task.clear_ibuf [dreg:s6], $0x5FFFF;
	_ =	strace $0x9000004C  }
0xb2: {  	s29 =	simm.s32 $0x9;
	_ =	strace $0x8000004E  }
0xb3: {  	_ =	swait.ge [sflag:s29], $0x1  }
0xb4: {  	[sflag:s29] =	ssyncadd.s32 $0xFFFFFFFF  }
0xb5: {  	_ =	strace $0x9000004E  }
0xb6: {  	_ =	sfence  }
0xb7: {  	s30 =	sld [smem:$0x0];
	_ =	sdelay $0x2  }
0xb8: {  	s31 =	sshll.u32 s1, $0xD;
	s1 =	sshrl.u32 s1, $0x2  }
0xb9: {  	s3 =	sand.u32 $0x4000, s31;
	s1 =	sadd.s32 s1, s30  }
0xba: {  	s0 =	sor.u32 s3, s0;
	s1 =	sshll.u32 s1, $0x11  }
0xbb: {  	s0 =	sor.u32 s1, s0  }
0xbc: {  	s0 =	sadd.s32 $0x8F2B, s0  }
0xbd: {  	[sflag:s0] =	ssyncadd.remote.s32 $0x1  }
0xbe: {  	_ =	sfence.sel $0xFFFF  }
0xbf: {  	[dreg:$0x0] =	wrdreg $0xFFFFFFFF;
	(pc) =	sbr.abs _section_cstart, $3  }
0xc0: {  	[dreg:$0x1] =	wrdreg $0xFFFFFFFF  }
0xc1: {  	_ =	task.clear_ibuf [dreg:s6], $0x2FFFF;
	_ =	strace $0x9FFFFFFF  }
0xc2: {  	(tm) =	ssettm $0x7FFFFFFF  }
0xc3: {  	_ =	shalt  }
tec
execute0_lowered:
.L_overlay_start_1:
0x0: {  	(tag) =	ssettag $0x1  }
0x1: {  	s0 =	rddreg [dreg:$0x0]  }
0x2: {  	s1 =	rddreg [dreg:$0x1];
	s2 =	simm.s32 $0x0  }
0x3: {  	s3 =	srdreg.scid;
	s12 =	stileid.u32;
	s28 =	simm.s32 $0x5  }
0x4: {  	s29 =	simm.s32 $0x100;
	s30 =	simm.s32 $0x80;
	s8 =	smul.u32 $0x4F000, s12  }
0x5: {  	s31 =	simm.s32 $0x180;
	[smem:$0x7FF] =	sst s2;
	s21 =	smul.u32 $0x27C0, s12  }
0x6: {  	s3 =	sand.u32 $0x1, s3;
	s4 =	sadd.s32 $0x16E00, s0;
	s23 =	smul.u32 $0x4E000, s12  }
0x7: {  	s5 =	sadd.s32 $0x2E00, s0;
	s6 =	sadd.s32 $0xCE00, s0;
	s26 =	smul.u32 $0x2700, s12  }
0x8: {  	p0 =	sne.s32 s12, $0x0;
	s7 =	smul.u32 $0x27100, s3;
	_ =	strace $0x8000004D  }
0x9: {  	s9 =	ssub.s32 $0x2, s3;
	s11 =	sshll.u32 s3, $0x4;
	s3 =	smul.u32 $0x27C00, s3  }
0xa: {  	s8 =	sshrl.u32 s8, $0x2;
	s10 =	sshrl.u32 s9, $0x1;
	s11 =	sor.u32 s12, s11  }
0xb: {  	s24 =	sshrl.u32 s23, $0x2;
	s0 =	sadd.s32 s7, s0;
	s7 =	sadd.s32 s8, s1  }
0xc: {  	s12 =	simm.s32 $0x0;
	s8 =	ssub.s32 s9, s10;
	s14 =	sadd.s32 $0x3000, s7  }
0xd: {  	s13 =	smul.u32 $0x27C0, s11;
	s15 =	sadd.s32 $0x6000, s7;
	[dreg:$0x3] =	wrdreg s14  }
0xe: {  	s3 =	sadd.s32 s21, s3;
	s16 =	sadd.s32 $0x9000, s7;
	[dreg:$0x4] =	wrdreg s15  }
0xf: {  	s11 =	sadd.s32 $0x138000, s1;
	s17 =	sadd.s32 $0xC000, s7;
	[dreg:$0x5] =	wrdreg s16  }
0x10: {  	s10 =	simm.s32 $0x3;
	s18 =	sadd.s32 $0xF000, s7;
	[dreg:$0x6] =	wrdreg s17  }
0x11: {  	s19 =	sadd.s32 $0x12000, s7;
	s25 =	sadd.s32 $0x120, s3;
	[dreg:$0x7] =	wrdreg s18  }
0x12: {  	s9 =	sshrl.u32 s13, $0x3;
	[dreg:$0x8] =	wrdreg s19;
	s18 =	sadd.s32 $0x3E000, s0  }
0x13: {  	s0 =	sadd.s32 s24, s1;
	s19 =	smax.u32 s8, $0x1;
	s8 =	simm.s32 $0x2  }
0x14: {  	s20 =	sadd.s32 s5, s9;
	s22 =	sadd.s32 s6, s9;
	s9 =	sadd.s32 $0xC, s9  }
0x15: {  	s23 =	sadd.s32 s26, s18;
	s24 =	sshrl.u32 s0, $0x3;
	[dreg:$0x9] =	wrdreg s20  }
0x16: {  	s26 =	simm.s32 $0x200;
	[dreg:$0xa] =	wrdreg s22;
	s13 =	sadd.s32 s5, s9  }
0x17: {  	s0 =	simm.s32 $0x1;
	s9 =	sadd.s32 s6, s9;
	[dreg:$0xb] =	wrdreg s13  }
0x18: {  	s22 =	sadd.s32 $0xC0, s3;
	s3 =	simm.s32 $0x60;
	[dreg:$0xc] =	wrdreg s9  }
0x19: {  	s9 =	sshrl.u32 s25, $0x3;
	s25 =	sshrl.u32 @!p0 s11, $0x3;
	s11 =	simm.s32 $0x4  }
0x1a: {  	v0 =	vimm.f32 $0.0e+00;
	s20 =	sadd.s32 s9, s6;
	s21 =	sadd.s32 s9, s5;
	s9 =	simm.s32 $0x3200  }
.LBB2_1:
0x1b: {  	s13 =	sand.u32 $0xFE00, s2  }
0x1c: {  	s14 =	sand.u32 $0x70, s2;
	s15 =	sshrl.u32 s13, $0x2  }
0x1d: {  	s13 =	simm.s32 $0x40;
	s15 =	sor.u32 s14, s15;
	s14 =	simm.s32 $0x0  }
.LBB2_2:
0x1e: {  	p1 =	sne.s32 s13, $0xBFC0  }
0x1f: {  	[tilespmem:s15+$0x200] =	vst v0;
	s14 =	sadd.s32 $0x10, s14;
	s15 =	smov.u32 s13;
	s13 =	sadd.s32 $0x40, s13  }
.Ltmp0:
0x20: {  	(pc) =	sbr.rel @p1 .LBB2_2-.Ltmp0, $4  }
0x21: {  	_ = 	snop  }
0x22: {  	s15 =	sand.u32 $0xFE00, s15  }
0x23: {  	s16 =	sand.u32 $0x70, s14;
	s15 =	sshrl.u32 s15, $0x2  }
0x24: {  	s15 =	sor.u32 s16, s15  }
0x25: {  	[tilespmem:s15+$0x200] =	vst v0  }
0x26: {  	[spmem:s7] =	stream.linear.scatter [tilespmem:s26], [sflag:$0x5], $0x3000, $0x38;
	[tilespmem:$0x19E00] =	vst v63  }
0x27: {  	_ =	swait.ge [sflag:s28], $0x3000  }
0x28: {  	[sflag:s28] =	ssyncset.done $0x0  }
0x29: {  	s13 =	rddreg [dreg:$0x3];
	[sflag:s28] =	ssyncadd.s32 $0xFFFFD000  }
0x2a: {  	[spmem:s13] =	stream.linear.scatter [tilespmem:s26], [sflag:$0x5], $0x3000, $0x38;
	[tilespmem:$0x19E00] =	vst v63  }
0x2b: {  	_ =	swait.ge [sflag:s28], $0x3000  }
0x2c: {  	[sflag:s28] =	ssyncset.done $0x0  }
0x2d: {  	s14 =	rddreg [dreg:$0x4];
	[sflag:s28] =	ssyncadd.s32 $0xFFFFD000  }
0x2e: {  	[spmem:s14] =	stream.linear.scatter [tilespmem:s26], [sflag:$0x5], $0x3000, $0x38;
	[tilespmem:$0x19E00] =	vst v63  }
0x2f: {  	_ =	swait.ge [sflag:s28], $0x3000  }
0x30: {  	[sflag:s28] =	ssyncset.done $0x0  }
0x31: {  	s15 =	rddreg [dreg:$0x5];
	[sflag:s28] =	ssyncadd.s32 $0xFFFFD000  }
0x32: {  	[spmem:s15] =	stream.linear.scatter [tilespmem:s26], [sflag:$0x5], $0x3000, $0x38;
	[tilespmem:$0x19E00] =	vst v63  }
0x33: {  	_ =	swait.ge [sflag:s28], $0x3000  }
0x34: {  	[sflag:s28] =	ssyncset.done $0x0  }
0x35: {  	s16 =	rddreg [dreg:$0x6];
	[sflag:s28] =	ssyncadd.s32 $0xFFFFD000  }
0x36: {  	[spmem:s16] =	stream.linear.scatter [tilespmem:s26], [sflag:$0x5], $0x3000, $0x38;
	[tilespmem:$0x19E00] =	vst v63  }
0x37: {  	_ =	swait.ge [sflag:s28], $0x3000  }
0x38: {  	[sflag:s28] =	ssyncset.done $0x0  }
0x39: {  	s17 =	rddreg [dreg:$0x7];
	[sflag:s28] =	ssyncadd.s32 $0xFFFFD000  }
0x3a: {  	[spmem:s17] =	stream.linear.scatter [tilespmem:s26], [sflag:$0x5], $0x3000, $0x38;
	[tilespmem:$0x19E00] =	vst v63  }
0x3b: {  	_ =	swait.ge [sflag:s28], $0x3000  }
0x3c: {  	[sflag:s28] =	ssyncset.done $0x0  }
0x3d: {  	s14 =	rddreg [dreg:$0x8];
	[sflag:s28] =	ssyncadd.s32 $0xFFFFD000  }
0x3e: {  	[spmem:s14] =	stream.linear.scatter [tilespmem:s26], [sflag:$0x5], $0x1C00, $0x38;
	[tilespmem:$0x19E00] =	vst v63  }
0x3f: {  	_ =	swait.ge [sflag:s28], $0x1C00  }
0x40: {  	[sflag:s28] =	ssyncset.done $0x0  }
0x41: {  	[sflag:s28] =	ssyncadd.s32 $0xFFFFE400  }
0x42: {  	[bflag:$0x0] =	sbarrier.arrive $0xFFFF  }
0x43: {  	_ =	sdelay $0x7ff  }
0x44: {  	_ =	sdelay $0x7ff  }
0x45: {  	_ =	sdelay $0x5ad  }
0x46: {  	[bflag:$0x0] =	sbarrier.arrive $0xFFFF  }
0x47: {  	s13 =	simm.s32 $0x0;
	s14 =	rddreg [dreg:$0x9]  }
0x48: {  	[tilespmem:s13], [sflag:$0x1] =	stream.linear.gather [hbm4b:s14+s13], $0x60, $0x38;
	[tilespmem:$0x19E00] =	vst v63  }
0x49: {  	s15 =	rddreg [dreg:$0xa]  }
0x4a: {  	[tilespmem:s29], [sflag:$0x1] =	stream.linear.gather [hbm4b:s15+s13], $0x60, $0x38;
	[tilespmem:$0x19E00] =	vst v63  }
0x4b: {  	s16 =	rddreg [dreg:$0xb]  }
0x4c: {  	[tilespmem:s30], [sflag:$0x2] =	stream.linear.gather [hbm4b:s16+s13], $0x60, $0x38;
	[tilespmem:$0x19E00] =	vst v63  }
0x4d: {  	s17 =	rddreg [dreg:$0xc]  }
0x4e: {  	[tilespmem:s31], [sflag:$0x2] =	stream.linear.gather [hbm4b:s17+s13], $0x60, $0x38;
	[tilespmem:$0x19E00] =	vst v63  }
0x4f: {  	_ =	swait.ge [sflag:s0], $0x60  }
0x50: {  	[sflag:s0] =	ssyncset.done $0x0  }
0x51: {  	[sflag:s0] =	ssyncadd.s32 $0xFFFFFFA0  }
0x52: {  	_ =	swait.ge [sflag:s0], $0x60  }
0x53: {  	[sflag:s0] =	ssyncset.done $0x0  }
0x54: {  	[sflag:s0] =	ssyncadd.s32 $0xFFFFFFA0  }
0x55: {  	[tilespmem:s26], [sflag:$0x3] =	stream.indirect.gather [hbm4b:s4+s3], $0x80, s13, s3, $0xb8;
	[tilespmem:$0x19E00] =	vst v63  }
0x56: {  	_ =	swait.ge [sflag:s8], $0x60  }
0x57: {  	[sflag:s8] =	ssyncset.done $0x0  }
0x58: {  	[sflag:s8] =	ssyncadd.s32 $0xFFFFFFA0  }
0x59: {  	_ =	swait.ge [sflag:s8], $0x60  }
0x5a: {  	[sflag:s8] =	ssyncset.done $0x0  }
0x5b: {  	[sflag:s8] =	ssyncadd.s32 $0xFFFFFFA0  }
0x5c: {  	[tilespmem:s9], [sflag:$0x4] =	stream.indirect.gather [hbm4b:s4+s3], $0x80, s30, s3, $0xb8;
	[tilespmem:$0x19E00] =	vst v63  }
0x5d: {  	_ =	swait.ge [sflag:s10], $0x3000  }
0x5e: {  	[sflag:s10] =	ssyncset.done $0x0  }
0x5f: {  	[sflag:s10] =	ssyncadd.s32 $0xFFFFD000  }
0x60: {  	[spmem:s1] =	stream.indirect.scatter.add.f32 [tilespmem:s26], [sflag:$0x5], $0x80, s29, s3, $0xb8;
	[tilespmem:$0x19E00] =	vst v63  }
0x61: {  	_ =	swait.ge [sflag:s28], $0x3000  }
0x62: {  	s15 =	sshrl.u32 s22, $0x3;
	[sflag:s28] =	ssyncset.done $0x0  }
0x63: {  	s16 =	sadd.s32 s5, s15;
	[sflag:s28] =	ssyncadd.s32 $0xFFFFD000  }
0x64: {  	[tilespmem:s2], [sflag:$0x1] =	stream.linear.gather [hbm4b:s16+s2], $0x60, $0x38;
	[tilespmem:$0x19E00] =	vst v63  }
0x65: {  	s13 =	sadd.s32 s6, s15  }
0x66: {  	[tilespmem:s29], [sflag:$0x1] =	stream.linear.gather [hbm4b:s13+s2], $0x60, $0x38;
	[tilespmem:$0x19E00] =	vst v63  }
0x67: {  	_ =	swait.ge [sflag:s0], $0x60  }
0x68: {  	[sflag:s0] =	ssyncset.done $0x0  }
0x69: {  	[sflag:s0] =	ssyncadd.s32 $0xFFFFFFA0  }
0x6a: {  	_ =	swait.ge [sflag:s0], $0x60  }
0x6b: {  	[sflag:s0] =	ssyncset.done $0x0  }
0x6c: {  	[sflag:s0] =	ssyncadd.s32 $0xFFFFFFA0  }
0x6d: {  	[tilespmem:s26], [sflag:$0x3] =	stream.indirect.gather [hbm4b:s4+s3], $0x80, s2, s3, $0xb8;
	[tilespmem:$0x19E00] =	vst v63  }
0x6e: {  	_ =	swait.ge [sflag:s11], $0x3000  }
0x6f: {  	[sflag:s11] =	ssyncset.done $0x0  }
0x70: {  	[sflag:s11] =	ssyncadd.s32 $0xFFFFD000  }
0x71: {  	[spmem:s1] =	stream.indirect.scatter.add.f32 [tilespmem:s9], [sflag:$0x5], $0x80, s31, s3, $0xb8;
	[tilespmem:$0x19E00] =	vst v63  }
0x72: {  	_ =	swait.ge [sflag:s28], $0x3000  }
0x73: {  	s14 =	sadd.s32 $0xC0, s22;
	s17 =	sadd.s32 $0x0, s21;
	[sflag:s28] =	ssyncset.done $0x0  }
0x74: {  	s15 =	sadd.s32 $0x0, s20;
	s13 =	simm.s32 $0x18;
	[sflag:s28] =	ssyncadd.s32 $0xFFFFD000  }
0x75: {  	[tilespmem:s30], [sflag:$0x2] =	stream.linear.gather [hbm4b:s17+s2], $0x60, $0x38;
	[tilespmem:$0x19E00] =	vst v63  }
.LBB2_4:
0x76: {  	[tilespmem:s31], [sflag:$0x2] =	stream.linear.gather [hbm4b:s15+s2], $0x60, $0x38;
	[tilespmem:$0x19E00] =	vst v63  }
0x77: {  	s15 =	smov.u32 s13  }
0x78: {  	p1 =	sne.s32 s13, $0x4C8;
	s13 =	sadd.s32 $0x18, s13;
	_ =	swait.ge [sflag:s8], $0x60  }
0x79: {  	[sflag:s8] =	ssyncset.done $0x0  }
0x7a: {  	[sflag:s8] =	ssyncadd.s32 $0xFFFFFFA0  }
0x7b: {  	_ =	swait.ge [sflag:s8], $0x60  }
0x7c: {  	[sflag:s8] =	ssyncset.done $0x0  }
0x7d: {  	[sflag:s8] =	ssyncadd.s32 $0xFFFFFFA0  }
0x7e: {  	[tilespmem:s9], [sflag:$0x4] =	stream.indirect.gather [hbm4b:s4+s3], $0x80, s30, s3, $0xb8;
	[tilespmem:$0x19E00] =	vst v63  }
0x7f: {  	_ =	swait.ge [sflag:s10], $0x3000  }
0x80: {  	[sflag:s10] =	ssyncset.done $0x0  }
0x81: {  	[sflag:s10] =	ssyncadd.s32 $0xFFFFD000  }
0x82: {  	[spmem:s1] =	stream.indirect.scatter.add.f32 [tilespmem:s26], [sflag:$0x5], $0x80, s29, s3, $0xb8;
	[tilespmem:$0x19E00] =	vst v63  }
0x83: {  	_ =	swait.ge [sflag:s28], $0x3000  }
0x84: {  	s16 =	sshrl.u32 s14, $0x3;
	[sflag:s28] =	ssyncset.done $0x0  }
0x85: {  	s17 =	sadd.s32 s5, s16;
	[sflag:s28] =	ssyncadd.s32 $0xFFFFD000  }
0x86: {  	[tilespmem:s2], [sflag:$0x1] =	stream.linear.gather [hbm4b:s17+s2], $0x60, $0x38;
	[tilespmem:$0x19E00] =	vst v63  }
0x87: {  	s16 =	sadd.s32 s6, s16  }
0x88: {  	[tilespmem:s29], [sflag:$0x1] =	stream.linear.gather [hbm4b:s16+s2], $0x60, $0x38;
	[tilespmem:$0x19E00] =	vst v63  }
0x89: {  	_ =	swait.ge [sflag:s0], $0x60  }
0x8a: {  	[sflag:s0] =	ssyncset.done $0x0  }
0x8b: {  	[sflag:s0] =	ssyncadd.s32 $0xFFFFFFA0  }
0x8c: {  	_ =	swait.ge [sflag:s0], $0x60  }
0x8d: {  	[sflag:s0] =	ssyncset.done $0x0  }
0x8e: {  	[sflag:s0] =	ssyncadd.s32 $0xFFFFFFA0  }
0x8f: {  	[tilespmem:s26], [sflag:$0x3] =	stream.indirect.gather [hbm4b:s4+s3], $0x80, s2, s3, $0xb8;
	[tilespmem:$0x19E00] =	vst v63  }
0x90: {  	_ =	swait.ge [sflag:s11], $0x3000  }
0x91: {  	[sflag:s11] =	ssyncset.done $0x0  }
0x92: {  	[sflag:s11] =	ssyncadd.s32 $0xFFFFD000  }
0x93: {  	[spmem:s1] =	stream.indirect.scatter.add.f32 [tilespmem:s9], [sflag:$0x5], $0x80, s31, s3, $0xb8;
	[tilespmem:$0x19E00] =	vst v63  }
.Ltmp1:
0x94: {  	_ =	swait.ge [sflag:s28], $0x3000;
	(pc) =	sbr.rel @p1 .LBB2_4-.Ltmp1, $4  }
0x95: {  	[sflag:s28] =	ssyncset.done $0x0  }
0x96: {  	s16 =	sadd.s32 s15, s21;
	[sflag:s28] =	ssyncadd.s32 $0xFFFFD000  }
0x97: {  	[tilespmem:s30], [sflag:$0x2] =	stream.linear.gather [hbm4b:s16+s2], $0x60, $0x38;
	[tilespmem:$0x19E00] =	vst v63  }
0x98: {  	s14 =	sadd.s32 $0xC0, s14;
	s15 =	sadd.s32 s15, s20  }
0x99: {  	[tilespmem:s31], [sflag:$0x2] =	stream.linear.gather [hbm4b:s15+s2], $0x60, $0x38;
	[tilespmem:$0x19E00] =	vst v63  }
0x9a: {  	_ =	swait.ge [sflag:s8], $0x60  }
0x9b: {  	[sflag:s8] =	ssyncset.done $0x0  }
0x9c: {  	[sflag:s8] =	ssyncadd.s32 $0xFFFFFFA0  }
0x9d: {  	_ =	swait.ge [sflag:s8], $0x60  }
0x9e: {  	[sflag:s8] =	ssyncset.done $0x0  }
0x9f: {  	[sflag:s8] =	ssyncadd.s32 $0xFFFFFFA0  }
0xa0: {  	[tilespmem:s9], [sflag:$0x4] =	stream.indirect.gather [hbm4b:s4+s3], $0x80, s30, s3, $0xb8;
	[tilespmem:$0x19E00] =	vst v63  }
0xa1: {  	_ =	swait.ge [sflag:s10], $0x3000  }
0xa2: {  	[sflag:s10] =	ssyncset.done $0x0  }
0xa3: {  	[sflag:s10] =	ssyncadd.s32 $0xFFFFD000  }
0xa4: {  	[spmem:s1] =	stream.indirect.scatter.add.f32 [tilespmem:s26], [sflag:$0x5], $0x80, s29, s3, $0xb8;
	[tilespmem:$0x19E00] =	vst v63  }
0xa5: {  	_ =	swait.ge [sflag:s28], $0x3000  }
0xa6: {  	[sflag:s28] =	ssyncset.done $0x0  }
0xa7: {  	[sflag:s28] =	ssyncadd.s32 $0xFFFFD000  }
0xa8: {  	_ =	swait.ge [sflag:s11], $0x3000  }
0xa9: {  	[sflag:s11] =	ssyncset.done $0x0  }
0xaa: {  	[sflag:s11] =	ssyncadd.s32 $0xFFFFD000  }
0xab: {  	[spmem:s1] =	stream.indirect.scatter.add.f32 [tilespmem:s9], [sflag:$0x5], $0x80, s31, s3, $0xb8;
	[tilespmem:$0x19E00] =	vst v63  }
0xac: {  	_ =	swait.ge [sflag:s28], $0x3000  }
0xad: {  	[sflag:s28] =	ssyncset.done $0x0  }
0xae: {  	[sflag:s28] =	ssyncadd.s32 $0xFFFFD000  }
0xaf: {  	[bflag:$0x0] =	sbarrier.arrive $0xFFFF  }
0xb0: {  	_ =	sdelay $0x7ff  }
0xb1: {  	s13 =	stileid.u32;
	_ =	sdelay $0x7ff  }
0xb2: {  	s13 =	sshll.u32 s13, $0x6;
	_ =	sdelay $0x5ad  }
0xb3: {  	s13 =	sor.u32 $0x1C05, s13;
	[bflag:$0x0] =	sbarrier.arrive $0xFFFF  }
0xb4: {  	[hbm:s23], [sflag:s13] =	dma.local [spmem:s24], $0x2700  }
0xb5: {  	_ =	swait.ge [sflag:s28], $0x2700  }
0xb6: {  	s12 =	sadd.s32 $0x1, s12;
	[sflag:s28] =	ssyncset.done $0x0  }
0xb7: {  	s14 =	sadd.s32 @!p0 $0x27000, s18;
	p1 =	sne.s32 s12, s19;
	[sflag:s28] =	ssyncadd.s32 $0xFFFFD900  }
0xb8: {  	[hbm:s14], [sflag:s13] =	dma.local @!p0 [spmem:s25], $0x100  }
.Ltmp2:
0xb9: {  	_ = 	snop;
	(pc) =	sbr.rel @p1 .LBB2_1-.Ltmp2, $4  }
0xba: {  	s13 =	simm.s32 @!p0 $0x5  }
0xbb: {  	_ =	swait.ge @!p0 [sflag:s13], $0x100  }
0xbc: {  	[sflag:s13] =	ssyncset.done @!p0 $0x0  }
0xbd: {  	[sflag:s13] =	ssyncadd.s32 @!p0 $0xFFFFFF00  }
0xbe: {  	_ =	sfence.sel $0x180000  }
0xbf: {  	[bflag:$0x0] =	sbarrier.arrive $0xFFFF  }
0xc0: {  	_ =	strace $0x9000004D  }
0xc1: {  	[bflag:$0x2] =	sbarrier.arrive $0xFFFF  }
0xc2: {  	s0 =	rddreg [dreg:$0x2]  }
0xc3: {  	s0 =	sadd.s32 @!p0 $0x100000, s0  }
0xc4: {  	[sflag:s0] =	ssyncadd.tile.s32 @!p0 $0x1;
	_ =	shalt  }
.Lfunc_end2:
_tile_overlayer_lowered:
.L_overlay_start_2:
0xc5: {  	(tag) =	ssettag $0x2  }
0xc6: {  	s0 =	rddreg [dreg:$0x0];
	s2 =	stileid.u32  }
0xc7: {  	s1 =	rddreg [dreg:$0x1];
	p0 =	sne.s32 s2, $0x0  }
0xc8: {  	s3 =	rddreg [dreg:$0x2];
	[bflag:$0x3] =	sbarrier.arrive $0xFFFF;
	s2 =	simm.s32 @!p0 $0x1C05  }
0xc9: {  	[timem:s3], [sflag:s2] =	dma.local @!p0 [hbm:s0], s1  }
0xca: {  	s0 =	simm.s32 @!p0 $0x5  }
0xcb: {  	_ =	swait.ge @!p0 [sflag:s0], s1  }
0xcc: {  	s1 =	ssub.s32 @!p0 $0x0, s1;
	[sflag:s0] =	ssyncset.done @!p0 $0x0  }
0xcd: {  	[sflag:s0] =	ssyncadd.s32 @!p0 s1  }
0xce: {  	[bflag:$0x3] =	sbarrier.arrive $0xFFFF  }
0xcf: {  	_ =	shalt  }

// kernel: sc_deg.3.cloned.1.call-start
scs
__scs_entry_jumppad:
0x0: {  	(pc) =	sbr.rel $0x88, $3  }
0x1: {  	(tag) =	ssettag $0x0;
	lr =	simm.s32 $0x1  }
0x2: {  	[smem:$0x3F96] =	sst lr;
	_ =	strace $0xD0000000  }
0x3: {  	_ = 	snop  }
0x4: {  	_ = 	snop  }
0x5: {  	_ = 	snop  }
0x6: {  	_ = 	snop  }
0x7: {  	_ = 	snop  }
__scs_overlays_trampoline_lowered:
0x8: {  	[smem:$0x3FA5] =	sst s0  }
0x9: {  	[smem:$0x3FA6] =	sst s1  }
0xa: {  	[smem:$0x3FA7] =	sst s2  }
0xb: {  	[smem:$0x3FA8] =	sst s3  }
0xc: {  	[smem:$0x3FA9] =	sst s4  }
0xd: {  	[smem:$0x3FAA] =	sst s5  }
0xe: {  	[smem:$0x3FAB] =	sst s6  }
0xf: {  	[smem:$0x3FAC] =	sst s7  }
0x10: {  	[smem:$0x3FAD] =	sst s8  }
0x11: {  	[smem:$0x3FAE] =	sst s9;
	s0 =	simm.s32 @!p0 $0x0  }
0x12: {  	s1 =	sld [smem:$0x3F94];
	s0 =	simm.s32 @p0 $0x1  }
0x13: {  	[smem:$0x3FAF] =	sst s0;
	s0 =	simm.s32 @!p1 $0x0  }
0x14: {  	s2 =	sld [smem:$0x3F93];
	s0 =	simm.s32 @p1 $0x1  }
0x15: {  	[smem:$0x3FB0] =	sst s0;
	s0 =	simm.s32 @!p2 $0x0  }
0x16: {  	s3 =	sld [smem:$0x3FDB];
	s0 =	simm.s32 @p2 $0x1  }
0x17: {  	s4 =	simm.s32 $0x1BF5;
	[smem:$0x3FB2] =	sst s0  }
0x18: {  	s0 =	sld [smem:$0x3F95];
	_ =	swait.ge [sflag:s4], $0x0  }
0x19: {  	s7 =	sld [smem:$0x3F96]  }
0x1a: {  	s8 =	sadd.s32 $0xFFFFE003, lr  }
0x1b: {  	s9 =	sadd.s32 $0xFFFFFEF7, lr;
	s5 =	simm.s32 $0xFFFFFFFF;
	p2 =	slt.u32 s8, $0xFFFFF086  }
0x1c: {  	p1 =	slt.u32 s9, $0xF7A;
	s5 =	simm.s32 @!p2 $0x0  }
0x1d: {  	s5 =	simm.s32 @p1 $0x1;
	p0 =	seq.s32 s7, s2  }
0x1e: {  	s7 =	smul.u32 @!p0 $0xF7A, s2;
	p2 =	seq.s32 @!p0 s5, $0x0  }
0x1f: {  	s9 =	smul.u32 $0xF7A, s1;
	s8 =	simm.s32 @!p0 $0x1BF5;
	p2 =	por !p2, p0  }
0x20: {  	[sflag:s8] =	ssyncset.s32 @!p0 $0xFFFFF086;
	s6 =	sadd.s32 @!p0 s3, s7;
	s7 =	simm.s32 @!p0 $0x108  }
0x21: {  	s3 =	sadd.s32 s3, s9;
	s6 =	sadd.s32 @!p0 $0x88, s6;
	s7 =	simm.s32 @p2 $0x1082  }
0x22: {  	[simem:s7], [sflag:s8] =	dma.local @!p0 [hbm:s6], $0xF7A  }
0x23: {  	s9 =	sor.u32 $0xD0000000, s2;
	s6 =	simm.s32 $0x108;
	_ =	swait.ge @!p0 [sflag:s8], $0x0  }
0x24: {  	s3 =	sadd.s32 $0x88, s3;
	s6 =	simm.s32 @!p1 $0x1082;
	[sflag:s4] =	ssyncset.s32 $0xFFFFF086  }
0x25: {  	[simem:s6], [sflag:s4] =	dma.local [hbm:s3], $0xF7A  }
0x26: {  	[smem:$0x3F96] =	sst s1;
	(tag) =	ssettag s2;
	_ =	strace s9  }
0x27: {  	s1 =	sld [smem:$0x3FA6]  }
0x28: {  	s2 =	sld [smem:$0x3FA7]  }
0x29: {  	s4 =	sld [smem:$0x3FA9]  }
0x2a: {  	p0 =	seq.s32 s5, $0x0;
	s5 =	sld [smem:$0x3FAA]  }
0x2b: {  	s6 =	sld [smem:$0x3FAB]  }
0x2c: {  	s7 =	sld [smem:$0x3FAC]  }
0x2d: {  	s3 =	simm.s32 $0x108;
	s8 =	sld [smem:$0x3FAD]  }
0x2e: {  	s3 =	simm.s32 @!p0 $0x1082;
	s9 =	sld [smem:$0x3FAE]  }
0x2f: {  	lr =	sadd.s32 s0, s3;
	s0 =	sld [smem:$0x3FA5]  }
0x30: {  	s3 =	sld [smem:$0x3FA8]  }
0x31: {  	[smem:$0x3FB1] =	sst s10  }
0x32: {  	s10 =	sld [smem:$0x3FAF];
	_ =	sdelay $0x3  }
0x33: {  	p0 =	seq.s32 s10, $0x1;
	s10 =	sld [smem:$0x3FB1];
	_ =	sdelay $0x3  }
0x34: {  	[smem:$0x3FB1] =	sst s10  }
0x35: {  	s10 =	sld [smem:$0x3FB0];
	_ =	sdelay $0x3  }
0x36: {  	p1 =	seq.s32 s10, $0x1;
	s10 =	sld [smem:$0x3FB1];
	_ =	sdelay $0x3  }
0x37: {  	[smem:$0x3FB1] =	sst s10  }
0x38: {  	s10 =	sld [smem:$0x3FB2]  }
0x39: {  	_ = 	snop;
	(pc) =	sbr.ind lr, $3  }
0x3a: {  	_ = 	snop  }
0x3b: {  	_ = 	snop  }
0x3c: {  	p2 =	seq.s32 s10, $0x1;
	s10 =	sld [smem:$0x3FB1]  }
0x3d: {  	_ =	shalt  }
0x3e: {  	_ =	shalt  }
0x3f: {  	_ =	shalt  }
0x40: {  	_ =	shalt  }
0x41: {  	_ =	shalt  }
0x42: {  	_ =	shalt  }
0x43: {  	_ =	shalt  }
0x44: {  	_ =	shalt  }
0x45: {  	_ =	shalt  }
0x46: {  	_ =	shalt  }
0x47: {  	_ =	shalt  }
0x48: {  	_ =	shalt  }
0x49: {  	_ =	shalt  }
0x4a: {  	_ =	shalt  }
0x4b: {  	_ =	shalt  }
0x4c: {  	_ =	shalt  }
0x4d: {  	_ =	shalt  }
0x4e: {  	_ =	shalt  }
0x4f: {  	_ =	shalt  }
0x50: {  	_ =	shalt  }
0x51: {  	_ =	shalt  }
0x52: {  	_ =	shalt  }
0x53: {  	_ =	shalt  }
0x54: {  	_ =	shalt  }
0x55: {  	_ =	shalt  }
0x56: {  	_ =	shalt  }
0x57: {  	_ =	shalt  }
0x58: {  	_ =	shalt  }
0x59: {  	_ =	shalt  }
0x5a: {  	_ =	shalt  }
0x5b: {  	_ =	shalt  }
0x5c: {  	_ =	shalt  }
0x5d: {  	_ =	shalt  }
0x5e: {  	_ =	shalt  }
0x5f: {  	_ =	shalt  }
0x60: {  	_ =	shalt  }
0x61: {  	_ =	shalt  }
0x62: {  	_ =	shalt  }
0x63: {  	_ =	shalt  }
0x64: {  	_ =	shalt  }
0x65: {  	_ =	shalt  }
0x66: {  	_ =	shalt  }
0x67: {  	_ =	shalt  }
0x68: {  	_ =	shalt  }
0x69: {  	_ =	shalt  }
0x6a: {  	_ =	shalt  }
0x6b: {  	_ =	shalt  }
0x6c: {  	_ =	shalt  }
0x6d: {  	_ =	shalt  }
0x6e: {  	_ =	shalt  }
0x6f: {  	_ =	shalt  }
0x70: {  	_ =	shalt  }
0x71: {  	_ =	shalt  }
0x72: {  	_ =	shalt  }
0x73: {  	_ =	shalt  }
0x74: {  	_ =	shalt  }
0x75: {  	_ =	shalt  }
0x76: {  	_ =	shalt  }
0x77: {  	_ =	shalt  }
0x78: {  	_ =	shalt  }
0x79: {  	_ =	shalt  }
0x7a: {  	_ =	shalt  }
0x7b: {  	_ =	shalt  }
0x7c: {  	_ =	shalt  }
0x7d: {  	_ =	shalt  }
0x7e: {  	_ =	shalt  }
0x7f: {  	_ =	shalt  }
0x80: {  	_ =	shalt  }
0x81: {  	_ =	shalt  }
0x82: {  	_ =	shalt  }
0x83: {  	_ =	shalt  }
0x84: {  	_ =	shalt  }
0x85: {  	_ =	shalt  }
0x86: {  	_ =	shalt  }
0x87: {  	_ =	shalt  }
.Lfunc_end0:
.L_simem_size_0:
called_computation_lowered:
.L_overlay_start_0:
0x88: {  	s2 =	sld [smem:$0x3FD9]  }
0x89: {  	s3 =	sld [smem:$0x3FFE];
	_ =	sdelay $0x1  }
0x8a: {  	s1 =	srdreg.scid  }
0x8b: {  	s0 =	sand.u32 $0x1, s1  }
0x8c: {  	s16 =	sshll.u32 s0, $0xA;
	s2 =	sadd.s32 s3, s2  }
0x8d: {  	s2 =	sadd.s32 s2, s16  }
0x8e: {  	[smem:$0x3FBD] =	sst s2  }
0x8f: {  	_ = 	snop  }
0x90: {  	(tm) =	ssettm $0x1  }
0x91: {  	s17 =	sld [smem:$0x3FFB];
	_ =	sdelay $0x3  }
0x92: {  	_ =	strace s17  }
0x93: {  	s2 =	sld [smem:$0x3FFC];
	_ =	sdelay $0x3  }
0x94: {  	_ =	strace s2  }
0x95: {  	s2 =	sld [smem:$0x3FFD];
	_ =	sdelay $0x3  }
0x96: {  	_ =	strace s2  }
0x97: {  	_ =	strace $0x8FFFFFFF  }
0x98: {  	s18 =	sld [smem:$0x3FDB];
	_ =	sdelay $0x1  }
0x99: {  	s19 =	simm.s32 $_scs_section_size  }
0x9a: {  	s4 =	simm.s32 $_size__tile_overlayer_lowered;
	s5 =	simm.s32 $_tile_overlayer_lowered  }
0x9b: {  	s22 =	simm.s32 $0x1BFF;
	s21 =	sshll.u32 s5, $0x1;
	s2 =	sadd.s32 s19, s18  }
0x9c: {  	s6 =	simm.s32 $0x0;
	s20 =	sshll.u32 s4, $0x1;
	s4 =	sadd.s32 s21, s2  }
0x9d: {  	[timem:s6], [sflag:s22] =	dma.local [hbm:s4], s20  }
0x9e: {  	_ =	swait.ge [sflag:s22], s20  }
0x9f: {  	s3 =	ssub.s32 $0x0, s20;
	[sflag:s22] =	ssyncset.done $0x0  }
0xa0: {  	[sflag:s22] =	ssyncadd.s32 s3;
	_ =	sdelay $0x1  }
0xa1: {  	s23 =	simm.s32 $0x1B8B  }
0xa2: {  	_ =	swait.ge [sflag:s23], $0x1  }
0xa3: {  	[sflag:s23] =	ssyncset.done $0x0  }
0xa4: {  	s25 =	simm.s32 $0x1B8E;
	s24 =	sld [smem:$0x3FFE];
	[sflag:s23] =	ssyncadd.s32 $0xFFFFFFFF  }
0xa5: {  	s26 =	simm.s32 $execute0_lowered;
	[smem:$0x3FD2] =	sst s25  }
0xa6: {  	s4 =	sshll.u32 s26, $0x1;
	_ =	strace $0x80000046;
	[dreg:$0x1] =	wrdreg $0xFFFFFFFF  }
0xa7: {  	s28 =	simm.s32 $_size_execute0_lowered;
	s2 =	sadd.s32 s2, s4;
	[dreg:$0x0] =	wrdreg $0x0  }
0xa8: {  	s4 =	sshll.u32 s28, $0x1;
	[dreg:$0x2] =	wrdreg s2  }
0xa9: {  	[dreg:$0x3] =	wrdreg s4  }
0xaa: {  	[dreg:$0x4] =	wrdreg $0xC0  }
0xab: {  	_ =	task [dreg:s6], $0x5FFFF  }
0xac: {  	[dreg:$0x1] =	wrdreg $0xFFFFFFFF  }
0xad: {  	[dreg:$0x0] =	wrdreg $0x60  }
0xae: {  	[dreg:$0x2] =	wrdreg s24  }
0xaf: {  	[dreg:$0x3] =	wrdreg $0x62000  }
0xb0: {  	[dreg:$0x4] =	wrdreg $0x9  }
0xb1: {  	_ =	task.clear_ibuf [dreg:s6], $0x5FFFF;
	_ =	strace $0x90000046  }
0xb2: {  	s29 =	simm.s32 $0x9;
	_ =	strace $0x80000048  }
0xb3: {  	_ =	swait.ge [sflag:s29], $0x1  }
0xb4: {  	[sflag:s29] =	ssyncadd.s32 $0xFFFFFFFF  }
0xb5: {  	_ =	strace $0x90000048  }
0xb6: {  	_ =	sfence  }
0xb7: {  	s30 =	sld [smem:$0x0];
	_ =	sdelay $0x2  }
0xb8: {  	s31 =	sshll.u32 s1, $0xD;
	s1 =	sshrl.u32 s1, $0x2  }
0xb9: {  	s3 =	sand.u32 $0x4000, s31;
	s1 =	sadd.s32 s1, s30  }
0xba: {  	s0 =	sor.u32 s3, s0;
	s1 =	sshll.u32 s1, $0x11  }
0xbb: {  	s0 =	sor.u32 s1, s0  }
0xbc: {  	s0 =	sadd.s32 $0x8F2B, s0  }
0xbd: {  	[sflag:s0] =	ssyncadd.remote.s32 $0x1  }
0xbe: {  	_ =	sfence.sel $0xFFFF  }
0xbf: {  	[dreg:$0x0] =	wrdreg $0xFFFFFFFF;
	(pc) =	sbr.abs _section_cstart, $3  }
0xc0: {  	[dreg:$0x1] =	wrdreg $0xFFFFFFFF  }
0xc1: {  	_ =	task.clear_ibuf [dreg:s6], $0x2FFFF;
	_ =	strace $0x9FFFFFFF  }
0xc2: {  	(tm) =	ssettm $0x7FFFFFFF  }
0xc3: {  	_ =	shalt  }
tec
execute0_lowered:
.L_overlay_start_1:
0x0: {  	(tag) =	ssettag $0x1  }
0x1: {  	s0 =	rddreg [dreg:$0x0]  }
0x2: {  	s1 =	rddreg [dreg:$0x1];
	s2 =	simm.s32 $0x0  }
0x3: {  	s3 =	srdreg.scid;
	s12 =	stileid.u32;
	s28 =	simm.s32 $0x100  }
0x4: {  	s29 =	simm.s32 $0x80;
	s30 =	simm.s32 $0x180;
	s7 =	smul.u32 $0x4F000, s12  }
0x5: {  	s31 =	simm.s32 $0x1;
	[smem:$0x7FF] =	sst s2;
	s20 =	smul.u32 $0x4E000, s12  }
0x6: {  	s3 =	sand.u32 $0x1, s3;
	s4 =	sadd.s32 $0x2E00, s0;
	s11 =	smul.u32 $0x27C0, s12  }
0x7: {  	s5 =	sadd.s32 $0xCE00, s0;
	s26 =	smul.u32 $0x2700, s12;
	p0 =	sne.s32 s12, $0x0  }
0x8: {  	s6 =	smul.u32 $0x27100, s3;
	_ =	strace $0x80000047;
	s14 =	ssub.s32 $0x2, s3  }
0x9: {  	s9 =	sshll.u32 s3, $0x4;
	s3 =	smul.u32 $0x27C00, s3;
	s7 =	sshrl.u32 s7, $0x2  }
0xa: {  	s8 =	sshrl.u32 s14, $0x1;
	s0 =	sadd.s32 s6, s0;
	s6 =	sadd.s32 s7, s1  }
0xb: {  	s9 =	sor.u32 s12, s9;
	s23 =	sshrl.u32 s20, $0x2;
	s16 =	sadd.s32 $0x3000, s6  }
0xc: {  	s8 =	ssub.s32 s14, s8;
	s17 =	sadd.s32 $0x6000, s6;
	[dreg:$0x3] =	wrdreg s16  }
0xd: {  	s15 =	smul.u32 $0x27C0, s9;
	s18 =	sadd.s32 $0x9000, s6;
	[dreg:$0x4] =	wrdreg s17  }
0xe: {  	s3 =	sadd.s32 s11, s3;
	s19 =	sadd.s32 $0xC000, s6;
	[dreg:$0x5] =	wrdreg s18  }
0xf: {  	s24 =	sadd.s32 s23, s1;
	s10 =	sadd.s32 $0xF000, s6;
	[dreg:$0x6] =	wrdreg s19  }
0x10: {  	s21 =	sadd.s32 $0x12000, s6;
	s25 =	sadd.s32 $0x120, s3;
	[dreg:$0x7] =	wrdreg s10  }
0x11: {  	s24 =	sshrl.u32 s24, $0x3;
	s7 =	sshrl.u32 s15, $0x3;
	[dreg:$0x8] =	wrdreg s21  }
0x12: {  	s17 =	sadd.s32 $0x16E00, s0;
	s10 =	sadd.s32 $0x138000, s1;
	s18 =	smax.u32 s8, $0x1  }
0x13: {  	s21 =	sadd.s32 $0xC0, s3;
	s0 =	simm.s32 $0x2;
	s3 =	simm.s32 $0x60  }
0x14: {  	s8 =	simm.s32 $0x0;
	s22 =	sadd.s32 $0xC, s7;
	s13 =	sadd.s32 s4, s7  }
0x15: {  	s14 =	sadd.s32 s5, s7;
	s7 =	sshrl.u32 s25, $0x3;
	s23 =	sadd.s32 s26, s17  }
0x16: {  	s25 =	sshrl.u32 @!p0 s10, $0x3;
	s26 =	simm.s32 $0x3;
	[dreg:$0x9] =	wrdreg s13  }
0x17: {  	s15 =	sadd.s32 s4, s22;
	s16 =	sadd.s32 s5, s22;
	s19 =	sadd.s32 s7, s5  }
0x18: {  	v0 =	vimm.f32 $0.0e+00;
	v1 =	vimm.f32 $1.000000000e+00;
	s20 =	sadd.s32 s7, s4;
	s22 =	simm.s32 $0x200;
	s7 =	simm.s32 $0x3200  }
.LBB2_1:
0x19: {  	s9 =	sand.u32 $0xFE00, s2  }
0x1a: {  	s10 =	sand.u32 $0x70, s2;
	s11 =	sshrl.u32 s9, $0x2  }
0x1b: {  	s9 =	simm.s32 $0x40;
	s11 =	sor.u32 s10, s11;
	s10 =	simm.s32 $0x0  }
.LBB2_2:
0x1c: {  	p1 =	sne.s32 s9, $0xBFC0  }
0x1d: {  	[tilespmem:s11+$0x200] =	vst v0;
	s10 =	sadd.s32 $0x10, s10;
	s11 =	smov.u32 s9;
	s9 =	sadd.s32 $0x40, s9  }
.Ltmp0:
0x1e: {  	(pc) =	sbr.rel @p1 .LBB2_2-.Ltmp0, $4  }
0x1f: {  	_ = 	snop  }
0x20: {  	s11 =	sand.u32 $0xFE00, s11  }
0x21: {  	s12 =	sand.u32 $0x70, s10;
	s11 =	sshrl.u32 s11, $0x2  }
0x22: {  	s11 =	sor.u32 s12, s11  }
0x23: {  	[tilespmem:s11+$0x200] =	vst v0  }
0x24: {  	[spmem:s6] =	stream.linear.scatter [tilespmem:s22], [sflag:$0x3], $0x3000, $0x38;
	[tilespmem:$0x19E00] =	vst v63  }
0x25: {  	_ =	swait.ge [sflag:s26], $0x3000  }
0x26: {  	[sflag:s26] =	ssyncset.done $0x0  }
0x27: {  	s9 =	rddreg [dreg:$0x3];
	[sflag:s26] =	ssyncadd.s32 $0xFFFFD000  }
0x28: {  	[spmem:s9] =	stream.linear.scatter [tilespmem:s22], [sflag:$0x3], $0x3000, $0x38;
	[tilespmem:$0x19E00] =	vst v63  }
0x29: {  	_ =	swait.ge [sflag:s26], $0x3000  }
0x2a: {  	[sflag:s26] =	ssyncset.done $0x0  }
0x2b: {  	s13 =	rddreg [dreg:$0x4];
	[sflag:s26] =	ssyncadd.s32 $0xFFFFD000  }
0x2c: {  	[spmem:s13] =	stream.linear.scatter [tilespmem:s22], [sflag:$0x3], $0x3000, $0x38;
	[tilespmem:$0x19E00] =	vst v63  }
0x2d: {  	_ =	swait.ge [sflag:s26], $0x3000  }
0x2e: {  	[sflag:s26] =	ssyncset.done $0x0  }
0x2f: {  	s10 =	rddreg [dreg:$0x5];
	[sflag:s26] =	ssyncadd.s32 $0xFFFFD000  }
0x30: {  	[spmem:s10] =	stream.linear.scatter [tilespmem:s22], [sflag:$0x3], $0x3000, $0x38;
	[tilespmem:$0x19E00] =	vst v63  }
0x31: {  	_ =	swait.ge [sflag:s26], $0x3000  }
0x32: {  	[sflag:s26] =	ssyncset.done $0x0  }
0x33: {  	s11 =	rddreg [dreg:$0x6];
	[sflag:s26] =	ssyncadd.s32 $0xFFFFD000  }
0x34: {  	[spmem:s11] =	stream.linear.scatter [tilespmem:s22], [sflag:$0x3], $0x3000, $0x38;
	[tilespmem:$0x19E00] =	vst v63  }
0x35: {  	_ =	swait.ge [sflag:s26], $0x3000  }
0x36: {  	[sflag:s26] =	ssyncset.done $0x0  }
0x37: {  	s12 =	rddreg [dreg:$0x7];
	[sflag:s26] =	ssyncadd.s32 $0xFFFFD000  }
0x38: {  	[spmem:s12] =	stream.linear.scatter [tilespmem:s22], [sflag:$0x3], $0x3000, $0x38;
	[tilespmem:$0x19E00] =	vst v63  }
0x39: {  	_ =	swait.ge [sflag:s26], $0x3000  }
0x3a: {  	[sflag:s26] =	ssyncset.done $0x0  }
0x3b: {  	s13 =	rddreg [dreg:$0x8];
	[sflag:s26] =	ssyncadd.s32 $0xFFFFD000  }
0x3c: {  	[spmem:s13] =	stream.linear.scatter [tilespmem:s22], [sflag:$0x3], $0x1C00, $0x38;
	[tilespmem:$0x19E00] =	vst v63  }
0x3d: {  	_ =	swait.ge [sflag:s26], $0x1C00  }
0x3e: {  	[sflag:s26] =	ssyncset.done $0x0  }
0x3f: {  	s9 =	simm.s32 $0x40;
	s10 =	simm.s32 $0x0;
	[sflag:s26] =	ssyncadd.s32 $0xFFFFE400  }
.LBB2_4:
0x40: {  	p1 =	sne.s32 s9, $0xBFC0;
	[tilespmem:s10+$0x200] =	vst v1;
	s11 =	smov.u32 s9;
	s9 =	sadd.s32 $0x40, s9  }
.Ltmp1:
0x41: {  	[tilespmem:s10+$0x3200] =	vst v1;
	(pc) =	sbr.rel @p1 .LBB2_4-.Ltmp1, $2  }
0x42: {  	_ =	sdelay $0x2  }
0x43: {  	s10 =	sshra.s32 s11, $0x2  }
0x44: {  	[tilespmem:s10+$0x200] =	vst v1  }
0x45: {  	[tilespmem:s10+$0x3200] =	vst v1  }
0x46: {  	[bflag:$0x0] =	sbarrier.arrive $0xFFFF  }
0x47: {  	_ =	sdelay $0x7ff  }
0x48: {  	_ =	sdelay $0x7ff  }
0x49: {  	_ =	sdelay $0x5ad  }
0x4a: {  	[bflag:$0x0] =	sbarrier.arrive $0xFFFF  }
0x4b: {  	s9 =	simm.s32 $0x0;
	s13 =	rddreg [dreg:$0x9]  }
0x4c: {  	[tilespmem:s9], [sflag:$0x1] =	stream.linear.gather [hbm4b:s13+s9], $0x60, $0x38;
	[tilespmem:$0x19E00] =	vst v63  }
0x4d: {  	_ = 	snop  }
0x4e: {  	[tilespmem:s28], [sflag:$0x1] =	stream.linear.gather [hbm4b:s14+s9], $0x60, $0x38;
	[tilespmem:$0x19E00] =	vst v63  }
0x4f: {  	_ = 	snop  }
0x50: {  	[tilespmem:s29], [sflag:$0x2] =	stream.linear.gather [hbm4b:s15+s9], $0x60, $0x38;
	[tilespmem:$0x19E00] =	vst v63  }
0x51: {  	_ = 	snop  }
0x52: {  	[tilespmem:s30], [sflag:$0x2] =	stream.linear.gather [hbm4b:s16+s9], $0x60, $0x38;
	[tilespmem:$0x19E00] =	vst v63  }
0x53: {  	_ =	swait.ge [sflag:s31], $0x60  }
0x54: {  	[sflag:s31] =	ssyncset.done $0x0  }
0x55: {  	[sflag:s31] =	ssyncadd.s32 $0xFFFFFFA0  }
0x56: {  	_ =	swait.ge [sflag:s31], $0x60  }
0x57: {  	[sflag:s31] =	ssyncset.done $0x0  }
0x58: {  	[sflag:s31] =	ssyncadd.s32 $0xFFFFFFA0  }
0x59: {  	_ =	swait.ge [sflag:s0], $0x60  }
0x5a: {  	[sflag:s0] =	ssyncset.done $0x0  }
0x5b: {  	[sflag:s0] =	ssyncadd.s32 $0xFFFFFFA0  }
0x5c: {  	_ =	swait.ge [sflag:s0], $0x60  }
0x5d: {  	[sflag:s0] =	ssyncset.done $0x0  }
0x5e: {  	[sflag:s0] =	ssyncadd.s32 $0xFFFFFFA0  }
0x5f: {  	[spmem:s1] =	stream.indirect.scatter.add.f32 [tilespmem:s22], [sflag:$0x3], $0x80, s28, s3, $0xb8;
	[tilespmem:$0x19E00] =	vst v63  }
0x60: {  	_ =	swait.ge [sflag:s26], $0x3000  }
0x61: {  	s11 =	sshrl.u32 s21, $0x3;
	[sflag:s26] =	ssyncset.done $0x0  }
0x62: {  	s12 =	sadd.s32 s4, s11;
	[sflag:s26] =	ssyncadd.s32 $0xFFFFD000  }
0x63: {  	[tilespmem:s2], [sflag:$0x1] =	stream.linear.gather [hbm4b:s12+s2], $0x60, $0x38;
	[tilespmem:$0x19E00] =	vst v63  }
0x64: {  	s9 =	sadd.s32 s5, s11  }
0x65: {  	[tilespmem:s28], [sflag:$0x1] =	stream.linear.gather [hbm4b:s9+s2], $0x60, $0x38;
	[tilespmem:$0x19E00] =	vst v63  }
0x66: {  	_ =	swait.ge [sflag:s31], $0x60  }
0x67: {  	[sflag:s31] =	ssyncset.done $0x0  }
0x68: {  	[sflag:s31] =	ssyncadd.s32 $0xFFFFFFA0  }
0x69: {  	_ =	swait.ge [sflag:s31], $0x60  }
0x6a: {  	[sflag:s31] =	ssyncset.done $0x0  }
0x6b: {  	[sflag:s31] =	ssyncadd.s32 $0xFFFFFFA0  }
0x6c: {  	[spmem:s1] =	stream.indirect.scatter.add.f32 [tilespmem:s7], [sflag:$0x3], $0x80, s30, s3, $0xb8;
	[tilespmem:$0x19E00] =	vst v63  }
0x6d: {  	_ =	swait.ge [sflag:s26], $0x3000  }
0x6e: {  	s10 =	sadd.s32 $0xC0, s21;
	s13 =	sadd.s32 $0x0, s20;
	[sflag:s26] =	ssyncset.done $0x0  }
0x6f: {  	s11 =	sadd.s32 $0x0, s19;
	s9 =	simm.s32 $0x18;
	[sflag:s26] =	ssyncadd.s32 $0xFFFFD000  }
0x70: {  	[tilespmem:s29], [sflag:$0x2] =	stream.linear.gather [hbm4b:s13+s2], $0x60, $0x38;
	[tilespmem:$0x19E00] =	vst v63  }
.LBB2_6:
0x71: {  	[tilespmem:s30], [sflag:$0x2] =	stream.linear.gather [hbm4b:s11+s2], $0x60, $0x38;
	[tilespmem:$0x19E00] =	vst v63  }
0x72: {  	s11 =	smov.u32 s9  }
0x73: {  	p1 =	sne.s32 s9, $0x4C8;
	s9 =	sadd.s32 $0x18, s9;
	_ =	swait.ge [sflag:s0], $0x60  }
0x74: {  	[sflag:s0] =	ssyncset.done $0x0  }
0x75: {  	[sflag:s0] =	ssyncadd.s32 $0xFFFFFFA0  }
0x76: {  	_ =	swait.ge [sflag:s0], $0x60  }
0x77: {  	[sflag:s0] =	ssyncset.done $0x0  }
0x78: {  	[sflag:s0] =	ssyncadd.s32 $0xFFFFFFA0  }
0x79: {  	[spmem:s1] =	stream.indirect.scatter.add.f32 [tilespmem:s22], [sflag:$0x3], $0x80, s28, s3, $0xb8;
	[tilespmem:$0x19E00] =	vst v63  }
0x7a: {  	_ =	swait.ge [sflag:s26], $0x3000  }
0x7b: {  	s12 =	sshrl.u32 s10, $0x3;
	[sflag:s26] =	ssyncset.done $0x0  }
0x7c: {  	s13 =	sadd.s32 s4, s12;
	[sflag:s26] =	ssyncadd.s32 $0xFFFFD000  }
0x7d: {  	[tilespmem:s2], [sflag:$0x1] =	stream.linear.gather [hbm4b:s13+s2], $0x60, $0x38;
	[tilespmem:$0x19E00] =	vst v63  }
0x7e: {  	s12 =	sadd.s32 s5, s12  }
0x7f: {  	[tilespmem:s28], [sflag:$0x1] =	stream.linear.gather [hbm4b:s12+s2], $0x60, $0x38;
	[tilespmem:$0x19E00] =	vst v63  }
0x80: {  	_ =	swait.ge [sflag:s31], $0x60  }
0x81: {  	[sflag:s31] =	ssyncset.done $0x0  }
0x82: {  	[sflag:s31] =	ssyncadd.s32 $0xFFFFFFA0  }
0x83: {  	_ =	swait.ge [sflag:s31], $0x60  }
0x84: {  	[sflag:s31] =	ssyncset.done $0x0  }
0x85: {  	[sflag:s31] =	ssyncadd.s32 $0xFFFFFFA0  }
0x86: {  	[spmem:s1] =	stream.indirect.scatter.add.f32 [tilespmem:s7], [sflag:$0x3], $0x80, s30, s3, $0xb8;
	[tilespmem:$0x19E00] =	vst v63  }
.Ltmp2:
0x87: {  	_ =	swait.ge [sflag:s26], $0x3000;
	(pc) =	sbr.rel @p1 .LBB2_6-.Ltmp2, $4  }
0x88: {  	[sflag:s26] =	ssyncset.done $0x0  }
0x89: {  	s12 =	sadd.s32 s11, s20;
	[sflag:s26] =	ssyncadd.s32 $0xFFFFD000  }
0x8a: {  	[tilespmem:s29], [sflag:$0x2] =	stream.linear.gather [hbm4b:s12+s2], $0x60, $0x38;
	[tilespmem:$0x19E00] =	vst v63  }
0x8b: {  	s10 =	sadd.s32 $0xC0, s10;
	s11 =	sadd.s32 s11, s19  }
0x8c: {  	[tilespmem:s30], [sflag:$0x2] =	stream.linear.gather [hbm4b:s11+s2], $0x60, $0x38;
	[tilespmem:$0x19E00] =	vst v63  }
0x8d: {  	_ =	swait.ge [sflag:s0], $0x60  }
0x8e: {  	[sflag:s0] =	ssyncset.done $0x0  }
0x8f: {  	[sflag:s0] =	ssyncadd.s32 $0xFFFFFFA0  }
0x90: {  	_ =	swait.ge [sflag:s0], $0x60  }
0x91: {  	[sflag:s0] =	ssyncset.done $0x0  }
0x92: {  	[sflag:s0] =	ssyncadd.s32 $0xFFFFFFA0  }
0x93: {  	[spmem:s1] =	stream.indirect.scatter.add.f32 [tilespmem:s22], [sflag:$0x3], $0x80, s28, s3, $0xb8;
	[tilespmem:$0x19E00] =	vst v63  }
0x94: {  	_ =	swait.ge [sflag:s26], $0x3000  }
0x95: {  	[sflag:s26] =	ssyncset.done $0x0  }
0x96: {  	[sflag:s26] =	ssyncadd.s32 $0xFFFFD000  }
0x97: {  	[spmem:s1] =	stream.indirect.scatter.add.f32 [tilespmem:s7], [sflag:$0x3], $0x80, s30, s3, $0xb8;
	[tilespmem:$0x19E00] =	vst v63  }
0x98: {  	_ =	swait.ge [sflag:s26], $0x3000  }
0x99: {  	[sflag:s26] =	ssyncset.done $0x0  }
0x9a: {  	[sflag:s26] =	ssyncadd.s32 $0xFFFFD000  }
0x9b: {  	[bflag:$0x0] =	sbarrier.arrive $0xFFFF  }
0x9c: {  	_ =	sdelay $0x7ff  }
0x9d: {  	s9 =	stileid.u32;
	_ =	sdelay $0x7ff  }
0x9e: {  	s9 =	sshll.u32 s9, $0x6;
	_ =	sdelay $0x5ad  }
0x9f: {  	s9 =	sor.u32 $0x1C03, s9;
	[bflag:$0x0] =	sbarrier.arrive $0xFFFF  }
0xa0: {  	[hbm:s23], [sflag:s9] =	dma.local [spmem:s24], $0x2700  }
0xa1: {  	_ =	swait.ge [sflag:s26], $0x2700  }
0xa2: {  	s8 =	sadd.s32 $0x1, s8;
	[sflag:s26] =	ssyncset.done $0x0  }
0xa3: {  	s10 =	sadd.s32 @!p0 $0x27000, s17;
	p1 =	sne.s32 s8, s18;
	[sflag:s26] =	ssyncadd.s32 $0xFFFFD900  }
0xa4: {  	[hbm:s10], [sflag:s9] =	dma.local @!p0 [spmem:s25], $0x100  }
.Ltmp3:
0xa5: {  	_ = 	snop;
	(pc) =	sbr.rel @p1 .LBB2_1-.Ltmp3, $4  }
0xa6: {  	s9 =	simm.s32 @!p0 $0x3  }
0xa7: {  	_ =	swait.ge @!p0 [sflag:s9], $0x100  }
0xa8: {  	[sflag:s9] =	ssyncset.done @!p0 $0x0  }
0xa9: {  	[sflag:s9] =	ssyncadd.s32 @!p0 $0xFFFFFF00  }
0xaa: {  	_ =	sfence.sel $0x180000  }
0xab: {  	[bflag:$0x0] =	sbarrier.arrive $0xFFFF  }
0xac: {  	_ =	strace $0x90000047  }
0xad: {  	[bflag:$0x2] =	sbarrier.arrive $0xFFFF  }
0xae: {  	s0 =	rddreg [dreg:$0x2]  }
0xaf: {  	s0 =	sadd.s32 @!p0 $0x100000, s0  }
0xb0: {  	[sflag:s0] =	ssyncadd.tile.s32 @!p0 $0x1;
	_ =	shalt  }
.Lfunc_end2:
_tile_overlayer_lowered:
.L_overlay_start_2:
0xb1: {  	(tag) =	ssettag $0x2  }
0xb2: {  	s0 =	rddreg [dreg:$0x0];
	s2 =	stileid.u32  }
0xb3: {  	s1 =	rddreg [dreg:$0x1];
	p0 =	sne.s32 s2, $0x0  }
0xb4: {  	s3 =	rddreg [dreg:$0x2];
	[bflag:$0x3] =	sbarrier.arrive $0xFFFF;
	s2 =	simm.s32 @!p0 $0x1C03  }
0xb5: {  	[timem:s3], [sflag:s2] =	dma.local @!p0 [hbm:s0], s1  }
0xb6: {  	s0 =	simm.s32 @!p0 $0x3  }
0xb7: {  	_ =	swait.ge @!p0 [sflag:s0], s1  }
0xb8: {  	s1 =	ssub.s32 @!p0 $0x0, s1;
	[sflag:s0] =	ssyncset.done @!p0 $0x0  }
0xb9: {  	[sflag:s0] =	ssyncadd.s32 @!p0 s1  }
0xba: {  	[bflag:$0x3] =	sbarrier.arrive $0xFFFF  }
0xbb: {  	_ =	shalt  }

</sc_bundles>
